<compile_context>
chip_gen: v7x
topology: tpu7x:2x2x1
jax: 0.10.2.dev20260603
libtpu: 0.0.44.dev20260713+nightly
codegen_flags: <defaults>
</compile_context>

<pallas_src>
import jax
import jax.numpy as jnp
from jax import lax
from jax.experimental import pallas as pl
from jax.experimental.pallas import tpu as pltpu
from jax.experimental.pallas import tpu_sc as plsc

NUM_FACTORS = 32
BATCH = 16384
NC, NS, L = 2, 16, 16
NW = NC * NS
B_PER_W = BATCH // NW
PANEL = 128
NBUF = 8
NCHUNK = B_PER_W // NBUF


def _body(utabT, itabT, u_idx, i_idx, w_hbm, b_hbm, out_hbm,
          ubuf, ibuf, wv, bv, outv, idxu, idxi, *sems):
    wid = lax.axis_index("s") * NC + lax.axis_index("c")
    base = wid * B_PER_W

    pltpu.sync_copy(u_idx.at[pl.ds(base, B_PER_W)], idxu)
    pltpu.sync_copy(i_idx.at[pl.ds(base, B_PER_W)], idxi)
    pltpu.sync_copy(w_hbm, wv)
    pltpu.sync_copy(b_hbm, bv)

    dlo = jnp.arange(L, dtype=jnp.int32)

    def extract(vec, k):
        return jnp.sum(jnp.where(dlo == k, vec, 0))

    def fetch(uvec, ivec, k, slot):
        u = extract(uvec, k)
        i = extract(ivec, k)
        cu = pl.multiple_of((u >> 7) * PANEL, PANEL)
        ci = pl.multiple_of((i >> 7) * PANEL, PANEL)
        pltpu.async_copy(utabT.at[:, pl.ds(cu, PANEL)], ubuf.at[slot], sems[slot])
        pltpu.async_copy(itabT.at[:, pl.ds(ci, PANEL)], ibuf.at[slot], sems[slot])

    w0 = wv[pl.ds(0, L)]
    w1 = wv[pl.ds(L, L)]
    bias = bv[...]

    uvec0 = idxu[pl.ds(0, L)]
    ivec0 = idxi[pl.ds(0, L)]
    for j in range(NBUF):
        fetch(uvec0, ivec0, j, j)

    def chunk(c, acc):
        vb = pl.multiple_of(((c * NBUF) >> 4) * L, L)
        uvec = idxu[pl.ds(vb, L)]
        ivec = idxi[pl.ds(vb, L)]
        vb_n = pl.multiple_of((((c + 1) * NBUF) >> 4) * L, L)
        uvec_n = idxu[pl.ds(vb_n, L)]
        ivec_n = idxi[pl.ds(vb_n, L)]
        half = (c * NBUF) & (L - 1)
        half_n = ((c + 1) * NBUF) & (L - 1)
        for j in range(NBUF):
            b = c * NBUF + j
            pltpu.make_async_copy(
                utabT.at[:, pl.ds(0, PANEL)], ubuf.at[j], sems[j]).wait()
            pltpu.make_async_copy(
                itabT.at[:, pl.ds(0, PANEL)], ibuf.at[j], sems[j]).wait()
            u = extract(uvec, half + j)
            i = extract(ivec, half + j)
            ul = jnp.full((L,), u & (PANEL - 1), dtype=jnp.int32)
            il = jnp.full((L,), i & (PANEL - 1), dtype=jnp.int32)
            u0 = plsc.load_gather(ubuf.at[j], [dlo, ul])
            u1 = plsc.load_gather(ubuf.at[j], [dlo + L, ul])
            i0 = plsc.load_gather(ibuf.at[j], [dlo, il])
            i1 = plsc.load_gather(ibuf.at[j], [dlo + L, il])

            @pl.when(c + 1 < NCHUNK)
            def _():
                fetch(uvec_n, ivec_n, half_n + j, j)

            s = jnp.sum(u0 * i0 * w0 + u1 * i1 * w1)
            acc = jnp.where(dlo == (b & (L - 1)), s, acc)

            @pl.when((b & (L - 1)) == L - 1)
            def _():
                outv[pl.ds((b >> 4) << 4, L)] = \
                    1.0 / (1.0 + jnp.exp(-(acc + bias)))
        return acc

    lax.fori_loop(0, NCHUNK, chunk, jnp.zeros((L,), jnp.float32))

    pltpu.sync_copy(outv, out_hbm.at[pl.ds(base, B_PER_W)])


@jax.jit
def _gmf(utabT, itabT, users, items, w, b16):
    mesh = plsc.VectorSubcoreMesh(core_axis_name="c", subcore_axis_name="s")
    return pl.kernel(
        _body,
        out_type=jax.ShapeDtypeStruct((BATCH,), jnp.float32),
        mesh=mesh,
        compiler_params=pltpu.CompilerParams(
            needs_layout_passes=False, use_tc_tiling_on_sc=True),
        scratch_types=[
            pltpu.VMEM((NBUF, NUM_FACTORS, PANEL), jnp.float32),
            pltpu.VMEM((NBUF, NUM_FACTORS, PANEL), jnp.float32),
            pltpu.VMEM((NUM_FACTORS,), jnp.float32),
            pltpu.VMEM((L,), jnp.float32),
            pltpu.VMEM((B_PER_W,), jnp.float32),
            pltpu.VMEM((B_PER_W,), jnp.int32),
            pltpu.VMEM((B_PER_W,), jnp.int32),
        ] + [pltpu.SemaphoreType.DMA] * NBUF,
    )(utabT, itabT, users, items, w, b16)


def kernel(users, items, user_table, item_table, fc_w, fc_b):
    utabT = user_table.T
    itabT = item_table.T
    w = fc_w.reshape(NUM_FACTORS)
    b16 = jnp.broadcast_to(fc_b.reshape(1), (L,))
    return _gmf(utabT, itabT, users.astype(jnp.int32), items.astype(jnp.int32),
                w, b16)

# --- scband reference (transcript-rebuilt; emitter-appended) ---
"""Pipeline reference for scband-gmf-9431748182828 (READ-ONLY COPY).

The authoritative reference and input builder live on the scoring server;
editing this copy changes nothing except your own understanding.
"""

import jax, jax.numpy as jnp
import numpy as np

NUM_FACTORS = 32
NUM_USERS = 1000000
NUM_ITEMS = 1000000
BATCH = 16384


def setup_inputs(seed: int = 0) -> dict:
    key = jax.random.key(seed)
    k1, k2, k3, k4, k5, k6 = jax.random.split(key, 6)
    users = jax.random.randint(k1, (BATCH,), 0, NUM_USERS, dtype=jnp.int64 if jax.config.jax_enable_x64 else jnp.int32)
    items = jax.random.randint(k2, (BATCH,), 0, NUM_ITEMS, dtype=jnp.int64 if jax.config.jax_enable_x64 else jnp.int32)
    user_table = jax.random.normal(k3, (NUM_USERS, NUM_FACTORS), dtype=jnp.float32) * 0.05
    item_table = jax.random.normal(k4, (NUM_ITEMS, NUM_FACTORS), dtype=jnp.float32) * 0.05
    fc_w = jax.random.normal(k5, (1, NUM_FACTORS), dtype=jnp.float32) * 0.1
    fc_b = jax.random.normal(k6, (1,), dtype=jnp.float32) * 0.1
    return {"users": users, "items": items, "user_table": user_table, "item_table": item_table, "fc_w": fc_w, "fc_b": fc_b}


def reference(users, items, user_table, item_table, fc_w, fc_b):
    U = jnp.take(user_table, users, axis=0)
    I = jnp.take(item_table, items, axis=0)
    embed = U * I
    logits = embed @ fc_w.T + fc_b
    res = jax.nn.sigmoid(logits)
    return res.reshape(-1)

if __name__ == "__main__":
    import jax
    _d = setup_inputs()
    print(jax.jit(kernel)(*tuple(_d.values())))

</pallas_src>

<mosaic_0001>
#map = affine_map<(d0, d1) -> (0, 0)>
#map1 = affine_map<(d0, d1) -> (0)>
module attributes {stable_mosaic.version = 14 : i64} {
  func.func @_body(%arg0: i32, %arg1: i32, %arg2: memref<32x1000000xf32, #tpu.memory_space<hbm>>, %arg3: memref<32x1000000xf32, #tpu.memory_space<hbm>>, %arg4: memref<16384xi32, #tpu.memory_space<hbm>>, %arg5: memref<16384xi32, #tpu.memory_space<hbm>>, %arg6: memref<32xf32, #tpu.memory_space<hbm>>, %arg7: memref<16xf32, #tpu.memory_space<hbm>>, %arg8: memref<16384xf32, #tpu.memory_space<hbm>>, %arg9: memref<8x32x128xf32, #tpu.memory_space<vmem>>, %arg10: memref<8x32x128xf32, #tpu.memory_space<vmem>>, %arg11: memref<32xf32, #tpu.memory_space<vmem>>, %arg12: memref<16xf32, #tpu.memory_space<vmem>>, %arg13: memref<512xf32, #tpu.memory_space<vmem>>, %arg14: memref<512xi32, #tpu.memory_space<vmem>>, %arg15: memref<512xi32, #tpu.memory_space<vmem>>, %arg16: memref<!tpu.dma_semaphore, #tpu.memory_space<semaphore_mem>>, %arg17: memref<!tpu.dma_semaphore, #tpu.memory_space<semaphore_mem>>, %arg18: memref<!tpu.dma_semaphore, #tpu.memory_space<semaphore_mem>>, %arg19: memref<!tpu.dma_semaphore, #tpu.memory_space<semaphore_mem>>, %arg20: memref<!tpu.dma_semaphore, #tpu.memory_space<semaphore_mem>>, %arg21: memref<!tpu.dma_semaphore, #tpu.memory_space<semaphore_mem>>, %arg22: memref<!tpu.dma_semaphore, #tpu.memory_space<semaphore_mem>>, %arg23: memref<!tpu.dma_semaphore, #tpu.memory_space<semaphore_mem>>) attributes {dimension_semantics = [#tpu.dimension_semantics<core_parallel>, #tpu.dimension_semantics<subcore_parallel>], iteration_bounds = array<i64: 2, 16>, scalar_prefetch = 0 : i64, scratch_operands = 15 : i64, tpu.core_type = #tpu.core_type<sc_vector_subcore>, window_params = [{transform_indices = #map}, {transform_indices = #map}, {transform_indices = #map1}, {transform_indices = #map1}, {transform_indices = #map1}, {transform_indices = #map1}, {transform_indices = #map1}]} {
    %mul3A = arith.constant 2 : i32
    %mul3A_0 = arith.muli %arg1, %mul3A : i32
    %add3A = arith.addi %mul3A_0, %arg0 : i32
    %mul3A_1 = arith.constant 512 : i32
    %mul3A_2 = arith.muli %add3A, %mul3A_1 : i32
    "tpu.region"() ({
      %run_scoped3A = tpu.sem_alloc : memref<!tpu.dma_semaphore, #tpu.memory_space<semaphore_mem>>
      %dma_start3A_459 = tpu.memref_slice %arg4[%mul3A_2] : memref<16384xi32, #tpu.memory_space<hbm>> -> memref<512xi32, #tpu.memory_space<hbm>>
      %dma_start3A_460 = tpu.memref_slice %arg4[%mul3A_2] : memref<16384xi32, #tpu.memory_space<hbm>> -> memref<512xi32, #tpu.memory_space<hbm>>
      tpu.enqueue_dma source(%dma_start3A_460 : memref<512xi32, #tpu.memory_space<hbm>>) target(%arg14 : memref<512xi32, #tpu.memory_space<vmem>>) target_semaphore(%run_scoped3A : memref<!tpu.dma_semaphore, #tpu.memory_space<semaphore_mem>>)
      %dma_wait3A = tpu.memref_slice %arg4[%mul3A_2] : memref<16384xi32, #tpu.memory_space<hbm>> -> memref<512xi32, #tpu.memory_space<hbm>>
      %dma_wait3A_461 = tpu.memref_slice %arg4[%mul3A_2] : memref<16384xi32, #tpu.memory_space<hbm>> -> memref<512xi32, #tpu.memory_space<hbm>>
      tpu.wait_dma2 semaphore(%run_scoped3A : memref<!tpu.dma_semaphore, #tpu.memory_space<semaphore_mem>>) src(%dma_wait3A_461 : memref<512xi32, #tpu.memory_space<hbm>>) dst(%arg14 : memref<512xi32, #tpu.memory_space<vmem>>)
      tpu.yield
    }) : () -> ()
    "tpu.region"() ({
      %run_scoped3A = tpu.sem_alloc : memref<!tpu.dma_semaphore, #tpu.memory_space<semaphore_mem>>
      %dma_start3A_459 = tpu.memref_slice %arg5[%mul3A_2] : memref<16384xi32, #tpu.memory_space<hbm>> -> memref<512xi32, #tpu.memory_space<hbm>>
      %dma_start3A_460 = tpu.memref_slice %arg5[%mul3A_2] : memref<16384xi32, #tpu.memory_space<hbm>> -> memref<512xi32, #tpu.memory_space<hbm>>
      tpu.enqueue_dma source(%dma_start3A_460 : memref<512xi32, #tpu.memory_space<hbm>>) target(%arg15 : memref<512xi32, #tpu.memory_space<vmem>>) target_semaphore(%run_scoped3A : memref<!tpu.dma_semaphore, #tpu.memory_space<semaphore_mem>>)
      %dma_wait3A = tpu.memref_slice %arg5[%mul3A_2] : memref<16384xi32, #tpu.memory_space<hbm>> -> memref<512xi32, #tpu.memory_space<hbm>>
      %dma_wait3A_461 = tpu.memref_slice %arg5[%mul3A_2] : memref<16384xi32, #tpu.memory_space<hbm>> -> memref<512xi32, #tpu.memory_space<hbm>>
      tpu.wait_dma2 semaphore(%run_scoped3A : memref<!tpu.dma_semaphore, #tpu.memory_space<semaphore_mem>>) src(%dma_wait3A_461 : memref<512xi32, #tpu.memory_space<hbm>>) dst(%arg15 : memref<512xi32, #tpu.memory_space<vmem>>)
      tpu.yield
    }) : () -> ()
    "tpu.region"() ({
      %run_scoped3A = tpu.sem_alloc : memref<!tpu.dma_semaphore, #tpu.memory_space<semaphore_mem>>
      tpu.enqueue_dma source(%arg6 : memref<32xf32, #tpu.memory_space<hbm>>) target(%arg11 : memref<32xf32, #tpu.memory_space<vmem>>) target_semaphore(%run_scoped3A : memref<!tpu.dma_semaphore, #tpu.memory_space<semaphore_mem>>)
      tpu.wait_dma2 semaphore(%run_scoped3A : memref<!tpu.dma_semaphore, #tpu.memory_space<semaphore_mem>>) src(%arg6 : memref<32xf32, #tpu.memory_space<hbm>>) dst(%arg11 : memref<32xf32, #tpu.memory_space<vmem>>)
      tpu.yield
    }) : () -> ()
    "tpu.region"() ({
      %run_scoped3A = tpu.sem_alloc : memref<!tpu.dma_semaphore, #tpu.memory_space<semaphore_mem>>
      tpu.enqueue_dma source(%arg7 : memref<16xf32, #tpu.memory_space<hbm>>) target(%arg12 : memref<16xf32, #tpu.memory_space<vmem>>) target_semaphore(%run_scoped3A : memref<!tpu.dma_semaphore, #tpu.memory_space<semaphore_mem>>)
      tpu.wait_dma2 semaphore(%run_scoped3A : memref<!tpu.dma_semaphore, #tpu.memory_space<semaphore_mem>>) src(%arg7 : memref<16xf32, #tpu.memory_space<hbm>>) dst(%arg12 : memref<16xf32, #tpu.memory_space<vmem>>)
      tpu.yield
    }) : () -> ()
    %iota3A = tpu.iota {dimensions = array<i32: 0>} : vector<16xi32>
    %get3A = arith.constant 0 : index
    %get3A_3 = tpu.vector_load %arg11[%get3A] {strides = array<i32>} : memref<32xf32, #tpu.memory_space<vmem>>, vector<16xf32>,
    %get3A_4 = arith.constant 16 : index
    %get3A_5 = tpu.vector_load %arg11[%get3A_4] {strides = array<i32>} : memref<32xf32, #tpu.memory_space<vmem>>, vector<16xf32>,
    %get3A_6 = arith.constant 0 : index
    %get3A_7 = tpu.vector_load %arg12[%get3A_6] {strides = array<i32>} : memref<16xf32, #tpu.memory_space<vmem>>, vector<16xf32>,
    %get3A_8 = arith.constant 0 : index
    %get3A_9 = tpu.vector_load %arg14[%get3A_8] {strides = array<i32>} : memref<512xi32, #tpu.memory_space<vmem>>, vector<16xi32>,
    %get3A_10 = arith.constant 0 : index
    %get3A_11 = tpu.vector_load %arg15[%get3A_10] {strides = array<i32>} : memref<512xi32, #tpu.memory_space<vmem>>, vector<16xi32>,
    %eq3A = arith.constant 0 : i32
    %eq3A_12 = vector.broadcast %eq3A : i32 to vector<16xi32>
    %eq3A_13 = arith.cmpi eq, %iota3A, %eq3A_12 : vector<16xi32>
    %jit3A = arith.constant 0 : i32
    %broadcast_in_dim3A = vector.broadcast %jit3A : i32 to vector<16xi32>
    %select_n3A = arith.select %eq3A_13, %get3A_9, %broadcast_in_dim3A : vector<16xi1>, vector<16xi32>
    %reduce_sum3A = arith.constant true
    %reduce_sum3A_14 = vector.broadcast %reduce_sum3A : i1 to vector<16xi1>
    %reduce_sum3A_15 = tpu.scan <sum>, %select_n3A masked %reduce_sum3A_14 : vector<16xi32>, vector<16xi1> -> vector<16xi32>
    %reduce_sum3A_16 = vector.extract %reduce_sum3A_15[15] : i32 from vector<16xi32>
    %eq3A_17 = arith.constant 0 : i32
    %eq3A_18 = vector.broadcast %eq3A_17 : i32 to vector<16xi32>
    %eq3A_19 = arith.cmpi eq, %iota3A, %eq3A_18 : vector<16xi32>
    %jit3A_20 = arith.constant 0 : i32
    %broadcast_in_dim3A_21 = vector.broadcast %jit3A_20 : i32 to vector<16xi32>
    %select_n3A_22 = arith.select %eq3A_19, %get3A_11, %broadcast_in_dim3A_21 : vector<16xi1>, vector<16xi32>
    %reduce_sum3A_23 = arith.constant true
    %reduce_sum3A_24 = vector.broadcast %reduce_sum3A_23 : i1 to vector<16xi1>
    %reduce_sum3A_25 = tpu.scan <sum>, %select_n3A_22 masked %reduce_sum3A_24 : vector<16xi32>, vector<16xi1> -> vector<16xi32>
    %reduce_sum3A_26 = vector.extract %reduce_sum3A_25[15] : i32 from vector<16xi32>
    %shift_right_arithmetic3A = arith.constant 7 : i32
    %shift_right_arithmetic3A_27 = arith.shrsi %reduce_sum3A_16, %shift_right_arithmetic3A : i32
    %mul3A_28 = arith.constant 128 : i32
    %mul3A_29 = arith.muli %shift_right_arithmetic3A_27, %mul3A_28 : i32
    %multiple_of3A = tpu.assume_multiple %mul3A_29, 128 : i32
    %shift_right_arithmetic3A_30 = arith.constant 7 : i32
    %shift_right_arithmetic3A_31 = arith.shrsi %reduce_sum3A_26, %shift_right_arithmetic3A_30 : i32
    %mul3A_32 = arith.constant 128 : i32
    %mul3A_33 = arith.muli %shift_right_arithmetic3A_31, %mul3A_32 : i32
    %multiple_of3A_34 = tpu.assume_multiple %mul3A_33, 128 : i32
    %dma_start3A = arith.constant 0 : i32
    %dma_start3A_35 = arith.constant 0 : i32
    %dma_start3A_36 = arith.constant 0 : i32
    %dma_start3A_37 = tpu.memref_slice %arg9[%dma_start3A, %dma_start3A_35, %dma_start3A_36] : memref<8x32x128xf32, #tpu.memory_space<vmem>> -> memref<1x32x128xf32, #tpu.memory_space<vmem>>
    %dma_start3A_38 = tpu.memref_squeeze %dma_start3A_37 : memref<1x32x128xf32, #tpu.memory_space<vmem>> -> memref<32x128xf32, #tpu.memory_space<vmem>>
    %dma_start3A_39 = arith.constant 0 : i32
    %dma_start3A_40 = tpu.memref_slice %arg2[%dma_start3A_39, %multiple_of3A] : memref<32x1000000xf32, #tpu.memory_space<hbm>> -> memref<32x128xf32, #tpu.memory_space<hbm>>
    %dma_start3A_41 = arith.constant 0 : i32
    %dma_start3A_42 = arith.constant 0 : i32
    %dma_start3A_43 = tpu.memref_slice %arg9[%dma_start3A, %dma_start3A_41, %dma_start3A_42] : memref<8x32x128xf32, #tpu.memory_space<vmem>> -> memref<1x32x128xf32, #tpu.memory_space<vmem>>
    %dma_start3A_44 = tpu.memref_squeeze %dma_start3A_43 : memref<1x32x128xf32, #tpu.memory_space<vmem>> -> memref<32x128xf32, #tpu.memory_space<vmem>>
    %dma_start3A_45 = arith.constant 0 : i32
    %dma_start3A_46 = tpu.memref_slice %arg2[%dma_start3A_45, %multiple_of3A] : memref<32x1000000xf32, #tpu.memory_space<hbm>> -> memref<32x128xf32, #tpu.memory_space<hbm>>
    tpu.enqueue_dma source(%dma_start3A_46 : memref<32x128xf32, #tpu.memory_space<hbm>>) target(%dma_start3A_44 : memref<32x128xf32, #tpu.memory_space<vmem>>) target_semaphore(%arg16 : memref<!tpu.dma_semaphore, #tpu.memory_space<semaphore_mem>>)
    %dma_start3A_47 = arith.constant 0 : i32
    %dma_start3A_48 = arith.constant 0 : i32
    %dma_start3A_49 = arith.constant 0 : i32
    %dma_start3A_50 = tpu.memref_slice %arg10[%dma_start3A_47, %dma_start3A_48, %dma_start3A_49] : memref<8x32x128xf32, #tpu.memory_space<vmem>> -> memref<1x32x128xf32, #tpu.memory_space<vmem>>
    %dma_start3A_51 = tpu.memref_squeeze %dma_start3A_50 : memref<1x32x128xf32, #tpu.memory_space<vmem>> -> memref<32x128xf32, #tpu.memory_space<vmem>>
    %dma_start3A_52 = arith.constant 0 : i32
    %dma_start3A_53 = tpu.memref_slice %arg3[%dma_start3A_52, %multiple_of3A_34] : memref<32x1000000xf32, #tpu.memory_space<hbm>> -> memref<32x128xf32, #tpu.memory_space<hbm>>
    %dma_start3A_54 = arith.constant 0 : i32
    %dma_start3A_55 = arith.constant 0 : i32
    %dma_start3A_56 = tpu.memref_slice %arg10[%dma_start3A_47, %dma_start3A_54, %dma_start3A_55] : memref<8x32x128xf32, #tpu.memory_space<vmem>> -> memref<1x32x128xf32, #tpu.memory_space<vmem>>
    %dma_start3A_57 = tpu.memref_squeeze %dma_start3A_56 : memref<1x32x128xf32, #tpu.memory_space<vmem>> -> memref<32x128xf32, #tpu.memory_space<vmem>>
    %dma_start3A_58 = arith.constant 0 : i32
    %dma_start3A_59 = tpu.memref_slice %arg3[%dma_start3A_58, %multiple_of3A_34] : memref<32x1000000xf32, #tpu.memory_space<hbm>> -> memref<32x128xf32, #tpu.memory_space<hbm>>
    tpu.enqueue_dma source(%dma_start3A_59 : memref<32x128xf32, #tpu.memory_space<hbm>>) target(%dma_start3A_57 : memref<32x128xf32, #tpu.memory_space<vmem>>) target_semaphore(%arg16 : memref<!tpu.dma_semaphore, #tpu.memory_space<semaphore_mem>>)
    %eq3A_60 = arith.constant 1 : i32
    %eq3A_61 = vector.broadcast %eq3A_60 : i32 to vector<16xi32>
    %eq3A_62 = arith.cmpi eq, %iota3A, %eq3A_61 : vector<16xi32>
    %jit3A_63 = arith.constant 0 : i32
    %broadcast_in_dim3A_64 = vector.broadcast %jit3A_63 : i32 to vector<16xi32>
    %select_n3A_65 = arith.select %eq3A_62, %get3A_9, %broadcast_in_dim3A_64 : vector<16xi1>, vector<16xi32>
    %reduce_sum3A_66 = arith.constant true
    %reduce_sum3A_67 = vector.broadcast %reduce_sum3A_66 : i1 to vector<16xi1>
    %reduce_sum3A_68 = tpu.scan <sum>, %select_n3A_65 masked %reduce_sum3A_67 : vector<16xi32>, vector<16xi1> -> vector<16xi32>
    %reduce_sum3A_69 = vector.extract %reduce_sum3A_68[15] : i32 from vector<16xi32>
    %eq3A_70 = arith.constant 1 : i32
    %eq3A_71 = vector.broadcast %eq3A_70 : i32 to vector<16xi32>
    %eq3A_72 = arith.cmpi eq, %iota3A, %eq3A_71 : vector<16xi32>
    %jit3A_73 = arith.constant 0 : i32
    %broadcast_in_dim3A_74 = vector.broadcast %jit3A_73 : i32 to vector<16xi32>
    %select_n3A_75 = arith.select %eq3A_72, %get3A_11, %broadcast_in_dim3A_74 : vector<16xi1>, vector<16xi32>
    %reduce_sum3A_76 = arith.constant true
    %reduce_sum3A_77 = vector.broadcast %reduce_sum3A_76 : i1 to vector<16xi1>
    %reduce_sum3A_78 = tpu.scan <sum>, %select_n3A_75 masked %reduce_sum3A_77 : vector<16xi32>, vector<16xi1> -> vector<16xi32>
    %reduce_sum3A_79 = vector.extract %reduce_sum3A_78[15] : i32 from vector<16xi32>
    %shift_right_arithmetic3A_80 = arith.constant 7 : i32
    %shift_right_arithmetic3A_81 = arith.shrsi %reduce_sum3A_69, %shift_right_arithmetic3A_80 : i32
    %mul3A_82 = arith.constant 128 : i32
    %mul3A_83 = arith.muli %shift_right_arithmetic3A_81, %mul3A_82 : i32
    %multiple_of3A_84 = tpu.assume_multiple %mul3A_83, 128 : i32
    %shift_right_arithmetic3A_85 = arith.constant 7 : i32
    %shift_right_arithmetic3A_86 = arith.shrsi %reduce_sum3A_79, %shift_right_arithmetic3A_85 : i32
    %mul3A_87 = arith.constant 128 : i32
    %mul3A_88 = arith.muli %shift_right_arithmetic3A_86, %mul3A_87 : i32
    %multiple_of3A_89 = tpu.assume_multiple %mul3A_88, 128 : i32
    %dma_start3A_90 = arith.constant 1 : i32
    %dma_start3A_91 = arith.constant 0 : i32
    %dma_start3A_92 = arith.constant 0 : i32
    %dma_start3A_93 = tpu.memref_slice %arg9[%dma_start3A_90, %dma_start3A_91, %dma_start3A_92] : memref<8x32x128xf32, #tpu.memory_space<vmem>> -> memref<1x32x128xf32, #tpu.memory_space<vmem>>
    %dma_start3A_94 = tpu.memref_squeeze %dma_start3A_93 : memref<1x32x128xf32, #tpu.memory_space<vmem>> -> memref<32x128xf32, #tpu.memory_space<vmem>>
    %dma_start3A_95 = arith.constant 0 : i32
    %dma_start3A_96 = tpu.memref_slice %arg2[%dma_start3A_95, %multiple_of3A_84] : memref<32x1000000xf32, #tpu.memory_space<hbm>> -> memref<32x128xf32, #tpu.memory_space<hbm>>
    %dma_start3A_97 = arith.constant 0 : i32
    %dma_start3A_98 = arith.constant 0 : i32
    %dma_start3A_99 = tpu.memref_slice %arg9[%dma_start3A_90, %dma_start3A_97, %dma_start3A_98] : memref<8x32x128xf32, #tpu.memory_space<vmem>> -> memref<1x32x128xf32, #tpu.memory_space<vmem>>
    %dma_start3A_100 = tpu.memref_squeeze %dma_start3A_99 : memref<1x32x128xf32, #tpu.memory_space<vmem>> -> memref<32x128xf32, #tpu.memory_space<vmem>>
    %dma_start3A_101 = arith.constant 0 : i32
    %dma_start3A_102 = tpu.memref_slice %arg2[%dma_start3A_101, %multiple_of3A_84] : memref<32x1000000xf32, #tpu.memory_space<hbm>> -> memref<32x128xf32, #tpu.memory_space<hbm>>
    tpu.enqueue_dma source(%dma_start3A_102 : memref<32x128xf32, #tpu.memory_space<hbm>>) target(%dma_start3A_100 : memref<32x128xf32, #tpu.memory_space<vmem>>) target_semaphore(%arg17 : memref<!tpu.dma_semaphore, #tpu.memory_space<semaphore_mem>>)
    %dma_start3A_103 = arith.constant 1 : i32
    %dma_start3A_104 = arith.constant 0 : i32
    %dma_start3A_105 = arith.constant 0 : i32
    %dma_start3A_106 = tpu.memref_slice %arg10[%dma_start3A_103, %dma_start3A_104, %dma_start3A_105] : memref<8x32x128xf32, #tpu.memory_space<vmem>> -> memref<1x32x128xf32, #tpu.memory_space<vmem>>
    %dma_start3A_107 = tpu.memref_squeeze %dma_start3A_106 : memref<1x32x128xf32, #tpu.memory_space<vmem>> -> memref<32x128xf32, #tpu.memory_space<vmem>>
    %dma_start3A_108 = arith.constant 0 : i32
    %dma_start3A_109 = tpu.memref_slice %arg3[%dma_start3A_108, %multiple_of3A_89] : memref<32x1000000xf32, #tpu.memory_space<hbm>> -> memref<32x128xf32, #tpu.memory_space<hbm>>
    %dma_start3A_110 = arith.constant 0 : i32
    %dma_start3A_111 = arith.constant 0 : i32
    %dma_start3A_112 = tpu.memref_slice %arg10[%dma_start3A_103, %dma_start3A_110, %dma_start3A_111] : memref<8x32x128xf32, #tpu.memory_space<vmem>> -> memref<1x32x128xf32, #tpu.memory_space<vmem>>
    %dma_start3A_113 = tpu.memref_squeeze %dma_start3A_112 : memref<1x32x128xf32, #tpu.memory_space<vmem>> -> memref<32x128xf32, #tpu.memory_space<vmem>>
    %dma_start3A_114 = arith.constant 0 : i32
    %dma_start3A_115 = tpu.memref_slice %arg3[%dma_start3A_114, %multiple_of3A_89] : memref<32x1000000xf32, #tpu.memory_space<hbm>> -> memref<32x128xf32, #tpu.memory_space<hbm>>
    tpu.enqueue_dma source(%dma_start3A_115 : memref<32x128xf32, #tpu.memory_space<hbm>>) target(%dma_start3A_113 : memref<32x128xf32, #tpu.memory_space<vmem>>) target_semaphore(%arg17 : memref<!tpu.dma_semaphore, #tpu.memory_space<semaphore_mem>>)
    %eq3A_116 = arith.constant 2 : i32
    %eq3A_117 = vector.broadcast %eq3A_116 : i32 to vector<16xi32>
    %eq3A_118 = arith.cmpi eq, %iota3A, %eq3A_117 : vector<16xi32>
    %jit3A_119 = arith.constant 0 : i32
    %broadcast_in_dim3A_120 = vector.broadcast %jit3A_119 : i32 to vector<16xi32>
    %select_n3A_121 = arith.select %eq3A_118, %get3A_9, %broadcast_in_dim3A_120 : vector<16xi1>, vector<16xi32>
    %reduce_sum3A_122 = arith.constant true
    %reduce_sum3A_123 = vector.broadcast %reduce_sum3A_122 : i1 to vector<16xi1>
    %reduce_sum3A_124 = tpu.scan <sum>, %select_n3A_121 masked %reduce_sum3A_123 : vector<16xi32>, vector<16xi1> -> vector<16xi32>
    %reduce_sum3A_125 = vector.extract %reduce_sum3A_124[15] : i32 from vector<16xi32>
    %eq3A_126 = arith.constant 2 : i32
    %eq3A_127 = vector.broadcast %eq3A_126 : i32 to vector<16xi32>
    %eq3A_128 = arith.cmpi eq, %iota3A, %eq3A_127 : vector<16xi32>
    %jit3A_129 = arith.constant 0 : i32
    %broadcast_in_dim3A_130 = vector.broadcast %jit3A_129 : i32 to vector<16xi32>
    %select_n3A_131 = arith.select %eq3A_128, %get3A_11, %broadcast_in_dim3A_130 : vector<16xi1>, vector<16xi32>
    %reduce_sum3A_132 = arith.constant true
    %reduce_sum3A_133 = vector.broadcast %reduce_sum3A_132 : i1 to vector<16xi1>
    %reduce_sum3A_134 = tpu.scan <sum>, %select_n3A_131 masked %reduce_sum3A_133 : vector<16xi32>, vector<16xi1> -> vector<16xi32>
    %reduce_sum3A_135 = vector.extract %reduce_sum3A_134[15] : i32 from vector<16xi32>
    %shift_right_arithmetic3A_136 = arith.constant 7 : i32
    %shift_right_arithmetic3A_137 = arith.shrsi %reduce_sum3A_125, %shift_right_arithmetic3A_136 : i32
    %mul3A_138 = arith.constant 128 : i32
    %mul3A_139 = arith.muli %shift_right_arithmetic3A_137, %mul3A_138 : i32
    %multiple_of3A_140 = tpu.assume_multiple %mul3A_139, 128 : i32
    %shift_right_arithmetic3A_141 = arith.constant 7 : i32
    %shift_right_arithmetic3A_142 = arith.shrsi %reduce_sum3A_135, %shift_right_arithmetic3A_141 : i32
    %mul3A_143 = arith.constant 128 : i32
    %mul3A_144 = arith.muli %shift_right_arithmetic3A_142, %mul3A_143 : i32
    %multiple_of3A_145 = tpu.assume_multiple %mul3A_144, 128 : i32
    %dma_start3A_146 = arith.constant 2 : i32
    %dma_start3A_147 = arith.constant 0 : i32
    %dma_start3A_148 = arith.constant 0 : i32
    %dma_start3A_149 = tpu.memref_slice %arg9[%dma_start3A_146, %dma_start3A_147, %dma_start3A_148] : memref<8x32x128xf32, #tpu.memory_space<vmem>> -> memref<1x32x128xf32, #tpu.memory_space<vmem>>
    %dma_start3A_150 = tpu.memref_squeeze %dma_start3A_149 : memref<1x32x128xf32, #tpu.memory_space<vmem>> -> memref<32x128xf32, #tpu.memory_space<vmem>>
    %dma_start3A_151 = arith.constant 0 : i32
    %dma_start3A_152 = tpu.memref_slice %arg2[%dma_start3A_151, %multiple_of3A_140] : memref<32x1000000xf32, #tpu.memory_space<hbm>> -> memref<32x128xf32, #tpu.memory_space<hbm>>
    %dma_start3A_153 = arith.constant 0 : i32
    %dma_start3A_154 = arith.constant 0 : i32
    %dma_start3A_155 = tpu.memref_slice %arg9[%dma_start3A_146, %dma_start3A_153, %dma_start3A_154] : memref<8x32x128xf32, #tpu.memory_space<vmem>> -> memref<1x32x128xf32, #tpu.memory_space<vmem>>
    %dma_start3A_156 = tpu.memref_squeeze %dma_start3A_155 : memref<1x32x128xf32, #tpu.memory_space<vmem>> -> memref<32x128xf32, #tpu.memory_space<vmem>>
    %dma_start3A_157 = arith.constant 0 : i32
    %dma_start3A_158 = tpu.memref_slice %arg2[%dma_start3A_157, %multiple_of3A_140] : memref<32x1000000xf32, #tpu.memory_space<hbm>> -> memref<32x128xf32, #tpu.memory_space<hbm>>
    tpu.enqueue_dma source(%dma_start3A_158 : memref<32x128xf32, #tpu.memory_space<hbm>>) target(%dma_start3A_156 : memref<32x128xf32, #tpu.memory_space<vmem>>) target_semaphore(%arg18 : memref<!tpu.dma_semaphore, #tpu.memory_space<semaphore_mem>>)
    %dma_start3A_159 = arith.constant 2 : i32
    %dma_start3A_160 = arith.constant 0 : i32
    %dma_start3A_161 = arith.constant 0 : i32
    %dma_start3A_162 = tpu.memref_slice %arg10[%dma_start3A_159, %dma_start3A_160, %dma_start3A_161] : memref<8x32x128xf32, #tpu.memory_space<vmem>> -> memref<1x32x128xf32, #tpu.memory_space<vmem>>
    %dma_start3A_163 = tpu.memref_squeeze %dma_start3A_162 : memref<1x32x128xf32, #tpu.memory_space<vmem>> -> memref<32x128xf32, #tpu.memory_space<vmem>>
    %dma_start3A_164 = arith.constant 0 : i32
    %dma_start3A_165 = tpu.memref_slice %arg3[%dma_start3A_164, %multiple_of3A_145] : memref<32x1000000xf32, #tpu.memory_space<hbm>> -> memref<32x128xf32, #tpu.memory_space<hbm>>
    %dma_start3A_166 = arith.constant 0 : i32
    %dma_start3A_167 = arith.constant 0 : i32
    %dma_start3A_168 = tpu.memref_slice %arg10[%dma_start3A_159, %dma_start3A_166, %dma_start3A_167] : memref<8x32x128xf32, #tpu.memory_space<vmem>> -> memref<1x32x128xf32, #tpu.memory_space<vmem>>
    %dma_start3A_169 = tpu.memref_squeeze %dma_start3A_168 : memref<1x32x128xf32, #tpu.memory_space<vmem>> -> memref<32x128xf32, #tpu.memory_space<vmem>>
    %dma_start3A_170 = arith.constant 0 : i32
    %dma_start3A_171 = tpu.memref_slice %arg3[%dma_start3A_170, %multiple_of3A_145] : memref<32x1000000xf32, #tpu.memory_space<hbm>> -> memref<32x128xf32, #tpu.memory_space<hbm>>
    tpu.enqueue_dma source(%dma_start3A_171 : memref<32x128xf32, #tpu.memory_space<hbm>>) target(%dma_start3A_169 : memref<32x128xf32, #tpu.memory_space<vmem>>) target_semaphore(%arg18 : memref<!tpu.dma_semaphore, #tpu.memory_space<semaphore_mem>>)
    %eq3A_172 = arith.constant 3 : i32
    %eq3A_173 = vector.broadcast %eq3A_172 : i32 to vector<16xi32>
    %eq3A_174 = arith.cmpi eq, %iota3A, %eq3A_173 : vector<16xi32>
    %jit3A_175 = arith.constant 0 : i32
    %broadcast_in_dim3A_176 = vector.broadcast %jit3A_175 : i32 to vector<16xi32>
    %select_n3A_177 = arith.select %eq3A_174, %get3A_9, %broadcast_in_dim3A_176 : vector<16xi1>, vector<16xi32>
    %reduce_sum3A_178 = arith.constant true
    %reduce_sum3A_179 = vector.broadcast %reduce_sum3A_178 : i1 to vector<16xi1>
    %reduce_sum3A_180 = tpu.scan <sum>, %select_n3A_177 masked %reduce_sum3A_179 : vector<16xi32>, vector<16xi1> -> vector<16xi32>
    %reduce_sum3A_181 = vector.extract %reduce_sum3A_180[15] : i32 from vector<16xi32>
    %eq3A_182 = arith.constant 3 : i32
    %eq3A_183 = vector.broadcast %eq3A_182 : i32 to vector<16xi32>
    %eq3A_184 = arith.cmpi eq, %iota3A, %eq3A_183 : vector<16xi32>
    %jit3A_185 = arith.constant 0 : i32
    %broadcast_in_dim3A_186 = vector.broadcast %jit3A_185 : i32 to vector<16xi32>
    %select_n3A_187 = arith.select %eq3A_184, %get3A_11, %broadcast_in_dim3A_186 : vector<16xi1>, vector<16xi32>
    %reduce_sum3A_188 = arith.constant true
    %reduce_sum3A_189 = vector.broadcast %reduce_sum3A_188 : i1 to vector<16xi1>
    %reduce_sum3A_190 = tpu.scan <sum>, %select_n3A_187 masked %reduce_sum3A_189 : vector<16xi32>, vector<16xi1> -> vector<16xi32>
    %reduce_sum3A_191 = vector.extract %reduce_sum3A_190[15] : i32 from vector<16xi32>
    %shift_right_arithmetic3A_192 = arith.constant 7 : i32
    %shift_right_arithmetic3A_193 = arith.shrsi %reduce_sum3A_181, %shift_right_arithmetic3A_192 : i32
    %mul3A_194 = arith.constant 128 : i32
    %mul3A_195 = arith.muli %shift_right_arithmetic3A_193, %mul3A_194 : i32
    %multiple_of3A_196 = tpu.assume_multiple %mul3A_195, 128 : i32
    %shift_right_arithmetic3A_197 = arith.constant 7 : i32
    %shift_right_arithmetic3A_198 = arith.shrsi %reduce_sum3A_191, %shift_right_arithmetic3A_197 : i32
    %mul3A_199 = arith.constant 128 : i32
    %mul3A_200 = arith.muli %shift_right_arithmetic3A_198, %mul3A_199 : i32
    %multiple_of3A_201 = tpu.assume_multiple %mul3A_200, 128 : i32
    %dma_start3A_202 = arith.constant 3 : i32
    %dma_start3A_203 = arith.constant 0 : i32
    %dma_start3A_204 = arith.constant 0 : i32
    %dma_start3A_205 = tpu.memref_slice %arg9[%dma_start3A_202, %dma_start3A_203, %dma_start3A_204] : memref<8x32x128xf32, #tpu.memory_space<vmem>> -> memref<1x32x128xf32, #tpu.memory_space<vmem>>
    %dma_start3A_206 = tpu.memref_squeeze %dma_start3A_205 : memref<1x32x128xf32, #tpu.memory_space<vmem>> -> memref<32x128xf32, #tpu.memory_space<vmem>>
    %dma_start3A_207 = arith.constant 0 : i32
    %dma_start3A_208 = tpu.memref_slice %arg2[%dma_start3A_207, %multiple_of3A_196] : memref<32x1000000xf32, #tpu.memory_space<hbm>> -> memref<32x128xf32, #tpu.memory_space<hbm>>
    %dma_start3A_209 = arith.constant 0 : i32
    %dma_start3A_210 = arith.constant 0 : i32
    %dma_start3A_211 = tpu.memref_slice %arg9[%dma_start3A_202, %dma_start3A_209, %dma_start3A_210] : memref<8x32x128xf32, #tpu.memory_space<vmem>> -> memref<1x32x128xf32, #tpu.memory_space<vmem>>
    %dma_start3A_212 = tpu.memref_squeeze %dma_start3A_211 : memref<1x32x128xf32, #tpu.memory_space<vmem>> -> memref<32x128xf32, #tpu.memory_space<vmem>>
    %dma_start3A_213 = arith.constant 0 : i32
    %dma_start3A_214 = tpu.memref_slice %arg2[%dma_start3A_213, %multiple_of3A_196] : memref<32x1000000xf32, #tpu.memory_space<hbm>> -> memref<32x128xf32, #tpu.memory_space<hbm>>
    tpu.enqueue_dma source(%dma_start3A_214 : memref<32x128xf32, #tpu.memory_space<hbm>>) target(%dma_start3A_212 : memref<32x128xf32, #tpu.memory_space<vmem>>) target_semaphore(%arg19 : memref<!tpu.dma_semaphore, #tpu.memory_space<semaphore_mem>>)
    %dma_start3A_215 = arith.constant 3 : i32
    %dma_start3A_216 = arith.constant 0 : i32
    %dma_start3A_217 = arith.constant 0 : i32
    %dma_start3A_218 = tpu.memref_slice %arg10[%dma_start3A_215, %dma_start3A_216, %dma_start3A_217] : memref<8x32x128xf32, #tpu.memory_space<vmem>> -> memref<1x32x128xf32, #tpu.memory_space<vmem>>
    %dma_start3A_219 = tpu.memref_squeeze %dma_start3A_218 : memref<1x32x128xf32, #tpu.memory_space<vmem>> -> memref<32x128xf32, #tpu.memory_space<vmem>>
    %dma_start3A_220 = arith.constant 0 : i32
    %dma_start3A_221 = tpu.memref_slice %arg3[%dma_start3A_220, %multiple_of3A_201] : memref<32x1000000xf32, #tpu.memory_space<hbm>> -> memref<32x128xf32, #tpu.memory_space<hbm>>
    %dma_start3A_222 = arith.constant 0 : i32
    %dma_start3A_223 = arith.constant 0 : i32
    %dma_start3A_224 = tpu.memref_slice %arg10[%dma_start3A_215, %dma_start3A_222, %dma_start3A_223] : memref<8x32x128xf32, #tpu.memory_space<vmem>> -> memref<1x32x128xf32, #tpu.memory_space<vmem>>
    %dma_start3A_225 = tpu.memref_squeeze %dma_start3A_224 : memref<1x32x128xf32, #tpu.memory_space<vmem>> -> memref<32x128xf32, #tpu.memory_space<vmem>>
    %dma_start3A_226 = arith.constant 0 : i32
    %dma_start3A_227 = tpu.memref_slice %arg3[%dma_start3A_226, %multiple_of3A_201] : memref<32x1000000xf32, #tpu.memory_space<hbm>> -> memref<32x128xf32, #tpu.memory_space<hbm>>
    tpu.enqueue_dma source(%dma_start3A_227 : memref<32x128xf32, #tpu.memory_space<hbm>>) target(%dma_start3A_225 : memref<32x128xf32, #tpu.memory_space<vmem>>) target_semaphore(%arg19 : memref<!tpu.dma_semaphore, #tpu.memory_space<semaphore_mem>>)
    %eq3A_228 = arith.constant 4 : i32
    %eq3A_229 = vector.broadcast %eq3A_228 : i32 to vector<16xi32>
    %eq3A_230 = arith.cmpi eq, %iota3A, %eq3A_229 : vector<16xi32>
    %jit3A_231 = arith.constant 0 : i32
    %broadcast_in_dim3A_232 = vector.broadcast %jit3A_231 : i32 to vector<16xi32>
    %select_n3A_233 = arith.select %eq3A_230, %get3A_9, %broadcast_in_dim3A_232 : vector<16xi1>, vector<16xi32>
    %reduce_sum3A_234 = arith.constant true
    %reduce_sum3A_235 = vector.broadcast %reduce_sum3A_234 : i1 to vector<16xi1>
    %reduce_sum3A_236 = tpu.scan <sum>, %select_n3A_233 masked %reduce_sum3A_235 : vector<16xi32>, vector<16xi1> -> vector<16xi32>
    %reduce_sum3A_237 = vector.extract %reduce_sum3A_236[15] : i32 from vector<16xi32>
    %eq3A_238 = arith.constant 4 : i32
    %eq3A_239 = vector.broadcast %eq3A_238 : i32 to vector<16xi32>
    %eq3A_240 = arith.cmpi eq, %iota3A, %eq3A_239 : vector<16xi32>
    %jit3A_241 = arith.constant 0 : i32
    %broadcast_in_dim3A_242 = vector.broadcast %jit3A_241 : i32 to vector<16xi32>
    %select_n3A_243 = arith.select %eq3A_240, %get3A_11, %broadcast_in_dim3A_242 : vector<16xi1>, vector<16xi32>
    %reduce_sum3A_244 = arith.constant true
    %reduce_sum3A_245 = vector.broadcast %reduce_sum3A_244 : i1 to vector<16xi1>
    %reduce_sum3A_246 = tpu.scan <sum>, %select_n3A_243 masked %reduce_sum3A_245 : vector<16xi32>, vector<16xi1> -> vector<16xi32>
    %reduce_sum3A_247 = vector.extract %reduce_sum3A_246[15] : i32 from vector<16xi32>
    %shift_right_arithmetic3A_248 = arith.constant 7 : i32
    %shift_right_arithmetic3A_249 = arith.shrsi %reduce_sum3A_237, %shift_right_arithmetic3A_248 : i32
    %mul3A_250 = arith.constant 128 : i32
    %mul3A_251 = arith.muli %shift_right_arithmetic3A_249, %mul3A_250 : i32
    %multiple_of3A_252 = tpu.assume_multiple %mul3A_251, 128 : i32
    %shift_right_arithmetic3A_253 = arith.constant 7 : i32
    %shift_right_arithmetic3A_254 = arith.shrsi %reduce_sum3A_247, %shift_right_arithmetic3A_253 : i32
    %mul3A_255 = arith.constant 128 : i32
    %mul3A_256 = arith.muli %shift_right_arithmetic3A_254, %mul3A_255 : i32
    %multiple_of3A_257 = tpu.assume_multiple %mul3A_256, 128 : i32
    %dma_start3A_258 = arith.constant 4 : i32
    %dma_start3A_259 = arith.constant 0 : i32
    %dma_start3A_260 = arith.constant 0 : i32
    %dma_start3A_261 = tpu.memref_slice %arg9[%dma_start3A_258, %dma_start3A_259, %dma_start3A_260] : memref<8x32x128xf32, #tpu.memory_space<vmem>> -> memref<1x32x128xf32, #tpu.memory_space<vmem>>
    %dma_start3A_262 = tpu.memref_squeeze %dma_start3A_261 : memref<1x32x128xf32, #tpu.memory_space<vmem>> -> memref<32x128xf32, #tpu.memory_space<vmem>>
    %dma_start3A_263 = arith.constant 0 : i32
    %dma_start3A_264 = tpu.memref_slice %arg2[%dma_start3A_263, %multiple_of3A_252] : memref<32x1000000xf32, #tpu.memory_space<hbm>> -> memref<32x128xf32, #tpu.memory_space<hbm>>
    %dma_start3A_265 = arith.constant 0 : i32
    %dma_start3A_266 = arith.constant 0 : i32
    %dma_start3A_267 = tpu.memref_slice %arg9[%dma_start3A_258, %dma_start3A_265, %dma_start3A_266] : memref<8x32x128xf32, #tpu.memory_space<vmem>> -> memref<1x32x128xf32, #tpu.memory_space<vmem>>
    %dma_start3A_268 = tpu.memref_squeeze %dma_start3A_267 : memref<1x32x128xf32, #tpu.memory_space<vmem>> -> memref<32x128xf32, #tpu.memory_space<vmem>>
    %dma_start3A_269 = arith.constant 0 : i32
    %dma_start3A_270 = tpu.memref_slice %arg2[%dma_start3A_269, %multiple_of3A_252] : memref<32x1000000xf32, #tpu.memory_space<hbm>> -> memref<32x128xf32, #tpu.memory_space<hbm>>
    tpu.enqueue_dma source(%dma_start3A_270 : memref<32x128xf32, #tpu.memory_space<hbm>>) target(%dma_start3A_268 : memref<32x128xf32, #tpu.memory_space<vmem>>) target_semaphore(%arg20 : memref<!tpu.dma_semaphore, #tpu.memory_space<semaphore_mem>>)
    %dma_start3A_271 = arith.constant 4 : i32
    %dma_start3A_272 = arith.constant 0 : i32
    %dma_start3A_273 = arith.constant 0 : i32
    %dma_start3A_274 = tpu.memref_slice %arg10[%dma_start3A_271, %dma_start3A_272, %dma_start3A_273] : memref<8x32x128xf32, #tpu.memory_space<vmem>> -> memref<1x32x128xf32, #tpu.memory_space<vmem>>
    %dma_start3A_275 = tpu.memref_squeeze %dma_start3A_274 : memref<1x32x128xf32, #tpu.memory_space<vmem>> -> memref<32x128xf32, #tpu.memory_space<vmem>>
    %dma_start3A_276 = arith.constant 0 : i32
    %dma_start3A_277 = tpu.memref_slice %arg3[%dma_start3A_276, %multiple_of3A_257] : memref<32x1000000xf32, #tpu.memory_space<hbm>> -> memref<32x128xf32, #tpu.memory_space<hbm>>
    %dma_start3A_278 = arith.constant 0 : i32
    %dma_start3A_279 = arith.constant 0 : i32
    %dma_start3A_280 = tpu.memref_slice %arg10[%dma_start3A_271, %dma_start3A_278, %dma_start3A_279] : memref<8x32x128xf32, #tpu.memory_space<vmem>> -> memref<1x32x128xf32, #tpu.memory_space<vmem>>
    %dma_start3A_281 = tpu.memref_squeeze %dma_start3A_280 : memref<1x32x128xf32, #tpu.memory_space<vmem>> -> memref<32x128xf32, #tpu.memory_space<vmem>>
    %dma_start3A_282 = arith.constant 0 : i32
    %dma_start3A_283 = tpu.memref_slice %arg3[%dma_start3A_282, %multiple_of3A_257] : memref<32x1000000xf32, #tpu.memory_space<hbm>> -> memref<32x128xf32, #tpu.memory_space<hbm>>
    tpu.enqueue_dma source(%dma_start3A_283 : memref<32x128xf32, #tpu.memory_space<hbm>>) target(%dma_start3A_281 : memref<32x128xf32, #tpu.memory_space<vmem>>) target_semaphore(%arg20 : memref<!tpu.dma_semaphore, #tpu.memory_space<semaphore_mem>>)
    %eq3A_284 = arith.constant 5 : i32
    %eq3A_285 = vector.broadcast %eq3A_284 : i32 to vector<16xi32>
    %eq3A_286 = arith.cmpi eq, %iota3A, %eq3A_285 : vector<16xi32>
    %jit3A_287 = arith.constant 0 : i32
    %broadcast_in_dim3A_288 = vector.broadcast %jit3A_287 : i32 to vector<16xi32>
    %select_n3A_289 = arith.select %eq3A_286, %get3A_9, %broadcast_in_dim3A_288 : vector<16xi1>, vector<16xi32>
    %reduce_sum3A_290 = arith.constant true
    %reduce_sum3A_291 = vector.broadcast %reduce_sum3A_290 : i1 to vector<16xi1>
    %reduce_sum3A_292 = tpu.scan <sum>, %select_n3A_289 masked %reduce_sum3A_291 : vector<16xi32>, vector<16xi1> -> vector<16xi32>
    %reduce_sum3A_293 = vector.extract %reduce_sum3A_292[15] : i32 from vector<16xi32>
    %eq3A_294 = arith.constant 5 : i32
    %eq3A_295 = vector.broadcast %eq3A_294 : i32 to vector<16xi32>
    %eq3A_296 = arith.cmpi eq, %iota3A, %eq3A_295 : vector<16xi32>
    %jit3A_297 = arith.constant 0 : i32
    %broadcast_in_dim3A_298 = vector.broadcast %jit3A_297 : i32 to vector<16xi32>
    %select_n3A_299 = arith.select %eq3A_296, %get3A_11, %broadcast_in_dim3A_298 : vector<16xi1>, vector<16xi32>
    %reduce_sum3A_300 = arith.constant true
    %reduce_sum3A_301 = vector.broadcast %reduce_sum3A_300 : i1 to vector<16xi1>
    %reduce_sum3A_302 = tpu.scan <sum>, %select_n3A_299 masked %reduce_sum3A_301 : vector<16xi32>, vector<16xi1> -> vector<16xi32>
    %reduce_sum3A_303 = vector.extract %reduce_sum3A_302[15] : i32 from vector<16xi32>
    %shift_right_arithmetic3A_304 = arith.constant 7 : i32
    %shift_right_arithmetic3A_305 = arith.shrsi %reduce_sum3A_293, %shift_right_arithmetic3A_304 : i32
    %mul3A_306 = arith.constant 128 : i32
    %mul3A_307 = arith.muli %shift_right_arithmetic3A_305, %mul3A_306 : i32
    %multiple_of3A_308 = tpu.assume_multiple %mul3A_307, 128 : i32
    %shift_right_arithmetic3A_309 = arith.constant 7 : i32
    %shift_right_arithmetic3A_310 = arith.shrsi %reduce_sum3A_303, %shift_right_arithmetic3A_309 : i32
    %mul3A_311 = arith.constant 128 : i32
    %mul3A_312 = arith.muli %shift_right_arithmetic3A_310, %mul3A_311 : i32
    %multiple_of3A_313 = tpu.assume_multiple %mul3A_312, 128 : i32
    %dma_start3A_314 = arith.constant 5 : i32
    %dma_start3A_315 = arith.constant 0 : i32
    %dma_start3A_316 = arith.constant 0 : i32
    %dma_start3A_317 = tpu.memref_slice %arg9[%dma_start3A_314, %dma_start3A_315, %dma_start3A_316] : memref<8x32x128xf32, #tpu.memory_space<vmem>> -> memref<1x32x128xf32, #tpu.memory_space<vmem>>
    %dma_start3A_318 = tpu.memref_squeeze %dma_start3A_317 : memref<1x32x128xf32, #tpu.memory_space<vmem>> -> memref<32x128xf32, #tpu.memory_space<vmem>>
    %dma_start3A_319 = arith.constant 0 : i32
    %dma_start3A_320 = tpu.memref_slice %arg2[%dma_start3A_319, %multiple_of3A_308] : memref<32x1000000xf32, #tpu.memory_space<hbm>> -> memref<32x128xf32, #tpu.memory_space<hbm>>
    %dma_start3A_321 = arith.constant 0 : i32
    %dma_start3A_322 = arith.constant 0 : i32
    %dma_start3A_323 = tpu.memref_slice %arg9[%dma_start3A_314, %dma_start3A_321, %dma_start3A_322] : memref<8x32x128xf32, #tpu.memory_space<vmem>> -> memref<1x32x128xf32, #tpu.memory_space<vmem>>
    %dma_start3A_324 = tpu.memref_squeeze %dma_start3A_323 : memref<1x32x128xf32, #tpu.memory_space<vmem>> -> memref<32x128xf32, #tpu.memory_space<vmem>>
    %dma_start3A_325 = arith.constant 0 : i32
    %dma_start3A_326 = tpu.memref_slice %arg2[%dma_start3A_325, %multiple_of3A_308] : memref<32x1000000xf32, #tpu.memory_space<hbm>> -> memref<32x128xf32, #tpu.memory_space<hbm>>
    tpu.enqueue_dma source(%dma_start3A_326 : memref<32x128xf32, #tpu.memory_space<hbm>>) target(%dma_start3A_324 : memref<32x128xf32, #tpu.memory_space<vmem>>) target_semaphore(%arg21 : memref<!tpu.dma_semaphore, #tpu.memory_space<semaphore_mem>>)
    %dma_start3A_327 = arith.constant 5 : i32
    %dma_start3A_328 = arith.constant 0 : i32
    %dma_start3A_329 = arith.constant 0 : i32
    %dma_start3A_330 = tpu.memref_slice %arg10[%dma_start3A_327, %dma_start3A_328, %dma_start3A_329] : memref<8x32x128xf32, #tpu.memory_space<vmem>> -> memref<1x32x128xf32, #tpu.memory_space<vmem>>
    %dma_start3A_331 = tpu.memref_squeeze %dma_start3A_330 : memref<1x32x128xf32, #tpu.memory_space<vmem>> -> memref<32x128xf32, #tpu.memory_space<vmem>>
    %dma_start3A_332 = arith.constant 0 : i32
    %dma_start3A_333 = tpu.memref_slice %arg3[%dma_start3A_332, %multiple_of3A_313] : memref<32x1000000xf32, #tpu.memory_space<hbm>> -> memref<32x128xf32, #tpu.memory_space<hbm>>
    %dma_start3A_334 = arith.constant 0 : i32
    %dma_start3A_335 = arith.constant 0 : i32
    %dma_start3A_336 = tpu.memref_slice %arg10[%dma_start3A_327, %dma_start3A_334, %dma_start3A_335] : memref<8x32x128xf32, #tpu.memory_space<vmem>> -> memref<1x32x128xf32, #tpu.memory_space<vmem>>
    %dma_start3A_337 = tpu.memref_squeeze %dma_start3A_336 : memref<1x32x128xf32, #tpu.memory_space<vmem>> -> memref<32x128xf32, #tpu.memory_space<vmem>>
    %dma_start3A_338 = arith.constant 0 : i32
    %dma_start3A_339 = tpu.memref_slice %arg3[%dma_start3A_338, %multiple_of3A_313] : memref<32x1000000xf32, #tpu.memory_space<hbm>> -> memref<32x128xf32, #tpu.memory_space<hbm>>
    tpu.enqueue_dma source(%dma_start3A_339 : memref<32x128xf32, #tpu.memory_space<hbm>>) target(%dma_start3A_337 : memref<32x128xf32, #tpu.memory_space<vmem>>) target_semaphore(%arg21 : memref<!tpu.dma_semaphore, #tpu.memory_space<semaphore_mem>>)
    %eq3A_340 = arith.constant 6 : i32
    %eq3A_341 = vector.broadcast %eq3A_340 : i32 to vector<16xi32>
    %eq3A_342 = arith.cmpi eq, %iota3A, %eq3A_341 : vector<16xi32>
    %jit3A_343 = arith.constant 0 : i32
    %broadcast_in_dim3A_344 = vector.broadcast %jit3A_343 : i32 to vector<16xi32>
    %select_n3A_345 = arith.select %eq3A_342, %get3A_9, %broadcast_in_dim3A_344 : vector<16xi1>, vector<16xi32>
    %reduce_sum3A_346 = arith.constant true
    %reduce_sum3A_347 = vector.broadcast %reduce_sum3A_346 : i1 to vector<16xi1>
    %reduce_sum3A_348 = tpu.scan <sum>, %select_n3A_345 masked %reduce_sum3A_347 : vector<16xi32>, vector<16xi1> -> vector<16xi32>
    %reduce_sum3A_349 = vector.extract %reduce_sum3A_348[15] : i32 from vector<16xi32>
    %eq3A_350 = arith.constant 6 : i32
    %eq3A_351 = vector.broadcast %eq3A_350 : i32 to vector<16xi32>
    %eq3A_352 = arith.cmpi eq, %iota3A, %eq3A_351 : vector<16xi32>
    %jit3A_353 = arith.constant 0 : i32
    %broadcast_in_dim3A_354 = vector.broadcast %jit3A_353 : i32 to vector<16xi32>
    %select_n3A_355 = arith.select %eq3A_352, %get3A_11, %broadcast_in_dim3A_354 : vector<16xi1>, vector<16xi32>
    %reduce_sum3A_356 = arith.constant true
    %reduce_sum3A_357 = vector.broadcast %reduce_sum3A_356 : i1 to vector<16xi1>
    %reduce_sum3A_358 = tpu.scan <sum>, %select_n3A_355 masked %reduce_sum3A_357 : vector<16xi32>, vector<16xi1> -> vector<16xi32>
    %reduce_sum3A_359 = vector.extract %reduce_sum3A_358[15] : i32 from vector<16xi32>
    %shift_right_arithmetic3A_360 = arith.constant 7 : i32
    %shift_right_arithmetic3A_361 = arith.shrsi %reduce_sum3A_349, %shift_right_arithmetic3A_360 : i32
    %mul3A_362 = arith.constant 128 : i32
    %mul3A_363 = arith.muli %shift_right_arithmetic3A_361, %mul3A_362 : i32
    %multiple_of3A_364 = tpu.assume_multiple %mul3A_363, 128 : i32
    %shift_right_arithmetic3A_365 = arith.constant 7 : i32
    %shift_right_arithmetic3A_366 = arith.shrsi %reduce_sum3A_359, %shift_right_arithmetic3A_365 : i32
    %mul3A_367 = arith.constant 128 : i32
    %mul3A_368 = arith.muli %shift_right_arithmetic3A_366, %mul3A_367 : i32
    %multiple_of3A_369 = tpu.assume_multiple %mul3A_368, 128 : i32
    %dma_start3A_370 = arith.constant 6 : i32
    %dma_start3A_371 = arith.constant 0 : i32
    %dma_start3A_372 = arith.constant 0 : i32
    %dma_start3A_373 = tpu.memref_slice %arg9[%dma_start3A_370, %dma_start3A_371, %dma_start3A_372] : memref<8x32x128xf32, #tpu.memory_space<vmem>> -> memref<1x32x128xf32, #tpu.memory_space<vmem>>
    %dma_start3A_374 = tpu.memref_squeeze %dma_start3A_373 : memref<1x32x128xf32, #tpu.memory_space<vmem>> -> memref<32x128xf32, #tpu.memory_space<vmem>>
    %dma_start3A_375 = arith.constant 0 : i32
    %dma_start3A_376 = tpu.memref_slice %arg2[%dma_start3A_375, %multiple_of3A_364] : memref<32x1000000xf32, #tpu.memory_space<hbm>> -> memref<32x128xf32, #tpu.memory_space<hbm>>
    %dma_start3A_377 = arith.constant 0 : i32
    %dma_start3A_378 = arith.constant 0 : i32
    %dma_start3A_379 = tpu.memref_slice %arg9[%dma_start3A_370, %dma_start3A_377, %dma_start3A_378] : memref<8x32x128xf32, #tpu.memory_space<vmem>> -> memref<1x32x128xf32, #tpu.memory_space<vmem>>
    %dma_start3A_380 = tpu.memref_squeeze %dma_start3A_379 : memref<1x32x128xf32, #tpu.memory_space<vmem>> -> memref<32x128xf32, #tpu.memory_space<vmem>>
    %dma_start3A_381 = arith.constant 0 : i32
    %dma_start3A_382 = tpu.memref_slice %arg2[%dma_start3A_381, %multiple_of3A_364] : memref<32x1000000xf32, #tpu.memory_space<hbm>> -> memref<32x128xf32, #tpu.memory_space<hbm>>
    tpu.enqueue_dma source(%dma_start3A_382 : memref<32x128xf32, #tpu.memory_space<hbm>>) target(%dma_start3A_380 : memref<32x128xf32, #tpu.memory_space<vmem>>) target_semaphore(%arg22 : memref<!tpu.dma_semaphore, #tpu.memory_space<semaphore_mem>>)
    %dma_start3A_383 = arith.constant 6 : i32
    %dma_start3A_384 = arith.constant 0 : i32
    %dma_start3A_385 = arith.constant 0 : i32
    %dma_start3A_386 = tpu.memref_slice %arg10[%dma_start3A_383, %dma_start3A_384, %dma_start3A_385] : memref<8x32x128xf32, #tpu.memory_space<vmem>> -> memref<1x32x128xf32, #tpu.memory_space<vmem>>
    %dma_start3A_387 = tpu.memref_squeeze %dma_start3A_386 : memref<1x32x128xf32, #tpu.memory_space<vmem>> -> memref<32x128xf32, #tpu.memory_space<vmem>>
    %dma_start3A_388 = arith.constant 0 : i32
    %dma_start3A_389 = tpu.memref_slice %arg3[%dma_start3A_388, %multiple_of3A_369] : memref<32x1000000xf32, #tpu.memory_space<hbm>> -> memref<32x128xf32, #tpu.memory_space<hbm>>
    %dma_start3A_390 = arith.constant 0 : i32
    %dma_start3A_391 = arith.constant 0 : i32
    %dma_start3A_392 = tpu.memref_slice %arg10[%dma_start3A_383, %dma_start3A_390, %dma_start3A_391] : memref<8x32x128xf32, #tpu.memory_space<vmem>> -> memref<1x32x128xf32, #tpu.memory_space<vmem>>
    %dma_start3A_393 = tpu.memref_squeeze %dma_start3A_392 : memref<1x32x128xf32, #tpu.memory_space<vmem>> -> memref<32x128xf32, #tpu.memory_space<vmem>>
    %dma_start3A_394 = arith.constant 0 : i32
    %dma_start3A_395 = tpu.memref_slice %arg3[%dma_start3A_394, %multiple_of3A_369] : memref<32x1000000xf32, #tpu.memory_space<hbm>> -> memref<32x128xf32, #tpu.memory_space<hbm>>
    tpu.enqueue_dma source(%dma_start3A_395 : memref<32x128xf32, #tpu.memory_space<hbm>>) target(%dma_start3A_393 : memref<32x128xf32, #tpu.memory_space<vmem>>) target_semaphore(%arg22 : memref<!tpu.dma_semaphore, #tpu.memory_space<semaphore_mem>>)
    %eq3A_396 = arith.constant 7 : i32
    %eq3A_397 = vector.broadcast %eq3A_396 : i32 to vector<16xi32>
    %eq3A_398 = arith.cmpi eq, %iota3A, %eq3A_397 : vector<16xi32>
    %jit3A_399 = arith.constant 0 : i32
    %broadcast_in_dim3A_400 = vector.broadcast %jit3A_399 : i32 to vector<16xi32>
    %select_n3A_401 = arith.select %eq3A_398, %get3A_9, %broadcast_in_dim3A_400 : vector<16xi1>, vector<16xi32>
    %reduce_sum3A_402 = arith.constant true
    %reduce_sum3A_403 = vector.broadcast %reduce_sum3A_402 : i1 to vector<16xi1>
    %reduce_sum3A_404 = tpu.scan <sum>, %select_n3A_401 masked %reduce_sum3A_403 : vector<16xi32>, vector<16xi1> -> vector<16xi32>
    %reduce_sum3A_405 = vector.extract %reduce_sum3A_404[15] : i32 from vector<16xi32>
    %eq3A_406 = arith.constant 7 : i32
    %eq3A_407 = vector.broadcast %eq3A_406 : i32 to vector<16xi32>
    %eq3A_408 = arith.cmpi eq, %iota3A, %eq3A_407 : vector<16xi32>
    %jit3A_409 = arith.constant 0 : i32
    %broadcast_in_dim3A_410 = vector.broadcast %jit3A_409 : i32 to vector<16xi32>
    %select_n3A_411 = arith.select %eq3A_408, %get3A_11, %broadcast_in_dim3A_410 : vector<16xi1>, vector<16xi32>
    %reduce_sum3A_412 = arith.constant true
    %reduce_sum3A_413 = vector.broadcast %reduce_sum3A_412 : i1 to vector<16xi1>
    %reduce_sum3A_414 = tpu.scan <sum>, %select_n3A_411 masked %reduce_sum3A_413 : vector<16xi32>, vector<16xi1> -> vector<16xi32>
    %reduce_sum3A_415 = vector.extract %reduce_sum3A_414[15] : i32 from vector<16xi32>
    %shift_right_arithmetic3A_416 = arith.constant 7 : i32
    %shift_right_arithmetic3A_417 = arith.shrsi %reduce_sum3A_405, %shift_right_arithmetic3A_416 : i32
    %mul3A_418 = arith.constant 128 : i32
    %mul3A_419 = arith.muli %shift_right_arithmetic3A_417, %mul3A_418 : i32
    %multiple_of3A_420 = tpu.assume_multiple %mul3A_419, 128 : i32
    %shift_right_arithmetic3A_421 = arith.constant 7 : i32
    %shift_right_arithmetic3A_422 = arith.shrsi %reduce_sum3A_415, %shift_right_arithmetic3A_421 : i32
    %mul3A_423 = arith.constant 128 : i32
    %mul3A_424 = arith.muli %shift_right_arithmetic3A_422, %mul3A_423 : i32
    %multiple_of3A_425 = tpu.assume_multiple %mul3A_424, 128 : i32
    %dma_start3A_426 = arith.constant 7 : i32
    %dma_start3A_427 = arith.constant 0 : i32
    %dma_start3A_428 = arith.constant 0 : i32
    %dma_start3A_429 = tpu.memref_slice %arg9[%dma_start3A_426, %dma_start3A_427, %dma_start3A_428] : memref<8x32x128xf32, #tpu.memory_space<vmem>> -> memref<1x32x128xf32, #tpu.memory_space<vmem>>
    %dma_start3A_430 = tpu.memref_squeeze %dma_start3A_429 : memref<1x32x128xf32, #tpu.memory_space<vmem>> -> memref<32x128xf32, #tpu.memory_space<vmem>>
    %dma_start3A_431 = arith.constant 0 : i32
    %dma_start3A_432 = tpu.memref_slice %arg2[%dma_start3A_431, %multiple_of3A_420] : memref<32x1000000xf32, #tpu.memory_space<hbm>> -> memref<32x128xf32, #tpu.memory_space<hbm>>
    %dma_start3A_433 = arith.constant 0 : i32
    %dma_start3A_434 = arith.constant 0 : i32
    %dma_start3A_435 = tpu.memref_slice %arg9[%dma_start3A_426, %dma_start3A_433, %dma_start3A_434] : memref<8x32x128xf32, #tpu.memory_space<vmem>> -> memref<1x32x128xf32, #tpu.memory_space<vmem>>
    %dma_start3A_436 = tpu.memref_squeeze %dma_start3A_435 : memref<1x32x128xf32, #tpu.memory_space<vmem>> -> memref<32x128xf32, #tpu.memory_space<vmem>>
    %dma_start3A_437 = arith.constant 0 : i32
    %dma_start3A_438 = tpu.memref_slice %arg2[%dma_start3A_437, %multiple_of3A_420] : memref<32x1000000xf32, #tpu.memory_space<hbm>> -> memref<32x128xf32, #tpu.memory_space<hbm>>
    tpu.enqueue_dma source(%dma_start3A_438 : memref<32x128xf32, #tpu.memory_space<hbm>>) target(%dma_start3A_436 : memref<32x128xf32, #tpu.memory_space<vmem>>) target_semaphore(%arg23 : memref<!tpu.dma_semaphore, #tpu.memory_space<semaphore_mem>>)
    %dma_start3A_439 = arith.constant 7 : i32
    %dma_start3A_440 = arith.constant 0 : i32
    %dma_start3A_441 = arith.constant 0 : i32
    %dma_start3A_442 = tpu.memref_slice %arg10[%dma_start3A_439, %dma_start3A_440, %dma_start3A_441] : memref<8x32x128xf32, #tpu.memory_space<vmem>> -> memref<1x32x128xf32, #tpu.memory_space<vmem>>
    %dma_start3A_443 = tpu.memref_squeeze %dma_start3A_442 : memref<1x32x128xf32, #tpu.memory_space<vmem>> -> memref<32x128xf32, #tpu.memory_space<vmem>>
    %dma_start3A_444 = arith.constant 0 : i32
    %dma_start3A_445 = tpu.memref_slice %arg3[%dma_start3A_444, %multiple_of3A_425] : memref<32x1000000xf32, #tpu.memory_space<hbm>> -> memref<32x128xf32, #tpu.memory_space<hbm>>
    %dma_start3A_446 = arith.constant 0 : i32
    %dma_start3A_447 = arith.constant 0 : i32
    %dma_start3A_448 = tpu.memref_slice %arg10[%dma_start3A_439, %dma_start3A_446, %dma_start3A_447] : memref<8x32x128xf32, #tpu.memory_space<vmem>> -> memref<1x32x128xf32, #tpu.memory_space<vmem>>
    %dma_start3A_449 = tpu.memref_squeeze %dma_start3A_448 : memref<1x32x128xf32, #tpu.memory_space<vmem>> -> memref<32x128xf32, #tpu.memory_space<vmem>>
    %dma_start3A_450 = arith.constant 0 : i32
    %dma_start3A_451 = tpu.memref_slice %arg3[%dma_start3A_450, %multiple_of3A_425] : memref<32x1000000xf32, #tpu.memory_space<hbm>> -> memref<32x128xf32, #tpu.memory_space<hbm>>
    tpu.enqueue_dma source(%dma_start3A_451 : memref<32x128xf32, #tpu.memory_space<hbm>>) target(%dma_start3A_449 : memref<32x128xf32, #tpu.memory_space<vmem>>) target_semaphore(%arg23 : memref<!tpu.dma_semaphore, #tpu.memory_space<semaphore_mem>>)
    %broadcast_in_dim3A_452 = arith.constant 0.000000e+00 : f32
    %broadcast_in_dim3A_453 = vector.broadcast %broadcast_in_dim3A_452 : f32 to vector<16xf32>
    %scan3A = arith.constant 0 : i32
    %scan3A_454 = arith.constant 64 : i32
    %scan3A_455 = arith.addi %scan3A, %scan3A_454 : i32
    %scan3A_456 = arith.constant 1 : i32
    %scan3A_457 = scf.for %scan3A_459 = %scan3A to %scan3A_455 step %scan3A_456 iter_args(%scan3A_460 = %broadcast_in_dim3A_453) -> (vector<16xf32>)  : i32 {
      %mul3A_461 = arith.constant 8 : i32
      %mul3A_462 = arith.muli %scan3A_459, %mul3A_461 : i32
      %shift_right_arithmetic3A_463 = arith.constant 4 : i32
      %shift_right_arithmetic3A_464 = arith.shrsi %mul3A_462, %shift_right_arithmetic3A_463 : i32
      %mul3A_465 = arith.constant 16 : i32
      %mul3A_466 = arith.muli %shift_right_arithmetic3A_464, %mul3A_465 : i32
      %multiple_of3A_467 = tpu.assume_multiple %mul3A_466, 16 : i32
      %get3A_468 = arith.index_cast %multiple_of3A_467 : i32 to index
      %get3A_469 = tpu.vector_load %arg14[%get3A_468] {strides = array<i32>} : memref<512xi32, #tpu.memory_space<vmem>>, vector<16xi32>,
      %get3A_470 = arith.index_cast %multiple_of3A_467 : i32 to index
      %get3A_471 = tpu.vector_load %arg15[%get3A_470] {strides = array<i32>} : memref<512xi32, #tpu.memory_space<vmem>>, vector<16xi32>,
      %add3A_472 = arith.constant 1 : i32
      %add3A_473 = arith.addi %scan3A_459, %add3A_472 : i32
      %mul3A_474 = arith.constant 8 : i32
      %mul3A_475 = arith.muli %add3A_473, %mul3A_474 : i32
      %shift_right_arithmetic3A_476 = arith.constant 4 : i32
      %shift_right_arithmetic3A_477 = arith.shrsi %mul3A_475, %shift_right_arithmetic3A_476 : i32
      %mul3A_478 = arith.constant 16 : i32
      %mul3A_479 = arith.muli %shift_right_arithmetic3A_477, %mul3A_478 : i32
      %multiple_of3A_480 = tpu.assume_multiple %mul3A_479, 16 : i32
      %get3A_481 = arith.index_cast %multiple_of3A_480 : i32 to index
      %get3A_482 = tpu.vector_load %arg14[%get3A_481] {strides = array<i32>} : memref<512xi32, #tpu.memory_space<vmem>>, vector<16xi32>,
      %get3A_483 = arith.index_cast %multiple_of3A_480 : i32 to index
      %get3A_484 = tpu.vector_load %arg15[%get3A_483] {strides = array<i32>} : memref<512xi32, #tpu.memory_space<vmem>>, vector<16xi32>,
      %mul3A_485 = arith.constant 8 : i32
      %mul3A_486 = arith.muli %scan3A_459, %mul3A_485 : i32
      %and3A = arith.constant 15 : i32
      %and3A_487 = arith.andi %mul3A_486, %and3A : i32
      %add3A_488 = arith.constant 1 : i32
      %add3A_489 = arith.addi %scan3A_459, %add3A_488 : i32
      %mul3A_490 = arith.constant 8 : i32
      %mul3A_491 = arith.muli %add3A_489, %mul3A_490 : i32
      %and3A_492 = arith.constant 15 : i32
      %and3A_493 = arith.andi %mul3A_491, %and3A_492 : i32
      %mul3A_494 = arith.constant 8 : i32
      %mul3A_495 = arith.muli %scan3A_459, %mul3A_494 : i32
      %add3A_496 = arith.constant 0 : i32
      %add3A_497 = arith.addi %mul3A_495, %add3A_496 : i32
      %dma_wait3A = arith.constant 0 : i32
      %dma_wait3A_498 = arith.constant 0 : i32
      %dma_wait3A_499 = arith.constant 0 : i32
      %dma_wait3A_500 = tpu.memref_slice %arg9[%dma_wait3A, %dma_wait3A_498, %dma_wait3A_499] : memref<8x32x128xf32, #tpu.memory_space<vmem>> -> memref<1x32x128xf32, #tpu.memory_space<vmem>>
      %dma_wait3A_501 = tpu.memref_squeeze %dma_wait3A_500 : memref<1x32x128xf32, #tpu.memory_space<vmem>> -> memref<32x128xf32, #tpu.memory_space<vmem>>
      %dma_wait3A_502 = arith.constant 0 : i32
      %dma_wait3A_503 = arith.constant 0 : i32
      %dma_wait3A_504 = tpu.memref_slice %arg2[%dma_wait3A_502, %dma_wait3A_503] : memref<32x1000000xf32, #tpu.memory_space<hbm>> -> memref<32x128xf32, #tpu.memory_space<hbm>>
      %dma_wait3A_505 = arith.constant 0 : i32
      %dma_wait3A_506 = arith.constant 0 : i32
      %dma_wait3A_507 = tpu.memref_slice %arg9[%dma_wait3A, %dma_wait3A_505, %dma_wait3A_506] : memref<8x32x128xf32, #tpu.memory_space<vmem>> -> memref<1x32x128xf32, #tpu.memory_space<vmem>>
      %dma_wait3A_508 = tpu.memref_squeeze %dma_wait3A_507 : memref<1x32x128xf32, #tpu.memory_space<vmem>> -> memref<32x128xf32, #tpu.memory_space<vmem>>
      %dma_wait3A_509 = arith.constant 0 : i32
      %dma_wait3A_510 = arith.constant 0 : i32
      %dma_wait3A_511 = tpu.memref_slice %arg2[%dma_wait3A_509, %dma_wait3A_510] : memref<32x1000000xf32, #tpu.memory_space<hbm>> -> memref<32x128xf32, #tpu.memory_space<hbm>>
      tpu.wait_dma2 semaphore(%arg16 : memref<!tpu.dma_semaphore, #tpu.memory_space<semaphore_mem>>) src(%dma_wait3A_511 : memref<32x128xf32, #tpu.memory_space<hbm>>) dst(%dma_wait3A_508 : memref<32x128xf32, #tpu.memory_space<vmem>>)
      %dma_wait3A_512 = arith.constant 0 : i32
      %dma_wait3A_513 = arith.constant 0 : i32
      %dma_wait3A_514 = arith.constant 0 : i32
      %dma_wait3A_515 = tpu.memref_slice %arg10[%dma_wait3A_512, %dma_wait3A_513, %dma_wait3A_514] : memref<8x32x128xf32, #tpu.memory_space<vmem>> -> memref<1x32x128xf32, #tpu.memory_space<vmem>>
      %dma_wait3A_516 = tpu.memref_squeeze %dma_wait3A_515 : memref<1x32x128xf32, #tpu.memory_space<vmem>> -> memref<32x128xf32, #tpu.memory_space<vmem>>
      %dma_wait3A_517 = arith.constant 0 : i32
      %dma_wait3A_518 = arith.constant 0 : i32
      %dma_wait3A_519 = tpu.memref_slice %arg3[%dma_wait3A_517, %dma_wait3A_518] : memref<32x1000000xf32, #tpu.memory_space<hbm>> -> memref<32x128xf32, #tpu.memory_space<hbm>>
      %dma_wait3A_520 = arith.constant 0 : i32
      %dma_wait3A_521 = arith.constant 0 : i32
      %dma_wait3A_522 = tpu.memref_slice %arg10[%dma_wait3A_512, %dma_wait3A_520, %dma_wait3A_521] : memref<8x32x128xf32, #tpu.memory_space<vmem>> -> memref<1x32x128xf32, #tpu.memory_space<vmem>>
      %dma_wait3A_523 = tpu.memref_squeeze %dma_wait3A_522 : memref<1x32x128xf32, #tpu.memory_space<vmem>> -> memref<32x128xf32, #tpu.memory_space<vmem>>
      %dma_wait3A_524 = arith.constant 0 : i32
      %dma_wait3A_525 = arith.constant 0 : i32
      %dma_wait3A_526 = tpu.memref_slice %arg3[%dma_wait3A_524, %dma_wait3A_525] : memref<32x1000000xf32, #tpu.memory_space<hbm>> -> memref<32x128xf32, #tpu.memory_space<hbm>>
      tpu.wait_dma2 semaphore(%arg16 : memref<!tpu.dma_semaphore, #tpu.memory_space<semaphore_mem>>) src(%dma_wait3A_526 : memref<32x128xf32, #tpu.memory_space<hbm>>) dst(%dma_wait3A_523 : memref<32x128xf32, #tpu.memory_space<vmem>>)
      %add3A_527 = arith.constant 0 : i32
      %add3A_528 = arith.addi %and3A_487, %add3A_527 : i32
      %eq3A_529 = vector.broadcast %add3A_528 : i32 to vector<16xi32>
      %eq3A_530 = arith.cmpi eq, %iota3A, %eq3A_529 : vector<16xi32>
      %jit3A_531 = arith.constant 0 : i32
      %broadcast_in_dim3A_532 = vector.broadcast %jit3A_531 : i32 to vector<16xi32>
      %select_n3A_533 = arith.select %eq3A_530, %get3A_469, %broadcast_in_dim3A_532 : vector<16xi1>, vector<16xi32>
      %reduce_sum3A_534 = arith.constant true
      %reduce_sum3A_535 = vector.broadcast %reduce_sum3A_534 : i1 to vector<16xi1>
      %reduce_sum3A_536 = tpu.scan <sum>, %select_n3A_533 masked %reduce_sum3A_535 : vector<16xi32>, vector<16xi1> -> vector<16xi32>
      %reduce_sum3A_537 = vector.extract %reduce_sum3A_536[15] : i32 from vector<16xi32>
      %add3A_538 = arith.constant 0 : i32
      %add3A_539 = arith.addi %and3A_487, %add3A_538 : i32
      %eq3A_540 = vector.broadcast %add3A_539 : i32 to vector<16xi32>
      %eq3A_541 = arith.cmpi eq, %iota3A, %eq3A_540 : vector<16xi32>
      %jit3A_542 = arith.constant 0 : i32
      %broadcast_in_dim3A_543 = vector.broadcast %jit3A_542 : i32 to vector<16xi32>
      %select_n3A_544 = arith.select %eq3A_541, %get3A_471, %broadcast_in_dim3A_543 : vector<16xi1>, vector<16xi32>
      %reduce_sum3A_545 = arith.constant true
      %reduce_sum3A_546 = vector.broadcast %reduce_sum3A_545 : i1 to vector<16xi1>
      %reduce_sum3A_547 = tpu.scan <sum>, %select_n3A_544 masked %reduce_sum3A_546 : vector<16xi32>, vector<16xi1> -> vector<16xi32>
      %reduce_sum3A_548 = vector.extract %reduce_sum3A_547[15] : i32 from vector<16xi32>
      %and3A_549 = arith.constant 127 : i32
      %and3A_550 = arith.andi %reduce_sum3A_537, %and3A_549 : i32
      %broadcast_in_dim3A_551 = vector.broadcast %and3A_550 : i32 to vector<16xi32>
      %and3A_552 = arith.constant 127 : i32
      %and3A_553 = arith.andi %reduce_sum3A_548, %and3A_552 : i32
      %broadcast_in_dim3A_554 = vector.broadcast %and3A_553 : i32 to vector<16xi32>
      %gather3A = arith.constant 0 : i32
      %gather3A_555 = arith.constant 0 : i32
      %gather3A_556 = arith.constant 0 : i32
      %gather3A_557 = tpu.memref_slice %arg9[%gather3A, %gather3A_555, %gather3A_556] : memref<8x32x128xf32, #tpu.memory_space<vmem>> -> memref<1x32x128xf32, #tpu.memory_space<vmem>>
      %gather3A_558 = tpu.memref_squeeze %gather3A_557 : memref<1x32x128xf32, #tpu.memory_space<vmem>> -> memref<32x128xf32, #tpu.memory_space<vmem>>
      %gather3A_559 = tpu.vector_load_idx %gather3A_558[%iota3A, %broadcast_in_dim3A_551] : memref<32x128xf32, #tpu.memory_space<vmem>>[vector<16xi32>, vector<16xi32>], vector<16xf32>,
      %add3A_560 = arith.constant 16 : i32
      %add3A_561 = vector.broadcast %add3A_560 : i32 to vector<16xi32>
      %add3A_562 = arith.addi %iota3A, %add3A_561 : vector<16xi32>
      %gather3A_563 = arith.constant 0 : i32
      %gather3A_564 = arith.constant 0 : i32
      %gather3A_565 = arith.constant 0 : i32
      %gather3A_566 = tpu.memref_slice %arg9[%gather3A_563, %gather3A_564, %gather3A_565] : memref<8x32x128xf32, #tpu.memory_space<vmem>> -> memref<1x32x128xf32, #tpu.memory_space<vmem>>
      %gather3A_567 = tpu.memref_squeeze %gather3A_566 : memref<1x32x128xf32, #tpu.memory_space<vmem>> -> memref<32x128xf32, #tpu.memory_space<vmem>>
      %gather3A_568 = tpu.vector_load_idx %gather3A_567[%add3A_562, %broadcast_in_dim3A_551] : memref<32x128xf32, #tpu.memory_space<vmem>>[vector<16xi32>, vector<16xi32>], vector<16xf32>,
      %gather3A_569 = arith.constant 0 : i32
      %gather3A_570 = arith.constant 0 : i32
      %gather3A_571 = arith.constant 0 : i32
      %gather3A_572 = tpu.memref_slice %arg10[%gather3A_569, %gather3A_570, %gather3A_571] : memref<8x32x128xf32, #tpu.memory_space<vmem>> -> memref<1x32x128xf32, #tpu.memory_space<vmem>>
      %gather3A_573 = tpu.memref_squeeze %gather3A_572 : memref<1x32x128xf32, #tpu.memory_space<vmem>> -> memref<32x128xf32, #tpu.memory_space<vmem>>
      %gather3A_574 = tpu.vector_load_idx %gather3A_573[%iota3A, %broadcast_in_dim3A_554] : memref<32x128xf32, #tpu.memory_space<vmem>>[vector<16xi32>, vector<16xi32>], vector<16xf32>,
      %add3A_575 = arith.constant 16 : i32
      %add3A_576 = vector.broadcast %add3A_575 : i32 to vector<16xi32>
      %add3A_577 = arith.addi %iota3A, %add3A_576 : vector<16xi32>
      %gather3A_578 = arith.constant 0 : i32
      %gather3A_579 = arith.constant 0 : i32
      %gather3A_580 = arith.constant 0 : i32
      %gather3A_581 = tpu.memref_slice %arg10[%gather3A_578, %gather3A_579, %gather3A_580] : memref<8x32x128xf32, #tpu.memory_space<vmem>> -> memref<1x32x128xf32, #tpu.memory_space<vmem>>
      %gather3A_582 = tpu.memref_squeeze %gather3A_581 : memref<1x32x128xf32, #tpu.memory_space<vmem>> -> memref<32x128xf32, #tpu.memory_space<vmem>>
      %gather3A_583 = tpu.vector_load_idx %gather3A_582[%add3A_577, %broadcast_in_dim3A_554] : memref<32x128xf32, #tpu.memory_space<vmem>>[vector<16xi32>, vector<16xi32>], vector<16xf32>,
      %add3A_584 = arith.constant 1 : i32
      %add3A_585 = arith.addi %scan3A_459, %add3A_584 : i32
      %lt3A = arith.constant 64 : i32
      %lt3A_586 = arith.cmpi slt, %add3A_585, %lt3A : i32
      %convert_element_type3A = arith.extui %lt3A_586 : i1 to i32
      %cond3A = arith.constant 0 : i32
      %cond3A_587 = arith.cmpi ne, %convert_element_type3A, %cond3A : i32
      scf.if %cond3A_587 {
        %add3A_1457 = arith.constant 0 : i32
        %add3A_1458 = arith.addi %and3A_493, %add3A_1457 : i32
        %eq3A_1459 = vector.broadcast %add3A_1458 : i32 to vector<16xi32>
        %eq3A_1460 = arith.cmpi eq, %iota3A, %eq3A_1459 : vector<16xi32>
        %jit3A_1461 = arith.constant 0 : i32
        %broadcast_in_dim3A_1462 = vector.broadcast %jit3A_1461 : i32 to vector<16xi32>
        %select_n3A_1463 = arith.select %eq3A_1460, %get3A_482, %broadcast_in_dim3A_1462 : vector<16xi1>, vector<16xi32>
        %reduce_sum3A_1464 = arith.constant true
        %reduce_sum3A_1465 = vector.broadcast %reduce_sum3A_1464 : i1 to vector<16xi1>
        %reduce_sum3A_1466 = tpu.scan <sum>, %select_n3A_1463 masked %reduce_sum3A_1465 : vector<16xi32>, vector<16xi1> -> vector<16xi32>
        %reduce_sum3A_1467 = vector.extract %reduce_sum3A_1466[15] : i32 from vector<16xi32>
        %eq3A_1468 = vector.broadcast %add3A_1458 : i32 to vector<16xi32>
        %eq3A_1469 = arith.cmpi eq, %iota3A, %eq3A_1468 : vector<16xi32>
        %jit3A_1470 = arith.constant 0 : i32
        %broadcast_in_dim3A_1471 = vector.broadcast %jit3A_1470 : i32 to vector<16xi32>
        %select_n3A_1472 = arith.select %eq3A_1469, %get3A_484, %broadcast_in_dim3A_1471 : vector<16xi1>, vector<16xi32>
        %reduce_sum3A_1473 = arith.constant true
        %reduce_sum3A_1474 = vector.broadcast %reduce_sum3A_1473 : i1 to vector<16xi1>
        %reduce_sum3A_1475 = tpu.scan <sum>, %select_n3A_1472 masked %reduce_sum3A_1474 : vector<16xi32>, vector<16xi1> -> vector<16xi32>
        %reduce_sum3A_1476 = vector.extract %reduce_sum3A_1475[15] : i32 from vector<16xi32>
        %shift_right_arithmetic3A_1477 = arith.constant 7 : i32
        %shift_right_arithmetic3A_1478 = arith.shrsi %reduce_sum3A_1467, %shift_right_arithmetic3A_1477 : i32
        %mul3A_1479 = arith.constant 128 : i32
        %mul3A_1480 = arith.muli %shift_right_arithmetic3A_1478, %mul3A_1479 : i32
        %multiple_of3A_1481 = tpu.assume_multiple %mul3A_1480, 128 : i32
        %shift_right_arithmetic3A_1482 = arith.constant 7 : i32
        %shift_right_arithmetic3A_1483 = arith.shrsi %reduce_sum3A_1476, %shift_right_arithmetic3A_1482 : i32
        %mul3A_1484 = arith.constant 128 : i32
        %mul3A_1485 = arith.muli %shift_right_arithmetic3A_1483, %mul3A_1484 : i32
        %multiple_of3A_1486 = tpu.assume_multiple %mul3A_1485, 128 : i32
        %dma_start3A_1487 = arith.constant 0 : i32
        %dma_start3A_1488 = arith.constant 0 : i32
        %dma_start3A_1489 = arith.constant 0 : i32
        %dma_start3A_1490 = tpu.memref_slice %arg9[%dma_start3A_1487, %dma_start3A_1488, %dma_start3A_1489] : memref<8x32x128xf32, #tpu.memory_space<vmem>> -> memref<1x32x128xf32, #tpu.memory_space<vmem>>
        %dma_start3A_1491 = tpu.memref_squeeze %dma_start3A_1490 : memref<1x32x128xf32, #tpu.memory_space<vmem>> -> memref<32x128xf32, #tpu.memory_space<vmem>>
        %dma_start3A_1492 = arith.constant 0 : i32
        %dma_start3A_1493 = tpu.memref_slice %arg2[%dma_start3A_1492, %multiple_of3A_1481] : memref<32x1000000xf32, #tpu.memory_space<hbm>> -> memref<32x128xf32, #tpu.memory_space<hbm>>
        %dma_start3A_1494 = arith.constant 0 : i32
        %dma_start3A_1495 = arith.constant 0 : i32
        %dma_start3A_1496 = tpu.memref_slice %arg9[%dma_start3A_1487, %dma_start3A_1494, %dma_start3A_1495] : memref<8x32x128xf32, #tpu.memory_space<vmem>> -> memref<1x32x128xf32, #tpu.memory_space<vmem>>
        %dma_start3A_1497 = tpu.memref_squeeze %dma_start3A_1496 : memref<1x32x128xf32, #tpu.memory_space<vmem>> -> memref<32x128xf32, #tpu.memory_space<vmem>>
        %dma_start3A_1498 = arith.constant 0 : i32
        %dma_start3A_1499 = tpu.memref_slice %arg2[%dma_start3A_1498, %multiple_of3A_1481] : memref<32x1000000xf32, #tpu.memory_space<hbm>> -> memref<32x128xf32, #tpu.memory_space<hbm>>
        tpu.enqueue_dma source(%dma_start3A_1499 : memref<32x128xf32, #tpu.memory_space<hbm>>) target(%dma_start3A_1497 : memref<32x128xf32, #tpu.memory_space<vmem>>) target_semaphore(%arg16 : memref<!tpu.dma_semaphore, #tpu.memory_space<semaphore_mem>>)
        %dma_start3A_1500 = arith.constant 0 : i32
        %dma_start3A_1501 = arith.constant 0 : i32
        %dma_start3A_1502 = arith.constant 0 : i32
        %dma_start3A_1503 = tpu.memref_slice %arg10[%dma_start3A_1500, %dma_start3A_1501, %dma_start3A_1502] : memref<8x32x128xf32, #tpu.memory_space<vmem>> -> memref<1x32x128xf32, #tpu.memory_space<vmem>>
        %dma_start3A_1504 = tpu.memref_squeeze %dma_start3A_1503 : memref<1x32x128xf32, #tpu.memory_space<vmem>> -> memref<32x128xf32, #tpu.memory_space<vmem>>
        %dma_start3A_1505 = arith.constant 0 : i32
        %dma_start3A_1506 = tpu.memref_slice %arg3[%dma_start3A_1505, %multiple_of3A_1486] : memref<32x1000000xf32, #tpu.memory_space<hbm>> -> memref<32x128xf32, #tpu.memory_space<hbm>>
        %dma_start3A_1507 = arith.constant 0 : i32
        %dma_start3A_1508 = arith.constant 0 : i32
        %dma_start3A_1509 = tpu.memref_slice %arg10[%dma_start3A_1500, %dma_start3A_1507, %dma_start3A_1508] : memref<8x32x128xf32, #tpu.memory_space<vmem>> -> memref<1x32x128xf32, #tpu.memory_space<vmem>>
        %dma_start3A_1510 = tpu.memref_squeeze %dma_start3A_1509 : memref<1x32x128xf32, #tpu.memory_space<vmem>> -> memref<32x128xf32, #tpu.memory_space<vmem>>
        %dma_start3A_1511 = arith.constant 0 : i32
        %dma_start3A_1512 = tpu.memref_slice %arg3[%dma_start3A_1511, %multiple_of3A_1486] : memref<32x1000000xf32, #tpu.memory_space<hbm>> -> memref<32x128xf32, #tpu.memory_space<hbm>>
        tpu.enqueue_dma source(%dma_start3A_1512 : memref<32x128xf32, #tpu.memory_space<hbm>>) target(%dma_start3A_1510 : memref<32x128xf32, #tpu.memory_space<vmem>>) target_semaphore(%arg16 : memref<!tpu.dma_semaphore, #tpu.memory_space<semaphore_mem>>)
      } else {
      }
      %mul3A_588 = arith.mulf %gather3A_559, %gather3A_574 : vector<16xf32>
      %mul3A_589 = arith.mulf %mul3A_588, %get3A_3 : vector<16xf32>
      %mul3A_590 = arith.mulf %gather3A_568, %gather3A_583 : vector<16xf32>
      %mul3A_591 = arith.mulf %mul3A_590, %get3A_5 : vector<16xf32>
      %add3A_592 = arith.addf %mul3A_589, %mul3A_591 : vector<16xf32>
      %reduce_sum3A_593 = arith.constant true
      %reduce_sum3A_594 = vector.broadcast %reduce_sum3A_593 : i1 to vector<16xi1>
      %reduce_sum3A_595 = tpu.scan <sum>, %add3A_592 masked %reduce_sum3A_594 : vector<16xf32>, vector<16xi1> -> vector<16xf32>
      %reduce_sum3A_596 = vector.extract %reduce_sum3A_595[15] : f32 from vector<16xf32>
      %and3A_597 = arith.constant 15 : i32
      %and3A_598 = arith.andi %add3A_497, %and3A_597 : i32
      %eq3A_599 = vector.broadcast %and3A_598 : i32 to vector<16xi32>
      %eq3A_600 = arith.cmpi eq, %iota3A, %eq3A_599 : vector<16xi32>
      %broadcast_in_dim3A_601 = vector.broadcast %reduce_sum3A_596 : f32 to vector<16xf32>
      %select_n3A_602 = arith.select %eq3A_600, %broadcast_in_dim3A_601, %scan3A_460 : vector<16xi1>, vector<16xf32>
      %and3A_603 = arith.constant 15 : i32
      %and3A_604 = arith.andi %add3A_497, %and3A_603 : i32
      %eq3A_605 = arith.constant 15 : i32
      %eq3A_606 = arith.cmpi eq, %and3A_604, %eq3A_605 : i32
      %convert_element_type3A_607 = arith.extui %eq3A_606 : i1 to i32
      %cond3A_608 = arith.constant 0 : i32
      %cond3A_609 = arith.cmpi ne, %convert_element_type3A_607, %cond3A_608 : i32
      scf.if %cond3A_609 {
        %add3A_1457 = arith.addf %select_n3A_602, %get3A_7 : vector<16xf32>
        %neg3A = arith.constant 0.000000e+00 : f32
        %neg3A_1458 = vector.broadcast %neg3A : f32 to vector<16xf32>
        %neg3A_1459 = arith.subf %neg3A_1458, %add3A_1457 : vector<16xf32>
        %exp3A = math.exp %neg3A_1459 : vector<16xf32>
        %add3A_1460 = arith.constant 1.000000e+00 : f32
        %add3A_1461 = vector.broadcast %add3A_1460 : f32 to vector<16xf32>
        %add3A_1462 = arith.addf %add3A_1461, %exp3A : vector<16xf32>
        %div3A = arith.constant 1.000000e+00 : f32
        %div3A_1463 = vector.broadcast %div3A : f32 to vector<16xf32>
        %div3A_1464 = arith.divf %div3A_1463, %add3A_1462 : vector<16xf32>
        %shift_right_arithmetic3A_1465 = arith.constant 4 : i32
        %shift_right_arithmetic3A_1466 = arith.shrsi %add3A_497, %shift_right_arithmetic3A_1465 : i32
        %shift_left3A = arith.constant 4 : i32
        %shift_left3A_1467 = arith.shli %shift_right_arithmetic3A_1466, %shift_left3A : i32
        %swap3A = arith.index_cast %shift_left3A_1467 : i32 to index
        %swap3A_1468 = tpu.vector_load %arg13[%swap3A] {strides = array<i32>} : memref<512xf32, #tpu.memory_space<vmem>>, vector<16xf32>,
        tpu.vector_store %arg13[%swap3A], %div3A_1464 {strides = array<i32>} : memref<512xf32, #tpu.memory_space<vmem>>, vector<16xf32>,
      } else {
      }
      %mul3A_610 = arith.constant 8 : i32
      %mul3A_611 = arith.muli %scan3A_459, %mul3A_610 : i32
      %add3A_612 = arith.constant 1 : i32
      %add3A_613 = arith.addi %mul3A_611, %add3A_612 : i32
      %dma_wait3A_614 = arith.constant 1 : i32
      %dma_wait3A_615 = arith.constant 0 : i32
      %dma_wait3A_616 = arith.constant 0 : i32
      %dma_wait3A_617 = tpu.memref_slice %arg9[%dma_wait3A_614, %dma_wait3A_615, %dma_wait3A_616] : memref<8x32x128xf32, #tpu.memory_space<vmem>> -> memref<1x32x128xf32, #tpu.memory_space<vmem>>
      %dma_wait3A_618 = tpu.memref_squeeze %dma_wait3A_617 : memref<1x32x128xf32, #tpu.memory_space<vmem>> -> memref<32x128xf32, #tpu.memory_space<vmem>>
      %dma_wait3A_619 = arith.constant 0 : i32
      %dma_wait3A_620 = arith.constant 0 : i32
      %dma_wait3A_621 = tpu.memref_slice %arg2[%dma_wait3A_619, %dma_wait3A_620] : memref<32x1000000xf32, #tpu.memory_space<hbm>> -> memref<32x128xf32, #tpu.memory_space<hbm>>
      %dma_wait3A_622 = arith.constant 0 : i32
      %dma_wait3A_623 = arith.constant 0 : i32
      %dma_wait3A_624 = tpu.memref_slice %arg9[%dma_wait3A_614, %dma_wait3A_622, %dma_wait3A_623] : memref<8x32x128xf32, #tpu.memory_space<vmem>> -> memref<1x32x128xf32, #tpu.memory_space<vmem>>
      %dma_wait3A_625 = tpu.memref_squeeze %dma_wait3A_624 : memref<1x32x128xf32, #tpu.memory_space<vmem>> -> memref<32x128xf32, #tpu.memory_space<vmem>>
      %dma_wait3A_626 = arith.constant 0 : i32
      %dma_wait3A_627 = arith.constant 0 : i32
      %dma_wait3A_628 = tpu.memref_slice %arg2[%dma_wait3A_626, %dma_wait3A_627] : memref<32x1000000xf32, #tpu.memory_space<hbm>> -> memref<32x128xf32, #tpu.memory_space<hbm>>
      tpu.wait_dma2 semaphore(%arg17 : memref<!tpu.dma_semaphore, #tpu.memory_space<semaphore_mem>>) src(%dma_wait3A_628 : memref<32x128xf32, #tpu.memory_space<hbm>>) dst(%dma_wait3A_625 : memref<32x128xf32, #tpu.memory_space<vmem>>)
      %dma_wait3A_629 = arith.constant 1 : i32
      %dma_wait3A_630 = arith.constant 0 : i32
      %dma_wait3A_631 = arith.constant 0 : i32
      %dma_wait3A_632 = tpu.memref_slice %arg10[%dma_wait3A_629, %dma_wait3A_630, %dma_wait3A_631] : memref<8x32x128xf32, #tpu.memory_space<vmem>> -> memref<1x32x128xf32, #tpu.memory_space<vmem>>
      %dma_wait3A_633 = tpu.memref_squeeze %dma_wait3A_632 : memref<1x32x128xf32, #tpu.memory_space<vmem>> -> memref<32x128xf32, #tpu.memory_space<vmem>>
      %dma_wait3A_634 = arith.constant 0 : i32
      %dma_wait3A_635 = arith.constant 0 : i32
      %dma_wait3A_636 = tpu.memref_slice %arg3[%dma_wait3A_634, %dma_wait3A_635] : memref<32x1000000xf32, #tpu.memory_space<hbm>> -> memref<32x128xf32, #tpu.memory_space<hbm>>
      %dma_wait3A_637 = arith.constant 0 : i32
      %dma_wait3A_638 = arith.constant 0 : i32
      %dma_wait3A_639 = tpu.memref_slice %arg10[%dma_wait3A_629, %dma_wait3A_637, %dma_wait3A_638] : memref<8x32x128xf32, #tpu.memory_space<vmem>> -> memref<1x32x128xf32, #tpu.memory_space<vmem>>
      %dma_wait3A_640 = tpu.memref_squeeze %dma_wait3A_639 : memref<1x32x128xf32, #tpu.memory_space<vmem>> -> memref<32x128xf32, #tpu.memory_space<vmem>>
      %dma_wait3A_641 = arith.constant 0 : i32
      %dma_wait3A_642 = arith.constant 0 : i32
      %dma_wait3A_643 = tpu.memref_slice %arg3[%dma_wait3A_641, %dma_wait3A_642] : memref<32x1000000xf32, #tpu.memory_space<hbm>> -> memref<32x128xf32, #tpu.memory_space<hbm>>
      tpu.wait_dma2 semaphore(%arg17 : memref<!tpu.dma_semaphore, #tpu.memory_space<semaphore_mem>>) src(%dma_wait3A_643 : memref<32x128xf32, #tpu.memory_space<hbm>>) dst(%dma_wait3A_640 : memref<32x128xf32, #tpu.memory_space<vmem>>)
      %add3A_644 = arith.constant 1 : i32
      %add3A_645 = arith.addi %and3A_487, %add3A_644 : i32
      %eq3A_646 = vector.broadcast %add3A_645 : i32 to vector<16xi32>
      %eq3A_647 = arith.cmpi eq, %iota3A, %eq3A_646 : vector<16xi32>
      %jit3A_648 = arith.constant 0 : i32
      %broadcast_in_dim3A_649 = vector.broadcast %jit3A_648 : i32 to vector<16xi32>
      %select_n3A_650 = arith.select %eq3A_647, %get3A_469, %broadcast_in_dim3A_649 : vector<16xi1>, vector<16xi32>
      %reduce_sum3A_651 = arith.constant true
      %reduce_sum3A_652 = vector.broadcast %reduce_sum3A_651 : i1 to vector<16xi1>
      %reduce_sum3A_653 = tpu.scan <sum>, %select_n3A_650 masked %reduce_sum3A_652 : vector<16xi32>, vector<16xi1> -> vector<16xi32>
      %reduce_sum3A_654 = vector.extract %reduce_sum3A_653[15] : i32 from vector<16xi32>
      %add3A_655 = arith.constant 1 : i32
      %add3A_656 = arith.addi %and3A_487, %add3A_655 : i32
      %eq3A_657 = vector.broadcast %add3A_656 : i32 to vector<16xi32>
      %eq3A_658 = arith.cmpi eq, %iota3A, %eq3A_657 : vector<16xi32>
      %jit3A_659 = arith.constant 0 : i32
      %broadcast_in_dim3A_660 = vector.broadcast %jit3A_659 : i32 to vector<16xi32>
      %select_n3A_661 = arith.select %eq3A_658, %get3A_471, %broadcast_in_dim3A_660 : vector<16xi1>, vector<16xi32>
      %reduce_sum3A_662 = arith.constant true
      %reduce_sum3A_663 = vector.broadcast %reduce_sum3A_662 : i1 to vector<16xi1>
      %reduce_sum3A_664 = tpu.scan <sum>, %select_n3A_661 masked %reduce_sum3A_663 : vector<16xi32>, vector<16xi1> -> vector<16xi32>
      %reduce_sum3A_665 = vector.extract %reduce_sum3A_664[15] : i32 from vector<16xi32>
      %and3A_666 = arith.constant 127 : i32
      %and3A_667 = arith.andi %reduce_sum3A_654, %and3A_666 : i32
      %broadcast_in_dim3A_668 = vector.broadcast %and3A_667 : i32 to vector<16xi32>
      %and3A_669 = arith.constant 127 : i32
      %and3A_670 = arith.andi %reduce_sum3A_665, %and3A_669 : i32
      %broadcast_in_dim3A_671 = vector.broadcast %and3A_670 : i32 to vector<16xi32>
      %gather3A_672 = arith.constant 1 : i32
      %gather3A_673 = arith.constant 0 : i32
      %gather3A_674 = arith.constant 0 : i32
      %gather3A_675 = tpu.memref_slice %arg9[%gather3A_672, %gather3A_673, %gather3A_674] : memref<8x32x128xf32, #tpu.memory_space<vmem>> -> memref<1x32x128xf32, #tpu.memory_space<vmem>>
      %gather3A_676 = tpu.memref_squeeze %gather3A_675 : memref<1x32x128xf32, #tpu.memory_space<vmem>> -> memref<32x128xf32, #tpu.memory_space<vmem>>
      %gather3A_677 = tpu.vector_load_idx %gather3A_676[%iota3A, %broadcast_in_dim3A_668] : memref<32x128xf32, #tpu.memory_space<vmem>>[vector<16xi32>, vector<16xi32>], vector<16xf32>,
      %add3A_678 = arith.constant 16 : i32
      %add3A_679 = vector.broadcast %add3A_678 : i32 to vector<16xi32>
      %add3A_680 = arith.addi %iota3A, %add3A_679 : vector<16xi32>
      %gather3A_681 = arith.constant 1 : i32
      %gather3A_682 = arith.constant 0 : i32
      %gather3A_683 = arith.constant 0 : i32
      %gather3A_684 = tpu.memref_slice %arg9[%gather3A_681, %gather3A_682, %gather3A_683] : memref<8x32x128xf32, #tpu.memory_space<vmem>> -> memref<1x32x128xf32, #tpu.memory_space<vmem>>
      %gather3A_685 = tpu.memref_squeeze %gather3A_684 : memref<1x32x128xf32, #tpu.memory_space<vmem>> -> memref<32x128xf32, #tpu.memory_space<vmem>>
      %gather3A_686 = tpu.vector_load_idx %gather3A_685[%add3A_680, %broadcast_in_dim3A_668] : memref<32x128xf32, #tpu.memory_space<vmem>>[vector<16xi32>, vector<16xi32>], vector<16xf32>,
      %gather3A_687 = arith.constant 1 : i32
      %gather3A_688 = arith.constant 0 : i32
      %gather3A_689 = arith.constant 0 : i32
      %gather3A_690 = tpu.memref_slice %arg10[%gather3A_687, %gather3A_688, %gather3A_689] : memref<8x32x128xf32, #tpu.memory_space<vmem>> -> memref<1x32x128xf32, #tpu.memory_space<vmem>>
      %gather3A_691 = tpu.memref_squeeze %gather3A_690 : memref<1x32x128xf32, #tpu.memory_space<vmem>> -> memref<32x128xf32, #tpu.memory_space<vmem>>
      %gather3A_692 = tpu.vector_load_idx %gather3A_691[%iota3A, %broadcast_in_dim3A_671] : memref<32x128xf32, #tpu.memory_space<vmem>>[vector<16xi32>, vector<16xi32>], vector<16xf32>,
      %add3A_693 = arith.constant 16 : i32
      %add3A_694 = vector.broadcast %add3A_693 : i32 to vector<16xi32>
      %add3A_695 = arith.addi %iota3A, %add3A_694 : vector<16xi32>
      %gather3A_696 = arith.constant 1 : i32
      %gather3A_697 = arith.constant 0 : i32
      %gather3A_698 = arith.constant 0 : i32
      %gather3A_699 = tpu.memref_slice %arg10[%gather3A_696, %gather3A_697, %gather3A_698] : memref<8x32x128xf32, #tpu.memory_space<vmem>> -> memref<1x32x128xf32, #tpu.memory_space<vmem>>
      %gather3A_700 = tpu.memref_squeeze %gather3A_699 : memref<1x32x128xf32, #tpu.memory_space<vmem>> -> memref<32x128xf32, #tpu.memory_space<vmem>>
      %gather3A_701 = tpu.vector_load_idx %gather3A_700[%add3A_695, %broadcast_in_dim3A_671] : memref<32x128xf32, #tpu.memory_space<vmem>>[vector<16xi32>, vector<16xi32>], vector<16xf32>,
      %add3A_702 = arith.constant 1 : i32
      %add3A_703 = arith.addi %scan3A_459, %add3A_702 : i32
      %lt3A_704 = arith.constant 64 : i32
      %lt3A_705 = arith.cmpi slt, %add3A_703, %lt3A_704 : i32
      %convert_element_type3A_706 = arith.extui %lt3A_705 : i1 to i32
      %cond3A_707 = arith.constant 0 : i32
      %cond3A_708 = arith.cmpi ne, %convert_element_type3A_706, %cond3A_707 : i32
      scf.if %cond3A_708 {
        %add3A_1457 = arith.constant 1 : i32
        %add3A_1458 = arith.addi %and3A_493, %add3A_1457 : i32
        %eq3A_1459 = vector.broadcast %add3A_1458 : i32 to vector<16xi32>
        %eq3A_1460 = arith.cmpi eq, %iota3A, %eq3A_1459 : vector<16xi32>
        %jit3A_1461 = arith.constant 0 : i32
        %broadcast_in_dim3A_1462 = vector.broadcast %jit3A_1461 : i32 to vector<16xi32>
        %select_n3A_1463 = arith.select %eq3A_1460, %get3A_482, %broadcast_in_dim3A_1462 : vector<16xi1>, vector<16xi32>
        %reduce_sum3A_1464 = arith.constant true
        %reduce_sum3A_1465 = vector.broadcast %reduce_sum3A_1464 : i1 to vector<16xi1>
        %reduce_sum3A_1466 = tpu.scan <sum>, %select_n3A_1463 masked %reduce_sum3A_1465 : vector<16xi32>, vector<16xi1> -> vector<16xi32>
        %reduce_sum3A_1467 = vector.extract %reduce_sum3A_1466[15] : i32 from vector<16xi32>
        %eq3A_1468 = vector.broadcast %add3A_1458 : i32 to vector<16xi32>
        %eq3A_1469 = arith.cmpi eq, %iota3A, %eq3A_1468 : vector<16xi32>
        %jit3A_1470 = arith.constant 0 : i32
        %broadcast_in_dim3A_1471 = vector.broadcast %jit3A_1470 : i32 to vector<16xi32>
        %select_n3A_1472 = arith.select %eq3A_1469, %get3A_484, %broadcast_in_dim3A_1471 : vector<16xi1>, vector<16xi32>
        %reduce_sum3A_1473 = arith.constant true
        %reduce_sum3A_1474 = vector.broadcast %reduce_sum3A_1473 : i1 to vector<16xi1>
        %reduce_sum3A_1475 = tpu.scan <sum>, %select_n3A_1472 masked %reduce_sum3A_1474 : vector<16xi32>, vector<16xi1> -> vector<16xi32>
        %reduce_sum3A_1476 = vector.extract %reduce_sum3A_1475[15] : i32 from vector<16xi32>
        %shift_right_arithmetic3A_1477 = arith.constant 7 : i32
        %shift_right_arithmetic3A_1478 = arith.shrsi %reduce_sum3A_1467, %shift_right_arithmetic3A_1477 : i32
        %mul3A_1479 = arith.constant 128 : i32
        %mul3A_1480 = arith.muli %shift_right_arithmetic3A_1478, %mul3A_1479 : i32
        %multiple_of3A_1481 = tpu.assume_multiple %mul3A_1480, 128 : i32
        %shift_right_arithmetic3A_1482 = arith.constant 7 : i32
        %shift_right_arithmetic3A_1483 = arith.shrsi %reduce_sum3A_1476, %shift_right_arithmetic3A_1482 : i32
        %mul3A_1484 = arith.constant 128 : i32
        %mul3A_1485 = arith.muli %shift_right_arithmetic3A_1483, %mul3A_1484 : i32
        %multiple_of3A_1486 = tpu.assume_multiple %mul3A_1485, 128 : i32
        %dma_start3A_1487 = arith.constant 1 : i32
        %dma_start3A_1488 = arith.constant 0 : i32
        %dma_start3A_1489 = arith.constant 0 : i32
        %dma_start3A_1490 = tpu.memref_slice %arg9[%dma_start3A_1487, %dma_start3A_1488, %dma_start3A_1489] : memref<8x32x128xf32, #tpu.memory_space<vmem>> -> memref<1x32x128xf32, #tpu.memory_space<vmem>>
        %dma_start3A_1491 = tpu.memref_squeeze %dma_start3A_1490 : memref<1x32x128xf32, #tpu.memory_space<vmem>> -> memref<32x128xf32, #tpu.memory_space<vmem>>
        %dma_start3A_1492 = arith.constant 0 : i32
        %dma_start3A_1493 = tpu.memref_slice %arg2[%dma_start3A_1492, %multiple_of3A_1481] : memref<32x1000000xf32, #tpu.memory_space<hbm>> -> memref<32x128xf32, #tpu.memory_space<hbm>>
        %dma_start3A_1494 = arith.constant 0 : i32
        %dma_start3A_1495 = arith.constant 0 : i32
        %dma_start3A_1496 = tpu.memref_slice %arg9[%dma_start3A_1487, %dma_start3A_1494, %dma_start3A_1495] : memref<8x32x128xf32, #tpu.memory_space<vmem>> -> memref<1x32x128xf32, #tpu.memory_space<vmem>>
        %dma_start3A_1497 = tpu.memref_squeeze %dma_start3A_1496 : memref<1x32x128xf32, #tpu.memory_space<vmem>> -> memref<32x128xf32, #tpu.memory_space<vmem>>
        %dma_start3A_1498 = arith.constant 0 : i32
        %dma_start3A_1499 = tpu.memref_slice %arg2[%dma_start3A_1498, %multiple_of3A_1481] : memref<32x1000000xf32, #tpu.memory_space<hbm>> -> memref<32x128xf32, #tpu.memory_space<hbm>>
        tpu.enqueue_dma source(%dma_start3A_1499 : memref<32x128xf32, #tpu.memory_space<hbm>>) target(%dma_start3A_1497 : memref<32x128xf32, #tpu.memory_space<vmem>>) target_semaphore(%arg17 : memref<!tpu.dma_semaphore, #tpu.memory_space<semaphore_mem>>)
        %dma_start3A_1500 = arith.constant 1 : i32
        %dma_start3A_1501 = arith.constant 0 : i32
        %dma_start3A_1502 = arith.constant 0 : i32
        %dma_start3A_1503 = tpu.memref_slice %arg10[%dma_start3A_1500, %dma_start3A_1501, %dma_start3A_1502] : memref<8x32x128xf32, #tpu.memory_space<vmem>> -> memref<1x32x128xf32, #tpu.memory_space<vmem>>
        %dma_start3A_1504 = tpu.memref_squeeze %dma_start3A_1503 : memref<1x32x128xf32, #tpu.memory_space<vmem>> -> memref<32x128xf32, #tpu.memory_space<vmem>>
        %dma_start3A_1505 = arith.constant 0 : i32
        %dma_start3A_1506 = tpu.memref_slice %arg3[%dma_start3A_1505, %multiple_of3A_1486] : memref<32x1000000xf32, #tpu.memory_space<hbm>> -> memref<32x128xf32, #tpu.memory_space<hbm>>
        %dma_start3A_1507 = arith.constant 0 : i32
        %dma_start3A_1508 = arith.constant 0 : i32
        %dma_start3A_1509 = tpu.memref_slice %arg10[%dma_start3A_1500, %dma_start3A_1507, %dma_start3A_1508] : memref<8x32x128xf32, #tpu.memory_space<vmem>> -> memref<1x32x128xf32, #tpu.memory_space<vmem>>
        %dma_start3A_1510 = tpu.memref_squeeze %dma_start3A_1509 : memref<1x32x128xf32, #tpu.memory_space<vmem>> -> memref<32x128xf32, #tpu.memory_space<vmem>>
        %dma_start3A_1511 = arith.constant 0 : i32
        %dma_start3A_1512 = tpu.memref_slice %arg3[%dma_start3A_1511, %multiple_of3A_1486] : memref<32x1000000xf32, #tpu.memory_space<hbm>> -> memref<32x128xf32, #tpu.memory_space<hbm>>
        tpu.enqueue_dma source(%dma_start3A_1512 : memref<32x128xf32, #tpu.memory_space<hbm>>) target(%dma_start3A_1510 : memref<32x128xf32, #tpu.memory_space<vmem>>) target_semaphore(%arg17 : memref<!tpu.dma_semaphore, #tpu.memory_space<semaphore_mem>>)
      } else {
      }
      %mul3A_709 = arith.mulf %gather3A_677, %gather3A_692 : vector<16xf32>
      %mul3A_710 = arith.mulf %mul3A_709, %get3A_3 : vector<16xf32>
      %mul3A_711 = arith.mulf %gather3A_686, %gather3A_701 : vector<16xf32>
      %mul3A_712 = arith.mulf %mul3A_711, %get3A_5 : vector<16xf32>
      %add3A_713 = arith.addf %mul3A_710, %mul3A_712 : vector<16xf32>
      %reduce_sum3A_714 = arith.constant true
      %reduce_sum3A_715 = vector.broadcast %reduce_sum3A_714 : i1 to vector<16xi1>
      %reduce_sum3A_716 = tpu.scan <sum>, %add3A_713 masked %reduce_sum3A_715 : vector<16xf32>, vector<16xi1> -> vector<16xf32>
      %reduce_sum3A_717 = vector.extract %reduce_sum3A_716[15] : f32 from vector<16xf32>
      %and3A_718 = arith.constant 15 : i32
      %and3A_719 = arith.andi %add3A_613, %and3A_718 : i32
      %eq3A_720 = vector.broadcast %and3A_719 : i32 to vector<16xi32>
      %eq3A_721 = arith.cmpi eq, %iota3A, %eq3A_720 : vector<16xi32>
      %broadcast_in_dim3A_722 = vector.broadcast %reduce_sum3A_717 : f32 to vector<16xf32>
      %select_n3A_723 = arith.select %eq3A_721, %broadcast_in_dim3A_722, %select_n3A_602 : vector<16xi1>, vector<16xf32>
      %and3A_724 = arith.constant 15 : i32
      %and3A_725 = arith.andi %add3A_613, %and3A_724 : i32
      %eq3A_726 = arith.constant 15 : i32
      %eq3A_727 = arith.cmpi eq, %and3A_725, %eq3A_726 : i32
      %convert_element_type3A_728 = arith.extui %eq3A_727 : i1 to i32
      %cond3A_729 = arith.constant 0 : i32
      %cond3A_730 = arith.cmpi ne, %convert_element_type3A_728, %cond3A_729 : i32
      scf.if %cond3A_730 {
        %add3A_1457 = arith.addf %select_n3A_723, %get3A_7 : vector<16xf32>
        %neg3A = arith.constant 0.000000e+00 : f32
        %neg3A_1458 = vector.broadcast %neg3A : f32 to vector<16xf32>
        %neg3A_1459 = arith.subf %neg3A_1458, %add3A_1457 : vector<16xf32>
        %exp3A = math.exp %neg3A_1459 : vector<16xf32>
        %add3A_1460 = arith.constant 1.000000e+00 : f32
        %add3A_1461 = vector.broadcast %add3A_1460 : f32 to vector<16xf32>
        %add3A_1462 = arith.addf %add3A_1461, %exp3A : vector<16xf32>
        %div3A = arith.constant 1.000000e+00 : f32
        %div3A_1463 = vector.broadcast %div3A : f32 to vector<16xf32>
        %div3A_1464 = arith.divf %div3A_1463, %add3A_1462 : vector<16xf32>
        %shift_right_arithmetic3A_1465 = arith.constant 4 : i32
        %shift_right_arithmetic3A_1466 = arith.shrsi %add3A_613, %shift_right_arithmetic3A_1465 : i32
        %shift_left3A = arith.constant 4 : i32
        %shift_left3A_1467 = arith.shli %shift_right_arithmetic3A_1466, %shift_left3A : i32
        %swap3A = arith.index_cast %shift_left3A_1467 : i32 to index
        %swap3A_1468 = tpu.vector_load %arg13[%swap3A] {strides = array<i32>} : memref<512xf32, #tpu.memory_space<vmem>>, vector<16xf32>,
        tpu.vector_store %arg13[%swap3A], %div3A_1464 {strides = array<i32>} : memref<512xf32, #tpu.memory_space<vmem>>, vector<16xf32>,
      } else {
      }
      %mul3A_731 = arith.constant 8 : i32
      %mul3A_732 = arith.muli %scan3A_459, %mul3A_731 : i32
      %add3A_733 = arith.constant 2 : i32
      %add3A_734 = arith.addi %mul3A_732, %add3A_733 : i32
      %dma_wait3A_735 = arith.constant 2 : i32
      %dma_wait3A_736 = arith.constant 0 : i32
      %dma_wait3A_737 = arith.constant 0 : i32
      %dma_wait3A_738 = tpu.memref_slice %arg9[%dma_wait3A_735, %dma_wait3A_736, %dma_wait3A_737] : memref<8x32x128xf32, #tpu.memory_space<vmem>> -> memref<1x32x128xf32, #tpu.memory_space<vmem>>
      %dma_wait3A_739 = tpu.memref_squeeze %dma_wait3A_738 : memref<1x32x128xf32, #tpu.memory_space<vmem>> -> memref<32x128xf32, #tpu.memory_space<vmem>>
      %dma_wait3A_740 = arith.constant 0 : i32
      %dma_wait3A_741 = arith.constant 0 : i32
      %dma_wait3A_742 = tpu.memref_slice %arg2[%dma_wait3A_740, %dma_wait3A_741] : memref<32x1000000xf32, #tpu.memory_space<hbm>> -> memref<32x128xf32, #tpu.memory_space<hbm>>
      %dma_wait3A_743 = arith.constant 0 : i32
      %dma_wait3A_744 = arith.constant 0 : i32
      %dma_wait3A_745 = tpu.memref_slice %arg9[%dma_wait3A_735, %dma_wait3A_743, %dma_wait3A_744] : memref<8x32x128xf32, #tpu.memory_space<vmem>> -> memref<1x32x128xf32, #tpu.memory_space<vmem>>
      %dma_wait3A_746 = tpu.memref_squeeze %dma_wait3A_745 : memref<1x32x128xf32, #tpu.memory_space<vmem>> -> memref<32x128xf32, #tpu.memory_space<vmem>>
      %dma_wait3A_747 = arith.constant 0 : i32
      %dma_wait3A_748 = arith.constant 0 : i32
      %dma_wait3A_749 = tpu.memref_slice %arg2[%dma_wait3A_747, %dma_wait3A_748] : memref<32x1000000xf32, #tpu.memory_space<hbm>> -> memref<32x128xf32, #tpu.memory_space<hbm>>
      tpu.wait_dma2 semaphore(%arg18 : memref<!tpu.dma_semaphore, #tpu.memory_space<semaphore_mem>>) src(%dma_wait3A_749 : memref<32x128xf32, #tpu.memory_space<hbm>>) dst(%dma_wait3A_746 : memref<32x128xf32, #tpu.memory_space<vmem>>)
      %dma_wait3A_750 = arith.constant 2 : i32
      %dma_wait3A_751 = arith.constant 0 : i32
      %dma_wait3A_752 = arith.constant 0 : i32
      %dma_wait3A_753 = tpu.memref_slice %arg10[%dma_wait3A_750, %dma_wait3A_751, %dma_wait3A_752] : memref<8x32x128xf32, #tpu.memory_space<vmem>> -> memref<1x32x128xf32, #tpu.memory_space<vmem>>
      %dma_wait3A_754 = tpu.memref_squeeze %dma_wait3A_753 : memref<1x32x128xf32, #tpu.memory_space<vmem>> -> memref<32x128xf32, #tpu.memory_space<vmem>>
      %dma_wait3A_755 = arith.constant 0 : i32
      %dma_wait3A_756 = arith.constant 0 : i32
      %dma_wait3A_757 = tpu.memref_slice %arg3[%dma_wait3A_755, %dma_wait3A_756] : memref<32x1000000xf32, #tpu.memory_space<hbm>> -> memref<32x128xf32, #tpu.memory_space<hbm>>
      %dma_wait3A_758 = arith.constant 0 : i32
      %dma_wait3A_759 = arith.constant 0 : i32
      %dma_wait3A_760 = tpu.memref_slice %arg10[%dma_wait3A_750, %dma_wait3A_758, %dma_wait3A_759] : memref<8x32x128xf32, #tpu.memory_space<vmem>> -> memref<1x32x128xf32, #tpu.memory_space<vmem>>
      %dma_wait3A_761 = tpu.memref_squeeze %dma_wait3A_760 : memref<1x32x128xf32, #tpu.memory_space<vmem>> -> memref<32x128xf32, #tpu.memory_space<vmem>>
      %dma_wait3A_762 = arith.constant 0 : i32
      %dma_wait3A_763 = arith.constant 0 : i32
      %dma_wait3A_764 = tpu.memref_slice %arg3[%dma_wait3A_762, %dma_wait3A_763] : memref<32x1000000xf32, #tpu.memory_space<hbm>> -> memref<32x128xf32, #tpu.memory_space<hbm>>
      tpu.wait_dma2 semaphore(%arg18 : memref<!tpu.dma_semaphore, #tpu.memory_space<semaphore_mem>>) src(%dma_wait3A_764 : memref<32x128xf32, #tpu.memory_space<hbm>>) dst(%dma_wait3A_761 : memref<32x128xf32, #tpu.memory_space<vmem>>)
      %add3A_765 = arith.constant 2 : i32
      %add3A_766 = arith.addi %and3A_487, %add3A_765 : i32
      %eq3A_767 = vector.broadcast %add3A_766 : i32 to vector<16xi32>
      %eq3A_768 = arith.cmpi eq, %iota3A, %eq3A_767 : vector<16xi32>
      %jit3A_769 = arith.constant 0 : i32
      %broadcast_in_dim3A_770 = vector.broadcast %jit3A_769 : i32 to vector<16xi32>
      %select_n3A_771 = arith.select %eq3A_768, %get3A_469, %broadcast_in_dim3A_770 : vector<16xi1>, vector<16xi32>
      %reduce_sum3A_772 = arith.constant true
      %reduce_sum3A_773 = vector.broadcast %reduce_sum3A_772 : i1 to vector<16xi1>
      %reduce_sum3A_774 = tpu.scan <sum>, %select_n3A_771 masked %reduce_sum3A_773 : vector<16xi32>, vector<16xi1> -> vector<16xi32>
      %reduce_sum3A_775 = vector.extract %reduce_sum3A_774[15] : i32 from vector<16xi32>
      %add3A_776 = arith.constant 2 : i32
      %add3A_777 = arith.addi %and3A_487, %add3A_776 : i32
      %eq3A_778 = vector.broadcast %add3A_777 : i32 to vector<16xi32>
      %eq3A_779 = arith.cmpi eq, %iota3A, %eq3A_778 : vector<16xi32>
      %jit3A_780 = arith.constant 0 : i32
      %broadcast_in_dim3A_781 = vector.broadcast %jit3A_780 : i32 to vector<16xi32>
      %select_n3A_782 = arith.select %eq3A_779, %get3A_471, %broadcast_in_dim3A_781 : vector<16xi1>, vector<16xi32>
      %reduce_sum3A_783 = arith.constant true
      %reduce_sum3A_784 = vector.broadcast %reduce_sum3A_783 : i1 to vector<16xi1>
      %reduce_sum3A_785 = tpu.scan <sum>, %select_n3A_782 masked %reduce_sum3A_784 : vector<16xi32>, vector<16xi1> -> vector<16xi32>
      %reduce_sum3A_786 = vector.extract %reduce_sum3A_785[15] : i32 from vector<16xi32>
      %and3A_787 = arith.constant 127 : i32
      %and3A_788 = arith.andi %reduce_sum3A_775, %and3A_787 : i32
      %broadcast_in_dim3A_789 = vector.broadcast %and3A_788 : i32 to vector<16xi32>
      %and3A_790 = arith.constant 127 : i32
      %and3A_791 = arith.andi %reduce_sum3A_786, %and3A_790 : i32
      %broadcast_in_dim3A_792 = vector.broadcast %and3A_791 : i32 to vector<16xi32>
      %gather3A_793 = arith.constant 2 : i32
      %gather3A_794 = arith.constant 0 : i32
      %gather3A_795 = arith.constant 0 : i32
      %gather3A_796 = tpu.memref_slice %arg9[%gather3A_793, %gather3A_794, %gather3A_795] : memref<8x32x128xf32, #tpu.memory_space<vmem>> -> memref<1x32x128xf32, #tpu.memory_space<vmem>>
      %gather3A_797 = tpu.memref_squeeze %gather3A_796 : memref<1x32x128xf32, #tpu.memory_space<vmem>> -> memref<32x128xf32, #tpu.memory_space<vmem>>
      %gather3A_798 = tpu.vector_load_idx %gather3A_797[%iota3A, %broadcast_in_dim3A_789] : memref<32x128xf32, #tpu.memory_space<vmem>>[vector<16xi32>, vector<16xi32>], vector<16xf32>,
      %add3A_799 = arith.constant 16 : i32
      %add3A_800 = vector.broadcast %add3A_799 : i32 to vector<16xi32>
      %add3A_801 = arith.addi %iota3A, %add3A_800 : vector<16xi32>
      %gather3A_802 = arith.constant 2 : i32
      %gather3A_803 = arith.constant 0 : i32
      %gather3A_804 = arith.constant 0 : i32
      %gather3A_805 = tpu.memref_slice %arg9[%gather3A_802, %gather3A_803, %gather3A_804] : memref<8x32x128xf32, #tpu.memory_space<vmem>> -> memref<1x32x128xf32, #tpu.memory_space<vmem>>
      %gather3A_806 = tpu.memref_squeeze %gather3A_805 : memref<1x32x128xf32, #tpu.memory_space<vmem>> -> memref<32x128xf32, #tpu.memory_space<vmem>>
      %gather3A_807 = tpu.vector_load_idx %gather3A_806[%add3A_801, %broadcast_in_dim3A_789] : memref<32x128xf32, #tpu.memory_space<vmem>>[vector<16xi32>, vector<16xi32>], vector<16xf32>,
      %gather3A_808 = arith.constant 2 : i32
      %gather3A_809 = arith.constant 0 : i32
      %gather3A_810 = arith.constant 0 : i32
      %gather3A_811 = tpu.memref_slice %arg10[%gather3A_808, %gather3A_809, %gather3A_810] : memref<8x32x128xf32, #tpu.memory_space<vmem>> -> memref<1x32x128xf32, #tpu.memory_space<vmem>>
      %gather3A_812 = tpu.memref_squeeze %gather3A_811 : memref<1x32x128xf32, #tpu.memory_space<vmem>> -> memref<32x128xf32, #tpu.memory_space<vmem>>
      %gather3A_813 = tpu.vector_load_idx %gather3A_812[%iota3A, %broadcast_in_dim3A_792] : memref<32x128xf32, #tpu.memory_space<vmem>>[vector<16xi32>, vector<16xi32>], vector<16xf32>,
      %add3A_814 = arith.constant 16 : i32
      %add3A_815 = vector.broadcast %add3A_814 : i32 to vector<16xi32>
      %add3A_816 = arith.addi %iota3A, %add3A_815 : vector<16xi32>
      %gather3A_817 = arith.constant 2 : i32
      %gather3A_818 = arith.constant 0 : i32
      %gather3A_819 = arith.constant 0 : i32
      %gather3A_820 = tpu.memref_slice %arg10[%gather3A_817, %gather3A_818, %gather3A_819] : memref<8x32x128xf32, #tpu.memory_space<vmem>> -> memref<1x32x128xf32, #tpu.memory_space<vmem>>
      %gather3A_821 = tpu.memref_squeeze %gather3A_820 : memref<1x32x128xf32, #tpu.memory_space<vmem>> -> memref<32x128xf32, #tpu.memory_space<vmem>>
      %gather3A_822 = tpu.vector_load_idx %gather3A_821[%add3A_816, %broadcast_in_dim3A_792] : memref<32x128xf32, #tpu.memory_space<vmem>>[vector<16xi32>, vector<16xi32>], vector<16xf32>,
      %add3A_823 = arith.constant 1 : i32
      %add3A_824 = arith.addi %scan3A_459, %add3A_823 : i32
      %lt3A_825 = arith.constant 64 : i32
      %lt3A_826 = arith.cmpi slt, %add3A_824, %lt3A_825 : i32
      %convert_element_type3A_827 = arith.extui %lt3A_826 : i1 to i32
      %cond3A_828 = arith.constant 0 : i32
      %cond3A_829 = arith.cmpi ne, %convert_element_type3A_827, %cond3A_828 : i32
      scf.if %cond3A_829 {
        %add3A_1457 = arith.constant 2 : i32
        %add3A_1458 = arith.addi %and3A_493, %add3A_1457 : i32
        %eq3A_1459 = vector.broadcast %add3A_1458 : i32 to vector<16xi32>
        %eq3A_1460 = arith.cmpi eq, %iota3A, %eq3A_1459 : vector<16xi32>
        %jit3A_1461 = arith.constant 0 : i32
        %broadcast_in_dim3A_1462 = vector.broadcast %jit3A_1461 : i32 to vector<16xi32>
        %select_n3A_1463 = arith.select %eq3A_1460, %get3A_482, %broadcast_in_dim3A_1462 : vector<16xi1>, vector<16xi32>
        %reduce_sum3A_1464 = arith.constant true
        %reduce_sum3A_1465 = vector.broadcast %reduce_sum3A_1464 : i1 to vector<16xi1>
        %reduce_sum3A_1466 = tpu.scan <sum>, %select_n3A_1463 masked %reduce_sum3A_1465 : vector<16xi32>, vector<16xi1> -> vector<16xi32>
        %reduce_sum3A_1467 = vector.extract %reduce_sum3A_1466[15] : i32 from vector<16xi32>
        %eq3A_1468 = vector.broadcast %add3A_1458 : i32 to vector<16xi32>
        %eq3A_1469 = arith.cmpi eq, %iota3A, %eq3A_1468 : vector<16xi32>
        %jit3A_1470 = arith.constant 0 : i32
        %broadcast_in_dim3A_1471 = vector.broadcast %jit3A_1470 : i32 to vector<16xi32>
        %select_n3A_1472 = arith.select %eq3A_1469, %get3A_484, %broadcast_in_dim3A_1471 : vector<16xi1>, vector<16xi32>
        %reduce_sum3A_1473 = arith.constant true
        %reduce_sum3A_1474 = vector.broadcast %reduce_sum3A_1473 : i1 to vector<16xi1>
        %reduce_sum3A_1475 = tpu.scan <sum>, %select_n3A_1472 masked %reduce_sum3A_1474 : vector<16xi32>, vector<16xi1> -> vector<16xi32>
        %reduce_sum3A_1476 = vector.extract %reduce_sum3A_1475[15] : i32 from vector<16xi32>
        %shift_right_arithmetic3A_1477 = arith.constant 7 : i32
        %shift_right_arithmetic3A_1478 = arith.shrsi %reduce_sum3A_1467, %shift_right_arithmetic3A_1477 : i32
        %mul3A_1479 = arith.constant 128 : i32
        %mul3A_1480 = arith.muli %shift_right_arithmetic3A_1478, %mul3A_1479 : i32
        %multiple_of3A_1481 = tpu.assume_multiple %mul3A_1480, 128 : i32
        %shift_right_arithmetic3A_1482 = arith.constant 7 : i32
        %shift_right_arithmetic3A_1483 = arith.shrsi %reduce_sum3A_1476, %shift_right_arithmetic3A_1482 : i32
        %mul3A_1484 = arith.constant 128 : i32
        %mul3A_1485 = arith.muli %shift_right_arithmetic3A_1483, %mul3A_1484 : i32
        %multiple_of3A_1486 = tpu.assume_multiple %mul3A_1485, 128 : i32
        %dma_start3A_1487 = arith.constant 2 : i32
        %dma_start3A_1488 = arith.constant 0 : i32
        %dma_start3A_1489 = arith.constant 0 : i32
        %dma_start3A_1490 = tpu.memref_slice %arg9[%dma_start3A_1487, %dma_start3A_1488, %dma_start3A_1489] : memref<8x32x128xf32, #tpu.memory_space<vmem>> -> memref<1x32x128xf32, #tpu.memory_space<vmem>>
        %dma_start3A_1491 = tpu.memref_squeeze %dma_start3A_1490 : memref<1x32x128xf32, #tpu.memory_space<vmem>> -> memref<32x128xf32, #tpu.memory_space<vmem>>
        %dma_start3A_1492 = arith.constant 0 : i32
        %dma_start3A_1493 = tpu.memref_slice %arg2[%dma_start3A_1492, %multiple_of3A_1481] : memref<32x1000000xf32, #tpu.memory_space<hbm>> -> memref<32x128xf32, #tpu.memory_space<hbm>>
        %dma_start3A_1494 = arith.constant 0 : i32
        %dma_start3A_1495 = arith.constant 0 : i32
        %dma_start3A_1496 = tpu.memref_slice %arg9[%dma_start3A_1487, %dma_start3A_1494, %dma_start3A_1495] : memref<8x32x128xf32, #tpu.memory_space<vmem>> -> memref<1x32x128xf32, #tpu.memory_space<vmem>>
        %dma_start3A_1497 = tpu.memref_squeeze %dma_start3A_1496 : memref<1x32x128xf32, #tpu.memory_space<vmem>> -> memref<32x128xf32, #tpu.memory_space<vmem>>
        %dma_start3A_1498 = arith.constant 0 : i32
        %dma_start3A_1499 = tpu.memref_slice %arg2[%dma_start3A_1498, %multiple_of3A_1481] : memref<32x1000000xf32, #tpu.memory_space<hbm>> -> memref<32x128xf32, #tpu.memory_space<hbm>>
        tpu.enqueue_dma source(%dma_start3A_1499 : memref<32x128xf32, #tpu.memory_space<hbm>>) target(%dma_start3A_1497 : memref<32x128xf32, #tpu.memory_space<vmem>>) target_semaphore(%arg18 : memref<!tpu.dma_semaphore, #tpu.memory_space<semaphore_mem>>)
        %dma_start3A_1500 = arith.constant 2 : i32
        %dma_start3A_1501 = arith.constant 0 : i32
        %dma_start3A_1502 = arith.constant 0 : i32
        %dma_start3A_1503 = tpu.memref_slice %arg10[%dma_start3A_1500, %dma_start3A_1501, %dma_start3A_1502] : memref<8x32x128xf32, #tpu.memory_space<vmem>> -> memref<1x32x128xf32, #tpu.memory_space<vmem>>
        %dma_start3A_1504 = tpu.memref_squeeze %dma_start3A_1503 : memref<1x32x128xf32, #tpu.memory_space<vmem>> -> memref<32x128xf32, #tpu.memory_space<vmem>>
        %dma_start3A_1505 = arith.constant 0 : i32
        %dma_start3A_1506 = tpu.memref_slice %arg3[%dma_start3A_1505, %multiple_of3A_1486] : memref<32x1000000xf32, #tpu.memory_space<hbm>> -> memref<32x128xf32, #tpu.memory_space<hbm>>
        %dma_start3A_1507 = arith.constant 0 : i32
        %dma_start3A_1508 = arith.constant 0 : i32
        %dma_start3A_1509 = tpu.memref_slice %arg10[%dma_start3A_1500, %dma_start3A_1507, %dma_start3A_1508] : memref<8x32x128xf32, #tpu.memory_space<vmem>> -> memref<1x32x128xf32, #tpu.memory_space<vmem>>
        %dma_start3A_1510 = tpu.memref_squeeze %dma_start3A_1509 : memref<1x32x128xf32, #tpu.memory_space<vmem>> -> memref<32x128xf32, #tpu.memory_space<vmem>>
        %dma_start3A_1511 = arith.constant 0 : i32
        %dma_start3A_1512 = tpu.memref_slice %arg3[%dma_start3A_1511, %multiple_of3A_1486] : memref<32x1000000xf32, #tpu.memory_space<hbm>> -> memref<32x128xf32, #tpu.memory_space<hbm>>
        tpu.enqueue_dma source(%dma_start3A_1512 : memref<32x128xf32, #tpu.memory_space<hbm>>) target(%dma_start3A_1510 : memref<32x128xf32, #tpu.memory_space<vmem>>) target_semaphore(%arg18 : memref<!tpu.dma_semaphore, #tpu.memory_space<semaphore_mem>>)
      } else {
      }
      %mul3A_830 = arith.mulf %gather3A_798, %gather3A_813 : vector<16xf32>
      %mul3A_831 = arith.mulf %mul3A_830, %get3A_3 : vector<16xf32>
      %mul3A_832 = arith.mulf %gather3A_807, %gather3A_822 : vector<16xf32>
      %mul3A_833 = arith.mulf %mul3A_832, %get3A_5 : vector<16xf32>
      %add3A_834 = arith.addf %mul3A_831, %mul3A_833 : vector<16xf32>
      %reduce_sum3A_835 = arith.constant true
      %reduce_sum3A_836 = vector.broadcast %reduce_sum3A_835 : i1 to vector<16xi1>
      %reduce_sum3A_837 = tpu.scan <sum>, %add3A_834 masked %reduce_sum3A_836 : vector<16xf32>, vector<16xi1> -> vector<16xf32>
      %reduce_sum3A_838 = vector.extract %reduce_sum3A_837[15] : f32 from vector<16xf32>
      %and3A_839 = arith.constant 15 : i32
      %and3A_840 = arith.andi %add3A_734, %and3A_839 : i32
      %eq3A_841 = vector.broadcast %and3A_840 : i32 to vector<16xi32>
      %eq3A_842 = arith.cmpi eq, %iota3A, %eq3A_841 : vector<16xi32>
      %broadcast_in_dim3A_843 = vector.broadcast %reduce_sum3A_838 : f32 to vector<16xf32>
      %select_n3A_844 = arith.select %eq3A_842, %broadcast_in_dim3A_843, %select_n3A_723 : vector<16xi1>, vector<16xf32>
      %and3A_845 = arith.constant 15 : i32
      %and3A_846 = arith.andi %add3A_734, %and3A_845 : i32
      %eq3A_847 = arith.constant 15 : i32
      %eq3A_848 = arith.cmpi eq, %and3A_846, %eq3A_847 : i32
      %convert_element_type3A_849 = arith.extui %eq3A_848 : i1 to i32
      %cond3A_850 = arith.constant 0 : i32
      %cond3A_851 = arith.cmpi ne, %convert_element_type3A_849, %cond3A_850 : i32
      scf.if %cond3A_851 {
        %add3A_1457 = arith.addf %select_n3A_844, %get3A_7 : vector<16xf32>
        %neg3A = arith.constant 0.000000e+00 : f32
        %neg3A_1458 = vector.broadcast %neg3A : f32 to vector<16xf32>
        %neg3A_1459 = arith.subf %neg3A_1458, %add3A_1457 : vector<16xf32>
        %exp3A = math.exp %neg3A_1459 : vector<16xf32>
        %add3A_1460 = arith.constant 1.000000e+00 : f32
        %add3A_1461 = vector.broadcast %add3A_1460 : f32 to vector<16xf32>
        %add3A_1462 = arith.addf %add3A_1461, %exp3A : vector<16xf32>
        %div3A = arith.constant 1.000000e+00 : f32
        %div3A_1463 = vector.broadcast %div3A : f32 to vector<16xf32>
        %div3A_1464 = arith.divf %div3A_1463, %add3A_1462 : vector<16xf32>
        %shift_right_arithmetic3A_1465 = arith.constant 4 : i32
        %shift_right_arithmetic3A_1466 = arith.shrsi %add3A_734, %shift_right_arithmetic3A_1465 : i32
        %shift_left3A = arith.constant 4 : i32
        %shift_left3A_1467 = arith.shli %shift_right_arithmetic3A_1466, %shift_left3A : i32
        %swap3A = arith.index_cast %shift_left3A_1467 : i32 to index
        %swap3A_1468 = tpu.vector_load %arg13[%swap3A] {strides = array<i32>} : memref<512xf32, #tpu.memory_space<vmem>>, vector<16xf32>,
        tpu.vector_store %arg13[%swap3A], %div3A_1464 {strides = array<i32>} : memref<512xf32, #tpu.memory_space<vmem>>, vector<16xf32>,
      } else {
      }
      %mul3A_852 = arith.constant 8 : i32
      %mul3A_853 = arith.muli %scan3A_459, %mul3A_852 : i32
      %add3A_854 = arith.constant 3 : i32
      %add3A_855 = arith.addi %mul3A_853, %add3A_854 : i32
      %dma_wait3A_856 = arith.constant 3 : i32
      %dma_wait3A_857 = arith.constant 0 : i32
      %dma_wait3A_858 = arith.constant 0 : i32
      %dma_wait3A_859 = tpu.memref_slice %arg9[%dma_wait3A_856, %dma_wait3A_857, %dma_wait3A_858] : memref<8x32x128xf32, #tpu.memory_space<vmem>> -> memref<1x32x128xf32, #tpu.memory_space<vmem>>
      %dma_wait3A_860 = tpu.memref_squeeze %dma_wait3A_859 : memref<1x32x128xf32, #tpu.memory_space<vmem>> -> memref<32x128xf32, #tpu.memory_space<vmem>>
      %dma_wait3A_861 = arith.constant 0 : i32
      %dma_wait3A_862 = arith.constant 0 : i32
      %dma_wait3A_863 = tpu.memref_slice %arg2[%dma_wait3A_861, %dma_wait3A_862] : memref<32x1000000xf32, #tpu.memory_space<hbm>> -> memref<32x128xf32, #tpu.memory_space<hbm>>
      %dma_wait3A_864 = arith.constant 0 : i32
      %dma_wait3A_865 = arith.constant 0 : i32
      %dma_wait3A_866 = tpu.memref_slice %arg9[%dma_wait3A_856, %dma_wait3A_864, %dma_wait3A_865] : memref<8x32x128xf32, #tpu.memory_space<vmem>> -> memref<1x32x128xf32, #tpu.memory_space<vmem>>
      %dma_wait3A_867 = tpu.memref_squeeze %dma_wait3A_866 : memref<1x32x128xf32, #tpu.memory_space<vmem>> -> memref<32x128xf32, #tpu.memory_space<vmem>>
      %dma_wait3A_868 = arith.constant 0 : i32
      %dma_wait3A_869 = arith.constant 0 : i32
      %dma_wait3A_870 = tpu.memref_slice %arg2[%dma_wait3A_868, %dma_wait3A_869] : memref<32x1000000xf32, #tpu.memory_space<hbm>> -> memref<32x128xf32, #tpu.memory_space<hbm>>
      tpu.wait_dma2 semaphore(%arg19 : memref<!tpu.dma_semaphore, #tpu.memory_space<semaphore_mem>>) src(%dma_wait3A_870 : memref<32x128xf32, #tpu.memory_space<hbm>>) dst(%dma_wait3A_867 : memref<32x128xf32, #tpu.memory_space<vmem>>)
      %dma_wait3A_871 = arith.constant 3 : i32
      %dma_wait3A_872 = arith.constant 0 : i32
      %dma_wait3A_873 = arith.constant 0 : i32
      %dma_wait3A_874 = tpu.memref_slice %arg10[%dma_wait3A_871, %dma_wait3A_872, %dma_wait3A_873] : memref<8x32x128xf32, #tpu.memory_space<vmem>> -> memref<1x32x128xf32, #tpu.memory_space<vmem>>
      %dma_wait3A_875 = tpu.memref_squeeze %dma_wait3A_874 : memref<1x32x128xf32, #tpu.memory_space<vmem>> -> memref<32x128xf32, #tpu.memory_space<vmem>>
      %dma_wait3A_876 = arith.constant 0 : i32
      %dma_wait3A_877 = arith.constant 0 : i32
      %dma_wait3A_878 = tpu.memref_slice %arg3[%dma_wait3A_876, %dma_wait3A_877] : memref<32x1000000xf32, #tpu.memory_space<hbm>> -> memref<32x128xf32, #tpu.memory_space<hbm>>
      %dma_wait3A_879 = arith.constant 0 : i32
      %dma_wait3A_880 = arith.constant 0 : i32
      %dma_wait3A_881 = tpu.memref_slice %arg10[%dma_wait3A_871, %dma_wait3A_879, %dma_wait3A_880] : memref<8x32x128xf32, #tpu.memory_space<vmem>> -> memref<1x32x128xf32, #tpu.memory_space<vmem>>
      %dma_wait3A_882 = tpu.memref_squeeze %dma_wait3A_881 : memref<1x32x128xf32, #tpu.memory_space<vmem>> -> memref<32x128xf32, #tpu.memory_space<vmem>>
      %dma_wait3A_883 = arith.constant 0 : i32
      %dma_wait3A_884 = arith.constant 0 : i32
      %dma_wait3A_885 = tpu.memref_slice %arg3[%dma_wait3A_883, %dma_wait3A_884] : memref<32x1000000xf32, #tpu.memory_space<hbm>> -> memref<32x128xf32, #tpu.memory_space<hbm>>
      tpu.wait_dma2 semaphore(%arg19 : memref<!tpu.dma_semaphore, #tpu.memory_space<semaphore_mem>>) src(%dma_wait3A_885 : memref<32x128xf32, #tpu.memory_space<hbm>>) dst(%dma_wait3A_882 : memref<32x128xf32, #tpu.memory_space<vmem>>)
      %add3A_886 = arith.constant 3 : i32
      %add3A_887 = arith.addi %and3A_487, %add3A_886 : i32
      %eq3A_888 = vector.broadcast %add3A_887 : i32 to vector<16xi32>
      %eq3A_889 = arith.cmpi eq, %iota3A, %eq3A_888 : vector<16xi32>
      %jit3A_890 = arith.constant 0 : i32
      %broadcast_in_dim3A_891 = vector.broadcast %jit3A_890 : i32 to vector<16xi32>
      %select_n3A_892 = arith.select %eq3A_889, %get3A_469, %broadcast_in_dim3A_891 : vector<16xi1>, vector<16xi32>
      %reduce_sum3A_893 = arith.constant true
      %reduce_sum3A_894 = vector.broadcast %reduce_sum3A_893 : i1 to vector<16xi1>
      %reduce_sum3A_895 = tpu.scan <sum>, %select_n3A_892 masked %reduce_sum3A_894 : vector<16xi32>, vector<16xi1> -> vector<16xi32>
      %reduce_sum3A_896 = vector.extract %reduce_sum3A_895[15] : i32 from vector<16xi32>
      %add3A_897 = arith.constant 3 : i32
      %add3A_898 = arith.addi %and3A_487, %add3A_897 : i32
      %eq3A_899 = vector.broadcast %add3A_898 : i32 to vector<16xi32>
      %eq3A_900 = arith.cmpi eq, %iota3A, %eq3A_899 : vector<16xi32>
      %jit3A_901 = arith.constant 0 : i32
      %broadcast_in_dim3A_902 = vector.broadcast %jit3A_901 : i32 to vector<16xi32>
      %select_n3A_903 = arith.select %eq3A_900, %get3A_471, %broadcast_in_dim3A_902 : vector<16xi1>, vector<16xi32>
      %reduce_sum3A_904 = arith.constant true
      %reduce_sum3A_905 = vector.broadcast %reduce_sum3A_904 : i1 to vector<16xi1>
      %reduce_sum3A_906 = tpu.scan <sum>, %select_n3A_903 masked %reduce_sum3A_905 : vector<16xi32>, vector<16xi1> -> vector<16xi32>
      %reduce_sum3A_907 = vector.extract %reduce_sum3A_906[15] : i32 from vector<16xi32>
      %and3A_908 = arith.constant 127 : i32
      %and3A_909 = arith.andi %reduce_sum3A_896, %and3A_908 : i32
      %broadcast_in_dim3A_910 = vector.broadcast %and3A_909 : i32 to vector<16xi32>
      %and3A_911 = arith.constant 127 : i32
      %and3A_912 = arith.andi %reduce_sum3A_907, %and3A_911 : i32
      %broadcast_in_dim3A_913 = vector.broadcast %and3A_912 : i32 to vector<16xi32>
      %gather3A_914 = arith.constant 3 : i32
      %gather3A_915 = arith.constant 0 : i32
      %gather3A_916 = arith.constant 0 : i32
      %gather3A_917 = tpu.memref_slice %arg9[%gather3A_914, %gather3A_915, %gather3A_916] : memref<8x32x128xf32, #tpu.memory_space<vmem>> -> memref<1x32x128xf32, #tpu.memory_space<vmem>>
      %gather3A_918 = tpu.memref_squeeze %gather3A_917 : memref<1x32x128xf32, #tpu.memory_space<vmem>> -> memref<32x128xf32, #tpu.memory_space<vmem>>
      %gather3A_919 = tpu.vector_load_idx %gather3A_918[%iota3A, %broadcast_in_dim3A_910] : memref<32x128xf32, #tpu.memory_space<vmem>>[vector<16xi32>, vector<16xi32>], vector<16xf32>,
      %add3A_920 = arith.constant 16 : i32
      %add3A_921 = vector.broadcast %add3A_920 : i32 to vector<16xi32>
      %add3A_922 = arith.addi %iota3A, %add3A_921 : vector<16xi32>
      %gather3A_923 = arith.constant 3 : i32
      %gather3A_924 = arith.constant 0 : i32
      %gather3A_925 = arith.constant 0 : i32
      %gather3A_926 = tpu.memref_slice %arg9[%gather3A_923, %gather3A_924, %gather3A_925] : memref<8x32x128xf32, #tpu.memory_space<vmem>> -> memref<1x32x128xf32, #tpu.memory_space<vmem>>
      %gather3A_927 = tpu.memref_squeeze %gather3A_926 : memref<1x32x128xf32, #tpu.memory_space<vmem>> -> memref<32x128xf32, #tpu.memory_space<vmem>>
      %gather3A_928 = tpu.vector_load_idx %gather3A_927[%add3A_922, %broadcast_in_dim3A_910] : memref<32x128xf32, #tpu.memory_space<vmem>>[vector<16xi32>, vector<16xi32>], vector<16xf32>,
      %gather3A_929 = arith.constant 3 : i32
      %gather3A_930 = arith.constant 0 : i32
      %gather3A_931 = arith.constant 0 : i32
      %gather3A_932 = tpu.memref_slice %arg10[%gather3A_929, %gather3A_930, %gather3A_931] : memref<8x32x128xf32, #tpu.memory_space<vmem>> -> memref<1x32x128xf32, #tpu.memory_space<vmem>>
      %gather3A_933 = tpu.memref_squeeze %gather3A_932 : memref<1x32x128xf32, #tpu.memory_space<vmem>> -> memref<32x128xf32, #tpu.memory_space<vmem>>
      %gather3A_934 = tpu.vector_load_idx %gather3A_933[%iota3A, %broadcast_in_dim3A_913] : memref<32x128xf32, #tpu.memory_space<vmem>>[vector<16xi32>, vector<16xi32>], vector<16xf32>,
      %add3A_935 = arith.constant 16 : i32
      %add3A_936 = vector.broadcast %add3A_935 : i32 to vector<16xi32>
      %add3A_937 = arith.addi %iota3A, %add3A_936 : vector<16xi32>
      %gather3A_938 = arith.constant 3 : i32
      %gather3A_939 = arith.constant 0 : i32
      %gather3A_940 = arith.constant 0 : i32
      %gather3A_941 = tpu.memref_slice %arg10[%gather3A_938, %gather3A_939, %gather3A_940] : memref<8x32x128xf32, #tpu.memory_space<vmem>> -> memref<1x32x128xf32, #tpu.memory_space<vmem>>
      %gather3A_942 = tpu.memref_squeeze %gather3A_941 : memref<1x32x128xf32, #tpu.memory_space<vmem>> -> memref<32x128xf32, #tpu.memory_space<vmem>>
      %gather3A_943 = tpu.vector_load_idx %gather3A_942[%add3A_937, %broadcast_in_dim3A_913] : memref<32x128xf32, #tpu.memory_space<vmem>>[vector<16xi32>, vector<16xi32>], vector<16xf32>,
      %add3A_944 = arith.constant 1 : i32
      %add3A_945 = arith.addi %scan3A_459, %add3A_944 : i32
      %lt3A_946 = arith.constant 64 : i32
      %lt3A_947 = arith.cmpi slt, %add3A_945, %lt3A_946 : i32
      %convert_element_type3A_948 = arith.extui %lt3A_947 : i1 to i32
      %cond3A_949 = arith.constant 0 : i32
      %cond3A_950 = arith.cmpi ne, %convert_element_type3A_948, %cond3A_949 : i32
      scf.if %cond3A_950 {
        %add3A_1457 = arith.constant 3 : i32
        %add3A_1458 = arith.addi %and3A_493, %add3A_1457 : i32
        %eq3A_1459 = vector.broadcast %add3A_1458 : i32 to vector<16xi32>
        %eq3A_1460 = arith.cmpi eq, %iota3A, %eq3A_1459 : vector<16xi32>
        %jit3A_1461 = arith.constant 0 : i32
        %broadcast_in_dim3A_1462 = vector.broadcast %jit3A_1461 : i32 to vector<16xi32>
        %select_n3A_1463 = arith.select %eq3A_1460, %get3A_482, %broadcast_in_dim3A_1462 : vector<16xi1>, vector<16xi32>
        %reduce_sum3A_1464 = arith.constant true
        %reduce_sum3A_1465 = vector.broadcast %reduce_sum3A_1464 : i1 to vector<16xi1>
        %reduce_sum3A_1466 = tpu.scan <sum>, %select_n3A_1463 masked %reduce_sum3A_1465 : vector<16xi32>, vector<16xi1> -> vector<16xi32>
        %reduce_sum3A_1467 = vector.extract %reduce_sum3A_1466[15] : i32 from vector<16xi32>
        %eq3A_1468 = vector.broadcast %add3A_1458 : i32 to vector<16xi32>
        %eq3A_1469 = arith.cmpi eq, %iota3A, %eq3A_1468 : vector<16xi32>
        %jit3A_1470 = arith.constant 0 : i32
        %broadcast_in_dim3A_1471 = vector.broadcast %jit3A_1470 : i32 to vector<16xi32>
        %select_n3A_1472 = arith.select %eq3A_1469, %get3A_484, %broadcast_in_dim3A_1471 : vector<16xi1>, vector<16xi32>
        %reduce_sum3A_1473 = arith.constant true
        %reduce_sum3A_1474 = vector.broadcast %reduce_sum3A_1473 : i1 to vector<16xi1>
        %reduce_sum3A_1475 = tpu.scan <sum>, %select_n3A_1472 masked %reduce_sum3A_1474 : vector<16xi32>, vector<16xi1> -> vector<16xi32>
        %reduce_sum3A_1476 = vector.extract %reduce_sum3A_1475[15] : i32 from vector<16xi32>
        %shift_right_arithmetic3A_1477 = arith.constant 7 : i32
        %shift_right_arithmetic3A_1478 = arith.shrsi %reduce_sum3A_1467, %shift_right_arithmetic3A_1477 : i32
        %mul3A_1479 = arith.constant 128 : i32
        %mul3A_1480 = arith.muli %shift_right_arithmetic3A_1478, %mul3A_1479 : i32
        %multiple_of3A_1481 = tpu.assume_multiple %mul3A_1480, 128 : i32
        %shift_right_arithmetic3A_1482 = arith.constant 7 : i32
        %shift_right_arithmetic3A_1483 = arith.shrsi %reduce_sum3A_1476, %shift_right_arithmetic3A_1482 : i32
        %mul3A_1484 = arith.constant 128 : i32
        %mul3A_1485 = arith.muli %shift_right_arithmetic3A_1483, %mul3A_1484 : i32
        %multiple_of3A_1486 = tpu.assume_multiple %mul3A_1485, 128 : i32
        %dma_start3A_1487 = arith.constant 3 : i32
        %dma_start3A_1488 = arith.constant 0 : i32
        %dma_start3A_1489 = arith.constant 0 : i32
        %dma_start3A_1490 = tpu.memref_slice %arg9[%dma_start3A_1487, %dma_start3A_1488, %dma_start3A_1489] : memref<8x32x128xf32, #tpu.memory_space<vmem>> -> memref<1x32x128xf32, #tpu.memory_space<vmem>>
        %dma_start3A_1491 = tpu.memref_squeeze %dma_start3A_1490 : memref<1x32x128xf32, #tpu.memory_space<vmem>> -> memref<32x128xf32, #tpu.memory_space<vmem>>
        %dma_start3A_1492 = arith.constant 0 : i32
        %dma_start3A_1493 = tpu.memref_slice %arg2[%dma_start3A_1492, %multiple_of3A_1481] : memref<32x1000000xf32, #tpu.memory_space<hbm>> -> memref<32x128xf32, #tpu.memory_space<hbm>>
        %dma_start3A_1494 = arith.constant 0 : i32
        %dma_start3A_1495 = arith.constant 0 : i32
        %dma_start3A_1496 = tpu.memref_slice %arg9[%dma_start3A_1487, %dma_start3A_1494, %dma_start3A_1495] : memref<8x32x128xf32, #tpu.memory_space<vmem>> -> memref<1x32x128xf32, #tpu.memory_space<vmem>>
        %dma_start3A_1497 = tpu.memref_squeeze %dma_start3A_1496 : memref<1x32x128xf32, #tpu.memory_space<vmem>> -> memref<32x128xf32, #tpu.memory_space<vmem>>
        %dma_start3A_1498 = arith.constant 0 : i32
        %dma_start3A_1499 = tpu.memref_slice %arg2[%dma_start3A_1498, %multiple_of3A_1481] : memref<32x1000000xf32, #tpu.memory_space<hbm>> -> memref<32x128xf32, #tpu.memory_space<hbm>>
        tpu.enqueue_dma source(%dma_start3A_1499 : memref<32x128xf32, #tpu.memory_space<hbm>>) target(%dma_start3A_1497 : memref<32x128xf32, #tpu.memory_space<vmem>>) target_semaphore(%arg19 : memref<!tpu.dma_semaphore, #tpu.memory_space<semaphore_mem>>)
        %dma_start3A_1500 = arith.constant 3 : i32
        %dma_start3A_1501 = arith.constant 0 : i32
        %dma_start3A_1502 = arith.constant 0 : i32
        %dma_start3A_1503 = tpu.memref_slice %arg10[%dma_start3A_1500, %dma_start3A_1501, %dma_start3A_1502] : memref<8x32x128xf32, #tpu.memory_space<vmem>> -> memref<1x32x128xf32, #tpu.memory_space<vmem>>
        %dma_start3A_1504 = tpu.memref_squeeze %dma_start3A_1503 : memref<1x32x128xf32, #tpu.memory_space<vmem>> -> memref<32x128xf32, #tpu.memory_space<vmem>>
        %dma_start3A_1505 = arith.constant 0 : i32
        %dma_start3A_1506 = tpu.memref_slice %arg3[%dma_start3A_1505, %multiple_of3A_1486] : memref<32x1000000xf32, #tpu.memory_space<hbm>> -> memref<32x128xf32, #tpu.memory_space<hbm>>
        %dma_start3A_1507 = arith.constant 0 : i32
        %dma_start3A_1508 = arith.constant 0 : i32
        %dma_start3A_1509 = tpu.memref_slice %arg10[%dma_start3A_1500, %dma_start3A_1507, %dma_start3A_1508] : memref<8x32x128xf32, #tpu.memory_space<vmem>> -> memref<1x32x128xf32, #tpu.memory_space<vmem>>
        %dma_start3A_1510 = tpu.memref_squeeze %dma_start3A_1509 : memref<1x32x128xf32, #tpu.memory_space<vmem>> -> memref<32x128xf32, #tpu.memory_space<vmem>>
        %dma_start3A_1511 = arith.constant 0 : i32
        %dma_start3A_1512 = tpu.memref_slice %arg3[%dma_start3A_1511, %multiple_of3A_1486] : memref<32x1000000xf32, #tpu.memory_space<hbm>> -> memref<32x128xf32, #tpu.memory_space<hbm>>
        tpu.enqueue_dma source(%dma_start3A_1512 : memref<32x128xf32, #tpu.memory_space<hbm>>) target(%dma_start3A_1510 : memref<32x128xf32, #tpu.memory_space<vmem>>) target_semaphore(%arg19 : memref<!tpu.dma_semaphore, #tpu.memory_space<semaphore_mem>>)
      } else {
      }
      %mul3A_951 = arith.mulf %gather3A_919, %gather3A_934 : vector<16xf32>
      %mul3A_952 = arith.mulf %mul3A_951, %get3A_3 : vector<16xf32>
      %mul3A_953 = arith.mulf %gather3A_928, %gather3A_943 : vector<16xf32>
      %mul3A_954 = arith.mulf %mul3A_953, %get3A_5 : vector<16xf32>
      %add3A_955 = arith.addf %mul3A_952, %mul3A_954 : vector<16xf32>
      %reduce_sum3A_956 = arith.constant true
      %reduce_sum3A_957 = vector.broadcast %reduce_sum3A_956 : i1 to vector<16xi1>
      %reduce_sum3A_958 = tpu.scan <sum>, %add3A_955 masked %reduce_sum3A_957 : vector<16xf32>, vector<16xi1> -> vector<16xf32>
      %reduce_sum3A_959 = vector.extract %reduce_sum3A_958[15] : f32 from vector<16xf32>
      %and3A_960 = arith.constant 15 : i32
      %and3A_961 = arith.andi %add3A_855, %and3A_960 : i32
      %eq3A_962 = vector.broadcast %and3A_961 : i32 to vector<16xi32>
      %eq3A_963 = arith.cmpi eq, %iota3A, %eq3A_962 : vector<16xi32>
      %broadcast_in_dim3A_964 = vector.broadcast %reduce_sum3A_959 : f32 to vector<16xf32>
      %select_n3A_965 = arith.select %eq3A_963, %broadcast_in_dim3A_964, %select_n3A_844 : vector<16xi1>, vector<16xf32>
      %and3A_966 = arith.constant 15 : i32
      %and3A_967 = arith.andi %add3A_855, %and3A_966 : i32
      %eq3A_968 = arith.constant 15 : i32
      %eq3A_969 = arith.cmpi eq, %and3A_967, %eq3A_968 : i32
      %convert_element_type3A_970 = arith.extui %eq3A_969 : i1 to i32
      %cond3A_971 = arith.constant 0 : i32
      %cond3A_972 = arith.cmpi ne, %convert_element_type3A_970, %cond3A_971 : i32
      scf.if %cond3A_972 {
        %add3A_1457 = arith.addf %select_n3A_965, %get3A_7 : vector<16xf32>
        %neg3A = arith.constant 0.000000e+00 : f32
        %neg3A_1458 = vector.broadcast %neg3A : f32 to vector<16xf32>
        %neg3A_1459 = arith.subf %neg3A_1458, %add3A_1457 : vector<16xf32>
        %exp3A = math.exp %neg3A_1459 : vector<16xf32>
        %add3A_1460 = arith.constant 1.000000e+00 : f32
        %add3A_1461 = vector.broadcast %add3A_1460 : f32 to vector<16xf32>
        %add3A_1462 = arith.addf %add3A_1461, %exp3A : vector<16xf32>
        %div3A = arith.constant 1.000000e+00 : f32
        %div3A_1463 = vector.broadcast %div3A : f32 to vector<16xf32>
        %div3A_1464 = arith.divf %div3A_1463, %add3A_1462 : vector<16xf32>
        %shift_right_arithmetic3A_1465 = arith.constant 4 : i32
        %shift_right_arithmetic3A_1466 = arith.shrsi %add3A_855, %shift_right_arithmetic3A_1465 : i32
        %shift_left3A = arith.constant 4 : i32
        %shift_left3A_1467 = arith.shli %shift_right_arithmetic3A_1466, %shift_left3A : i32
        %swap3A = arith.index_cast %shift_left3A_1467 : i32 to index
        %swap3A_1468 = tpu.vector_load %arg13[%swap3A] {strides = array<i32>} : memref<512xf32, #tpu.memory_space<vmem>>, vector<16xf32>,
        tpu.vector_store %arg13[%swap3A], %div3A_1464 {strides = array<i32>} : memref<512xf32, #tpu.memory_space<vmem>>, vector<16xf32>,
      } else {
      }
      %mul3A_973 = arith.constant 8 : i32
      %mul3A_974 = arith.muli %scan3A_459, %mul3A_973 : i32
      %add3A_975 = arith.constant 4 : i32
      %add3A_976 = arith.addi %mul3A_974, %add3A_975 : i32
      %dma_wait3A_977 = arith.constant 4 : i32
      %dma_wait3A_978 = arith.constant 0 : i32
      %dma_wait3A_979 = arith.constant 0 : i32
      %dma_wait3A_980 = tpu.memref_slice %arg9[%dma_wait3A_977, %dma_wait3A_978, %dma_wait3A_979] : memref<8x32x128xf32, #tpu.memory_space<vmem>> -> memref<1x32x128xf32, #tpu.memory_space<vmem>>
      %dma_wait3A_981 = tpu.memref_squeeze %dma_wait3A_980 : memref<1x32x128xf32, #tpu.memory_space<vmem>> -> memref<32x128xf32, #tpu.memory_space<vmem>>
      %dma_wait3A_982 = arith.constant 0 : i32
      %dma_wait3A_983 = arith.constant 0 : i32
      %dma_wait3A_984 = tpu.memref_slice %arg2[%dma_wait3A_982, %dma_wait3A_983] : memref<32x1000000xf32, #tpu.memory_space<hbm>> -> memref<32x128xf32, #tpu.memory_space<hbm>>
      %dma_wait3A_985 = arith.constant 0 : i32
      %dma_wait3A_986 = arith.constant 0 : i32
      %dma_wait3A_987 = tpu.memref_slice %arg9[%dma_wait3A_977, %dma_wait3A_985, %dma_wait3A_986] : memref<8x32x128xf32, #tpu.memory_space<vmem>> -> memref<1x32x128xf32, #tpu.memory_space<vmem>>
      %dma_wait3A_988 = tpu.memref_squeeze %dma_wait3A_987 : memref<1x32x128xf32, #tpu.memory_space<vmem>> -> memref<32x128xf32, #tpu.memory_space<vmem>>
      %dma_wait3A_989 = arith.constant 0 : i32
      %dma_wait3A_990 = arith.constant 0 : i32
      %dma_wait3A_991 = tpu.memref_slice %arg2[%dma_wait3A_989, %dma_wait3A_990] : memref<32x1000000xf32, #tpu.memory_space<hbm>> -> memref<32x128xf32, #tpu.memory_space<hbm>>
      tpu.wait_dma2 semaphore(%arg20 : memref<!tpu.dma_semaphore, #tpu.memory_space<semaphore_mem>>) src(%dma_wait3A_991 : memref<32x128xf32, #tpu.memory_space<hbm>>) dst(%dma_wait3A_988 : memref<32x128xf32, #tpu.memory_space<vmem>>)
      %dma_wait3A_992 = arith.constant 4 : i32
      %dma_wait3A_993 = arith.constant 0 : i32
      %dma_wait3A_994 = arith.constant 0 : i32
      %dma_wait3A_995 = tpu.memref_slice %arg10[%dma_wait3A_992, %dma_wait3A_993, %dma_wait3A_994] : memref<8x32x128xf32, #tpu.memory_space<vmem>> -> memref<1x32x128xf32, #tpu.memory_space<vmem>>
      %dma_wait3A_996 = tpu.memref_squeeze %dma_wait3A_995 : memref<1x32x128xf32, #tpu.memory_space<vmem>> -> memref<32x128xf32, #tpu.memory_space<vmem>>
      %dma_wait3A_997 = arith.constant 0 : i32
      %dma_wait3A_998 = arith.constant 0 : i32
      %dma_wait3A_999 = tpu.memref_slice %arg3[%dma_wait3A_997, %dma_wait3A_998] : memref<32x1000000xf32, #tpu.memory_space<hbm>> -> memref<32x128xf32, #tpu.memory_space<hbm>>
      %dma_wait3A_1000 = arith.constant 0 : i32
      %dma_wait3A_1001 = arith.constant 0 : i32
      %dma_wait3A_1002 = tpu.memref_slice %arg10[%dma_wait3A_992, %dma_wait3A_1000, %dma_wait3A_1001] : memref<8x32x128xf32, #tpu.memory_space<vmem>> -> memref<1x32x128xf32, #tpu.memory_space<vmem>>
      %dma_wait3A_1003 = tpu.memref_squeeze %dma_wait3A_1002 : memref<1x32x128xf32, #tpu.memory_space<vmem>> -> memref<32x128xf32, #tpu.memory_space<vmem>>
      %dma_wait3A_1004 = arith.constant 0 : i32
      %dma_wait3A_1005 = arith.constant 0 : i32
      %dma_wait3A_1006 = tpu.memref_slice %arg3[%dma_wait3A_1004, %dma_wait3A_1005] : memref<32x1000000xf32, #tpu.memory_space<hbm>> -> memref<32x128xf32, #tpu.memory_space<hbm>>
      tpu.wait_dma2 semaphore(%arg20 : memref<!tpu.dma_semaphore, #tpu.memory_space<semaphore_mem>>) src(%dma_wait3A_1006 : memref<32x128xf32, #tpu.memory_space<hbm>>) dst(%dma_wait3A_1003 : memref<32x128xf32, #tpu.memory_space<vmem>>)
      %add3A_1007 = arith.constant 4 : i32
      %add3A_1008 = arith.addi %and3A_487, %add3A_1007 : i32
      %eq3A_1009 = vector.broadcast %add3A_1008 : i32 to vector<16xi32>
      %eq3A_1010 = arith.cmpi eq, %iota3A, %eq3A_1009 : vector<16xi32>
      %jit3A_1011 = arith.constant 0 : i32
      %broadcast_in_dim3A_1012 = vector.broadcast %jit3A_1011 : i32 to vector<16xi32>
      %select_n3A_1013 = arith.select %eq3A_1010, %get3A_469, %broadcast_in_dim3A_1012 : vector<16xi1>, vector<16xi32>
      %reduce_sum3A_1014 = arith.constant true
      %reduce_sum3A_1015 = vector.broadcast %reduce_sum3A_1014 : i1 to vector<16xi1>
      %reduce_sum3A_1016 = tpu.scan <sum>, %select_n3A_1013 masked %reduce_sum3A_1015 : vector<16xi32>, vector<16xi1> -> vector<16xi32>
      %reduce_sum3A_1017 = vector.extract %reduce_sum3A_1016[15] : i32 from vector<16xi32>
      %add3A_1018 = arith.constant 4 : i32
      %add3A_1019 = arith.addi %and3A_487, %add3A_1018 : i32
      %eq3A_1020 = vector.broadcast %add3A_1019 : i32 to vector<16xi32>
      %eq3A_1021 = arith.cmpi eq, %iota3A, %eq3A_1020 : vector<16xi32>
      %jit3A_1022 = arith.constant 0 : i32
      %broadcast_in_dim3A_1023 = vector.broadcast %jit3A_1022 : i32 to vector<16xi32>
      %select_n3A_1024 = arith.select %eq3A_1021, %get3A_471, %broadcast_in_dim3A_1023 : vector<16xi1>, vector<16xi32>
      %reduce_sum3A_1025 = arith.constant true
      %reduce_sum3A_1026 = vector.broadcast %reduce_sum3A_1025 : i1 to vector<16xi1>
      %reduce_sum3A_1027 = tpu.scan <sum>, %select_n3A_1024 masked %reduce_sum3A_1026 : vector<16xi32>, vector<16xi1> -> vector<16xi32>
      %reduce_sum3A_1028 = vector.extract %reduce_sum3A_1027[15] : i32 from vector<16xi32>
      %and3A_1029 = arith.constant 127 : i32
      %and3A_1030 = arith.andi %reduce_sum3A_1017, %and3A_1029 : i32
      %broadcast_in_dim3A_1031 = vector.broadcast %and3A_1030 : i32 to vector<16xi32>
      %and3A_1032 = arith.constant 127 : i32
      %and3A_1033 = arith.andi %reduce_sum3A_1028, %and3A_1032 : i32
      %broadcast_in_dim3A_1034 = vector.broadcast %and3A_1033 : i32 to vector<16xi32>
      %gather3A_1035 = arith.constant 4 : i32
      %gather3A_1036 = arith.constant 0 : i32
      %gather3A_1037 = arith.constant 0 : i32
      %gather3A_1038 = tpu.memref_slice %arg9[%gather3A_1035, %gather3A_1036, %gather3A_1037] : memref<8x32x128xf32, #tpu.memory_space<vmem>> -> memref<1x32x128xf32, #tpu.memory_space<vmem>>
      %gather3A_1039 = tpu.memref_squeeze %gather3A_1038 : memref<1x32x128xf32, #tpu.memory_space<vmem>> -> memref<32x128xf32, #tpu.memory_space<vmem>>
      %gather3A_1040 = tpu.vector_load_idx %gather3A_1039[%iota3A, %broadcast_in_dim3A_1031] : memref<32x128xf32, #tpu.memory_space<vmem>>[vector<16xi32>, vector<16xi32>], vector<16xf32>,
      %add3A_1041 = arith.constant 16 : i32
      %add3A_1042 = vector.broadcast %add3A_1041 : i32 to vector<16xi32>
      %add3A_1043 = arith.addi %iota3A, %add3A_1042 : vector<16xi32>
      %gather3A_1044 = arith.constant 4 : i32
      %gather3A_1045 = arith.constant 0 : i32
      %gather3A_1046 = arith.constant 0 : i32
      %gather3A_1047 = tpu.memref_slice %arg9[%gather3A_1044, %gather3A_1045, %gather3A_1046] : memref<8x32x128xf32, #tpu.memory_space<vmem>> -> memref<1x32x128xf32, #tpu.memory_space<vmem>>
      %gather3A_1048 = tpu.memref_squeeze %gather3A_1047 : memref<1x32x128xf32, #tpu.memory_space<vmem>> -> memref<32x128xf32, #tpu.memory_space<vmem>>
      %gather3A_1049 = tpu.vector_load_idx %gather3A_1048[%add3A_1043, %broadcast_in_dim3A_1031] : memref<32x128xf32, #tpu.memory_space<vmem>>[vector<16xi32>, vector<16xi32>], vector<16xf32>,
      %gather3A_1050 = arith.constant 4 : i32
      %gather3A_1051 = arith.constant 0 : i32
      %gather3A_1052 = arith.constant 0 : i32
      %gather3A_1053 = tpu.memref_slice %arg10[%gather3A_1050, %gather3A_1051, %gather3A_1052] : memref<8x32x128xf32, #tpu.memory_space<vmem>> -> memref<1x32x128xf32, #tpu.memory_space<vmem>>
      %gather3A_1054 = tpu.memref_squeeze %gather3A_1053 : memref<1x32x128xf32, #tpu.memory_space<vmem>> -> memref<32x128xf32, #tpu.memory_space<vmem>>
      %gather3A_1055 = tpu.vector_load_idx %gather3A_1054[%iota3A, %broadcast_in_dim3A_1034] : memref<32x128xf32, #tpu.memory_space<vmem>>[vector<16xi32>, vector<16xi32>], vector<16xf32>,
      %add3A_1056 = arith.constant 16 : i32
      %add3A_1057 = vector.broadcast %add3A_1056 : i32 to vector<16xi32>
      %add3A_1058 = arith.addi %iota3A, %add3A_1057 : vector<16xi32>
      %gather3A_1059 = arith.constant 4 : i32
      %gather3A_1060 = arith.constant 0 : i32
      %gather3A_1061 = arith.constant 0 : i32
      %gather3A_1062 = tpu.memref_slice %arg10[%gather3A_1059, %gather3A_1060, %gather3A_1061] : memref<8x32x128xf32, #tpu.memory_space<vmem>> -> memref<1x32x128xf32, #tpu.memory_space<vmem>>
      %gather3A_1063 = tpu.memref_squeeze %gather3A_1062 : memref<1x32x128xf32, #tpu.memory_space<vmem>> -> memref<32x128xf32, #tpu.memory_space<vmem>>
      %gather3A_1064 = tpu.vector_load_idx %gather3A_1063[%add3A_1058, %broadcast_in_dim3A_1034] : memref<32x128xf32, #tpu.memory_space<vmem>>[vector<16xi32>, vector<16xi32>], vector<16xf32>,
      %add3A_1065 = arith.constant 1 : i32
      %add3A_1066 = arith.addi %scan3A_459, %add3A_1065 : i32
      %lt3A_1067 = arith.constant 64 : i32
      %lt3A_1068 = arith.cmpi slt, %add3A_1066, %lt3A_1067 : i32
      %convert_element_type3A_1069 = arith.extui %lt3A_1068 : i1 to i32
      %cond3A_1070 = arith.constant 0 : i32
      %cond3A_1071 = arith.cmpi ne, %convert_element_type3A_1069, %cond3A_1070 : i32
      scf.if %cond3A_1071 {
        %add3A_1457 = arith.constant 4 : i32
        %add3A_1458 = arith.addi %and3A_493, %add3A_1457 : i32
        %eq3A_1459 = vector.broadcast %add3A_1458 : i32 to vector<16xi32>
        %eq3A_1460 = arith.cmpi eq, %iota3A, %eq3A_1459 : vector<16xi32>
        %jit3A_1461 = arith.constant 0 : i32
        %broadcast_in_dim3A_1462 = vector.broadcast %jit3A_1461 : i32 to vector<16xi32>
        %select_n3A_1463 = arith.select %eq3A_1460, %get3A_482, %broadcast_in_dim3A_1462 : vector<16xi1>, vector<16xi32>
        %reduce_sum3A_1464 = arith.constant true
        %reduce_sum3A_1465 = vector.broadcast %reduce_sum3A_1464 : i1 to vector<16xi1>
        %reduce_sum3A_1466 = tpu.scan <sum>, %select_n3A_1463 masked %reduce_sum3A_1465 : vector<16xi32>, vector<16xi1> -> vector<16xi32>
        %reduce_sum3A_1467 = vector.extract %reduce_sum3A_1466[15] : i32 from vector<16xi32>
        %eq3A_1468 = vector.broadcast %add3A_1458 : i32 to vector<16xi32>
        %eq3A_1469 = arith.cmpi eq, %iota3A, %eq3A_1468 : vector<16xi32>
        %jit3A_1470 = arith.constant 0 : i32
        %broadcast_in_dim3A_1471 = vector.broadcast %jit3A_1470 : i32 to vector<16xi32>
        %select_n3A_1472 = arith.select %eq3A_1469, %get3A_484, %broadcast_in_dim3A_1471 : vector<16xi1>, vector<16xi32>
        %reduce_sum3A_1473 = arith.constant true
        %reduce_sum3A_1474 = vector.broadcast %reduce_sum3A_1473 : i1 to vector<16xi1>
        %reduce_sum3A_1475 = tpu.scan <sum>, %select_n3A_1472 masked %reduce_sum3A_1474 : vector<16xi32>, vector<16xi1> -> vector<16xi32>
        %reduce_sum3A_1476 = vector.extract %reduce_sum3A_1475[15] : i32 from vector<16xi32>
        %shift_right_arithmetic3A_1477 = arith.constant 7 : i32
        %shift_right_arithmetic3A_1478 = arith.shrsi %reduce_sum3A_1467, %shift_right_arithmetic3A_1477 : i32
        %mul3A_1479 = arith.constant 128 : i32
        %mul3A_1480 = arith.muli %shift_right_arithmetic3A_1478, %mul3A_1479 : i32
        %multiple_of3A_1481 = tpu.assume_multiple %mul3A_1480, 128 : i32
        %shift_right_arithmetic3A_1482 = arith.constant 7 : i32
        %shift_right_arithmetic3A_1483 = arith.shrsi %reduce_sum3A_1476, %shift_right_arithmetic3A_1482 : i32
        %mul3A_1484 = arith.constant 128 : i32
        %mul3A_1485 = arith.muli %shift_right_arithmetic3A_1483, %mul3A_1484 : i32
        %multiple_of3A_1486 = tpu.assume_multiple %mul3A_1485, 128 : i32
        %dma_start3A_1487 = arith.constant 4 : i32
        %dma_start3A_1488 = arith.constant 0 : i32
        %dma_start3A_1489 = arith.constant 0 : i32
        %dma_start3A_1490 = tpu.memref_slice %arg9[%dma_start3A_1487, %dma_start3A_1488, %dma_start3A_1489] : memref<8x32x128xf32, #tpu.memory_space<vmem>> -> memref<1x32x128xf32, #tpu.memory_space<vmem>>
        %dma_start3A_1491 = tpu.memref_squeeze %dma_start3A_1490 : memref<1x32x128xf32, #tpu.memory_space<vmem>> -> memref<32x128xf32, #tpu.memory_space<vmem>>
        %dma_start3A_1492 = arith.constant 0 : i32
        %dma_start3A_1493 = tpu.memref_slice %arg2[%dma_start3A_1492, %multiple_of3A_1481] : memref<32x1000000xf32, #tpu.memory_space<hbm>> -> memref<32x128xf32, #tpu.memory_space<hbm>>
        %dma_start3A_1494 = arith.constant 0 : i32
        %dma_start3A_1495 = arith.constant 0 : i32
        %dma_start3A_1496 = tpu.memref_slice %arg9[%dma_start3A_1487, %dma_start3A_1494, %dma_start3A_1495] : memref<8x32x128xf32, #tpu.memory_space<vmem>> -> memref<1x32x128xf32, #tpu.memory_space<vmem>>
        %dma_start3A_1497 = tpu.memref_squeeze %dma_start3A_1496 : memref<1x32x128xf32, #tpu.memory_space<vmem>> -> memref<32x128xf32, #tpu.memory_space<vmem>>
        %dma_start3A_1498 = arith.constant 0 : i32
        %dma_start3A_1499 = tpu.memref_slice %arg2[%dma_start3A_1498, %multiple_of3A_1481] : memref<32x1000000xf32, #tpu.memory_space<hbm>> -> memref<32x128xf32, #tpu.memory_space<hbm>>
        tpu.enqueue_dma source(%dma_start3A_1499 : memref<32x128xf32, #tpu.memory_space<hbm>>) target(%dma_start3A_1497 : memref<32x128xf32, #tpu.memory_space<vmem>>) target_semaphore(%arg20 : memref<!tpu.dma_semaphore, #tpu.memory_space<semaphore_mem>>)
        %dma_start3A_1500 = arith.constant 4 : i32
        %dma_start3A_1501 = arith.constant 0 : i32
        %dma_start3A_1502 = arith.constant 0 : i32
        %dma_start3A_1503 = tpu.memref_slice %arg10[%dma_start3A_1500, %dma_start3A_1501, %dma_start3A_1502] : memref<8x32x128xf32, #tpu.memory_space<vmem>> -> memref<1x32x128xf32, #tpu.memory_space<vmem>>
        %dma_start3A_1504 = tpu.memref_squeeze %dma_start3A_1503 : memref<1x32x128xf32, #tpu.memory_space<vmem>> -> memref<32x128xf32, #tpu.memory_space<vmem>>
        %dma_start3A_1505 = arith.constant 0 : i32
        %dma_start3A_1506 = tpu.memref_slice %arg3[%dma_start3A_1505, %multiple_of3A_1486] : memref<32x1000000xf32, #tpu.memory_space<hbm>> -> memref<32x128xf32, #tpu.memory_space<hbm>>
        %dma_start3A_1507 = arith.constant 0 : i32
        %dma_start3A_1508 = arith.constant 0 : i32
        %dma_start3A_1509 = tpu.memref_slice %arg10[%dma_start3A_1500, %dma_start3A_1507, %dma_start3A_1508] : memref<8x32x128xf32, #tpu.memory_space<vmem>> -> memref<1x32x128xf32, #tpu.memory_space<vmem>>
        %dma_start3A_1510 = tpu.memref_squeeze %dma_start3A_1509 : memref<1x32x128xf32, #tpu.memory_space<vmem>> -> memref<32x128xf32, #tpu.memory_space<vmem>>
        %dma_start3A_1511 = arith.constant 0 : i32
        %dma_start3A_1512 = tpu.memref_slice %arg3[%dma_start3A_1511, %multiple_of3A_1486] : memref<32x1000000xf32, #tpu.memory_space<hbm>> -> memref<32x128xf32, #tpu.memory_space<hbm>>
        tpu.enqueue_dma source(%dma_start3A_1512 : memref<32x128xf32, #tpu.memory_space<hbm>>) target(%dma_start3A_1510 : memref<32x128xf32, #tpu.memory_space<vmem>>) target_semaphore(%arg20 : memref<!tpu.dma_semaphore, #tpu.memory_space<semaphore_mem>>)
      } else {
      }
      %mul3A_1072 = arith.mulf %gather3A_1040, %gather3A_1055 : vector<16xf32>
      %mul3A_1073 = arith.mulf %mul3A_1072, %get3A_3 : vector<16xf32>
      %mul3A_1074 = arith.mulf %gather3A_1049, %gather3A_1064 : vector<16xf32>
      %mul3A_1075 = arith.mulf %mul3A_1074, %get3A_5 : vector<16xf32>
      %add3A_1076 = arith.addf %mul3A_1073, %mul3A_1075 : vector<16xf32>
      %reduce_sum3A_1077 = arith.constant true
      %reduce_sum3A_1078 = vector.broadcast %reduce_sum3A_1077 : i1 to vector<16xi1>
      %reduce_sum3A_1079 = tpu.scan <sum>, %add3A_1076 masked %reduce_sum3A_1078 : vector<16xf32>, vector<16xi1> -> vector<16xf32>
      %reduce_sum3A_1080 = vector.extract %reduce_sum3A_1079[15] : f32 from vector<16xf32>
      %and3A_1081 = arith.constant 15 : i32
      %and3A_1082 = arith.andi %add3A_976, %and3A_1081 : i32
      %eq3A_1083 = vector.broadcast %and3A_1082 : i32 to vector<16xi32>
      %eq3A_1084 = arith.cmpi eq, %iota3A, %eq3A_1083 : vector<16xi32>
      %broadcast_in_dim3A_1085 = vector.broadcast %reduce_sum3A_1080 : f32 to vector<16xf32>
      %select_n3A_1086 = arith.select %eq3A_1084, %broadcast_in_dim3A_1085, %select_n3A_965 : vector<16xi1>, vector<16xf32>
      %and3A_1087 = arith.constant 15 : i32
      %and3A_1088 = arith.andi %add3A_976, %and3A_1087 : i32
      %eq3A_1089 = arith.constant 15 : i32
      %eq3A_1090 = arith.cmpi eq, %and3A_1088, %eq3A_1089 : i32
      %convert_element_type3A_1091 = arith.extui %eq3A_1090 : i1 to i32
      %cond3A_1092 = arith.constant 0 : i32
      %cond3A_1093 = arith.cmpi ne, %convert_element_type3A_1091, %cond3A_1092 : i32
      scf.if %cond3A_1093 {
        %add3A_1457 = arith.addf %select_n3A_1086, %get3A_7 : vector<16xf32>
        %neg3A = arith.constant 0.000000e+00 : f32
        %neg3A_1458 = vector.broadcast %neg3A : f32 to vector<16xf32>
        %neg3A_1459 = arith.subf %neg3A_1458, %add3A_1457 : vector<16xf32>
        %exp3A = math.exp %neg3A_1459 : vector<16xf32>
        %add3A_1460 = arith.constant 1.000000e+00 : f32
        %add3A_1461 = vector.broadcast %add3A_1460 : f32 to vector<16xf32>
        %add3A_1462 = arith.addf %add3A_1461, %exp3A : vector<16xf32>
        %div3A = arith.constant 1.000000e+00 : f32
        %div3A_1463 = vector.broadcast %div3A : f32 to vector<16xf32>
        %div3A_1464 = arith.divf %div3A_1463, %add3A_1462 : vector<16xf32>
        %shift_right_arithmetic3A_1465 = arith.constant 4 : i32
        %shift_right_arithmetic3A_1466 = arith.shrsi %add3A_976, %shift_right_arithmetic3A_1465 : i32
        %shift_left3A = arith.constant 4 : i32
        %shift_left3A_1467 = arith.shli %shift_right_arithmetic3A_1466, %shift_left3A : i32
        %swap3A = arith.index_cast %shift_left3A_1467 : i32 to index
        %swap3A_1468 = tpu.vector_load %arg13[%swap3A] {strides = array<i32>} : memref<512xf32, #tpu.memory_space<vmem>>, vector<16xf32>,
        tpu.vector_store %arg13[%swap3A], %div3A_1464 {strides = array<i32>} : memref<512xf32, #tpu.memory_space<vmem>>, vector<16xf32>,
      } else {
      }
      %mul3A_1094 = arith.constant 8 : i32
      %mul3A_1095 = arith.muli %scan3A_459, %mul3A_1094 : i32
      %add3A_1096 = arith.constant 5 : i32
      %add3A_1097 = arith.addi %mul3A_1095, %add3A_1096 : i32
      %dma_wait3A_1098 = arith.constant 5 : i32
      %dma_wait3A_1099 = arith.constant 0 : i32
      %dma_wait3A_1100 = arith.constant 0 : i32
      %dma_wait3A_1101 = tpu.memref_slice %arg9[%dma_wait3A_1098, %dma_wait3A_1099, %dma_wait3A_1100] : memref<8x32x128xf32, #tpu.memory_space<vmem>> -> memref<1x32x128xf32, #tpu.memory_space<vmem>>
      %dma_wait3A_1102 = tpu.memref_squeeze %dma_wait3A_1101 : memref<1x32x128xf32, #tpu.memory_space<vmem>> -> memref<32x128xf32, #tpu.memory_space<vmem>>
      %dma_wait3A_1103 = arith.constant 0 : i32
      %dma_wait3A_1104 = arith.constant 0 : i32
      %dma_wait3A_1105 = tpu.memref_slice %arg2[%dma_wait3A_1103, %dma_wait3A_1104] : memref<32x1000000xf32, #tpu.memory_space<hbm>> -> memref<32x128xf32, #tpu.memory_space<hbm>>
      %dma_wait3A_1106 = arith.constant 0 : i32
      %dma_wait3A_1107 = arith.constant 0 : i32
      %dma_wait3A_1108 = tpu.memref_slice %arg9[%dma_wait3A_1098, %dma_wait3A_1106, %dma_wait3A_1107] : memref<8x32x128xf32, #tpu.memory_space<vmem>> -> memref<1x32x128xf32, #tpu.memory_space<vmem>>
      %dma_wait3A_1109 = tpu.memref_squeeze %dma_wait3A_1108 : memref<1x32x128xf32, #tpu.memory_space<vmem>> -> memref<32x128xf32, #tpu.memory_space<vmem>>
      %dma_wait3A_1110 = arith.constant 0 : i32
      %dma_wait3A_1111 = arith.constant 0 : i32
      %dma_wait3A_1112 = tpu.memref_slice %arg2[%dma_wait3A_1110, %dma_wait3A_1111] : memref<32x1000000xf32, #tpu.memory_space<hbm>> -> memref<32x128xf32, #tpu.memory_space<hbm>>
      tpu.wait_dma2 semaphore(%arg21 : memref<!tpu.dma_semaphore, #tpu.memory_space<semaphore_mem>>) src(%dma_wait3A_1112 : memref<32x128xf32, #tpu.memory_space<hbm>>) dst(%dma_wait3A_1109 : memref<32x128xf32, #tpu.memory_space<vmem>>)
      %dma_wait3A_1113 = arith.constant 5 : i32
      %dma_wait3A_1114 = arith.constant 0 : i32
      %dma_wait3A_1115 = arith.constant 0 : i32
      %dma_wait3A_1116 = tpu.memref_slice %arg10[%dma_wait3A_1113, %dma_wait3A_1114, %dma_wait3A_1115] : memref<8x32x128xf32, #tpu.memory_space<vmem>> -> memref<1x32x128xf32, #tpu.memory_space<vmem>>
      %dma_wait3A_1117 = tpu.memref_squeeze %dma_wait3A_1116 : memref<1x32x128xf32, #tpu.memory_space<vmem>> -> memref<32x128xf32, #tpu.memory_space<vmem>>
      %dma_wait3A_1118 = arith.constant 0 : i32
      %dma_wait3A_1119 = arith.constant 0 : i32
      %dma_wait3A_1120 = tpu.memref_slice %arg3[%dma_wait3A_1118, %dma_wait3A_1119] : memref<32x1000000xf32, #tpu.memory_space<hbm>> -> memref<32x128xf32, #tpu.memory_space<hbm>>
      %dma_wait3A_1121 = arith.constant 0 : i32
      %dma_wait3A_1122 = arith.constant 0 : i32
      %dma_wait3A_1123 = tpu.memref_slice %arg10[%dma_wait3A_1113, %dma_wait3A_1121, %dma_wait3A_1122] : memref<8x32x128xf32, #tpu.memory_space<vmem>> -> memref<1x32x128xf32, #tpu.memory_space<vmem>>
      %dma_wait3A_1124 = tpu.memref_squeeze %dma_wait3A_1123 : memref<1x32x128xf32, #tpu.memory_space<vmem>> -> memref<32x128xf32, #tpu.memory_space<vmem>>
      %dma_wait3A_1125 = arith.constant 0 : i32
      %dma_wait3A_1126 = arith.constant 0 : i32
      %dma_wait3A_1127 = tpu.memref_slice %arg3[%dma_wait3A_1125, %dma_wait3A_1126] : memref<32x1000000xf32, #tpu.memory_space<hbm>> -> memref<32x128xf32, #tpu.memory_space<hbm>>
      tpu.wait_dma2 semaphore(%arg21 : memref<!tpu.dma_semaphore, #tpu.memory_space<semaphore_mem>>) src(%dma_wait3A_1127 : memref<32x128xf32, #tpu.memory_space<hbm>>) dst(%dma_wait3A_1124 : memref<32x128xf32, #tpu.memory_space<vmem>>)
      %add3A_1128 = arith.constant 5 : i32
      %add3A_1129 = arith.addi %and3A_487, %add3A_1128 : i32
      %eq3A_1130 = vector.broadcast %add3A_1129 : i32 to vector<16xi32>
      %eq3A_1131 = arith.cmpi eq, %iota3A, %eq3A_1130 : vector<16xi32>
      %jit3A_1132 = arith.constant 0 : i32
      %broadcast_in_dim3A_1133 = vector.broadcast %jit3A_1132 : i32 to vector<16xi32>
      %select_n3A_1134 = arith.select %eq3A_1131, %get3A_469, %broadcast_in_dim3A_1133 : vector<16xi1>, vector<16xi32>
      %reduce_sum3A_1135 = arith.constant true
      %reduce_sum3A_1136 = vector.broadcast %reduce_sum3A_1135 : i1 to vector<16xi1>
      %reduce_sum3A_1137 = tpu.scan <sum>, %select_n3A_1134 masked %reduce_sum3A_1136 : vector<16xi32>, vector<16xi1> -> vector<16xi32>
      %reduce_sum3A_1138 = vector.extract %reduce_sum3A_1137[15] : i32 from vector<16xi32>
      %add3A_1139 = arith.constant 5 : i32
      %add3A_1140 = arith.addi %and3A_487, %add3A_1139 : i32
      %eq3A_1141 = vector.broadcast %add3A_1140 : i32 to vector<16xi32>
      %eq3A_1142 = arith.cmpi eq, %iota3A, %eq3A_1141 : vector<16xi32>
      %jit3A_1143 = arith.constant 0 : i32
      %broadcast_in_dim3A_1144 = vector.broadcast %jit3A_1143 : i32 to vector<16xi32>
      %select_n3A_1145 = arith.select %eq3A_1142, %get3A_471, %broadcast_in_dim3A_1144 : vector<16xi1>, vector<16xi32>
      %reduce_sum3A_1146 = arith.constant true
      %reduce_sum3A_1147 = vector.broadcast %reduce_sum3A_1146 : i1 to vector<16xi1>
      %reduce_sum3A_1148 = tpu.scan <sum>, %select_n3A_1145 masked %reduce_sum3A_1147 : vector<16xi32>, vector<16xi1> -> vector<16xi32>
      %reduce_sum3A_1149 = vector.extract %reduce_sum3A_1148[15] : i32 from vector<16xi32>
      %and3A_1150 = arith.constant 127 : i32
      %and3A_1151 = arith.andi %reduce_sum3A_1138, %and3A_1150 : i32
      %broadcast_in_dim3A_1152 = vector.broadcast %and3A_1151 : i32 to vector<16xi32>
      %and3A_1153 = arith.constant 127 : i32
      %and3A_1154 = arith.andi %reduce_sum3A_1149, %and3A_1153 : i32
      %broadcast_in_dim3A_1155 = vector.broadcast %and3A_1154 : i32 to vector<16xi32>
      %gather3A_1156 = arith.constant 5 : i32
      %gather3A_1157 = arith.constant 0 : i32
      %gather3A_1158 = arith.constant 0 : i32
      %gather3A_1159 = tpu.memref_slice %arg9[%gather3A_1156, %gather3A_1157, %gather3A_1158] : memref<8x32x128xf32, #tpu.memory_space<vmem>> -> memref<1x32x128xf32, #tpu.memory_space<vmem>>
      %gather3A_1160 = tpu.memref_squeeze %gather3A_1159 : memref<1x32x128xf32, #tpu.memory_space<vmem>> -> memref<32x128xf32, #tpu.memory_space<vmem>>
      %gather3A_1161 = tpu.vector_load_idx %gather3A_1160[%iota3A, %broadcast_in_dim3A_1152] : memref<32x128xf32, #tpu.memory_space<vmem>>[vector<16xi32>, vector<16xi32>], vector<16xf32>,
      %add3A_1162 = arith.constant 16 : i32
      %add3A_1163 = vector.broadcast %add3A_1162 : i32 to vector<16xi32>
      %add3A_1164 = arith.addi %iota3A, %add3A_1163 : vector<16xi32>
      %gather3A_1165 = arith.constant 5 : i32
      %gather3A_1166 = arith.constant 0 : i32
      %gather3A_1167 = arith.constant 0 : i32
      %gather3A_1168 = tpu.memref_slice %arg9[%gather3A_1165, %gather3A_1166, %gather3A_1167] : memref<8x32x128xf32, #tpu.memory_space<vmem>> -> memref<1x32x128xf32, #tpu.memory_space<vmem>>
      %gather3A_1169 = tpu.memref_squeeze %gather3A_1168 : memref<1x32x128xf32, #tpu.memory_space<vmem>> -> memref<32x128xf32, #tpu.memory_space<vmem>>
      %gather3A_1170 = tpu.vector_load_idx %gather3A_1169[%add3A_1164, %broadcast_in_dim3A_1152] : memref<32x128xf32, #tpu.memory_space<vmem>>[vector<16xi32>, vector<16xi32>], vector<16xf32>,
      %gather3A_1171 = arith.constant 5 : i32
      %gather3A_1172 = arith.constant 0 : i32
      %gather3A_1173 = arith.constant 0 : i32
      %gather3A_1174 = tpu.memref_slice %arg10[%gather3A_1171, %gather3A_1172, %gather3A_1173] : memref<8x32x128xf32, #tpu.memory_space<vmem>> -> memref<1x32x128xf32, #tpu.memory_space<vmem>>
      %gather3A_1175 = tpu.memref_squeeze %gather3A_1174 : memref<1x32x128xf32, #tpu.memory_space<vmem>> -> memref<32x128xf32, #tpu.memory_space<vmem>>
      %gather3A_1176 = tpu.vector_load_idx %gather3A_1175[%iota3A, %broadcast_in_dim3A_1155] : memref<32x128xf32, #tpu.memory_space<vmem>>[vector<16xi32>, vector<16xi32>], vector<16xf32>,
      %add3A_1177 = arith.constant 16 : i32
      %add3A_1178 = vector.broadcast %add3A_1177 : i32 to vector<16xi32>
      %add3A_1179 = arith.addi %iota3A, %add3A_1178 : vector<16xi32>
      %gather3A_1180 = arith.constant 5 : i32
      %gather3A_1181 = arith.constant 0 : i32
      %gather3A_1182 = arith.constant 0 : i32
      %gather3A_1183 = tpu.memref_slice %arg10[%gather3A_1180, %gather3A_1181, %gather3A_1182] : memref<8x32x128xf32, #tpu.memory_space<vmem>> -> memref<1x32x128xf32, #tpu.memory_space<vmem>>
      %gather3A_1184 = tpu.memref_squeeze %gather3A_1183 : memref<1x32x128xf32, #tpu.memory_space<vmem>> -> memref<32x128xf32, #tpu.memory_space<vmem>>
      %gather3A_1185 = tpu.vector_load_idx %gather3A_1184[%add3A_1179, %broadcast_in_dim3A_1155] : memref<32x128xf32, #tpu.memory_space<vmem>>[vector<16xi32>, vector<16xi32>], vector<16xf32>,
      %add3A_1186 = arith.constant 1 : i32
      %add3A_1187 = arith.addi %scan3A_459, %add3A_1186 : i32
      %lt3A_1188 = arith.constant 64 : i32
      %lt3A_1189 = arith.cmpi slt, %add3A_1187, %lt3A_1188 : i32
      %convert_element_type3A_1190 = arith.extui %lt3A_1189 : i1 to i32
      %cond3A_1191 = arith.constant 0 : i32
      %cond3A_1192 = arith.cmpi ne, %convert_element_type3A_1190, %cond3A_1191 : i32
      scf.if %cond3A_1192 {
        %add3A_1457 = arith.constant 5 : i32
        %add3A_1458 = arith.addi %and3A_493, %add3A_1457 : i32
        %eq3A_1459 = vector.broadcast %add3A_1458 : i32 to vector<16xi32>
        %eq3A_1460 = arith.cmpi eq, %iota3A, %eq3A_1459 : vector<16xi32>
        %jit3A_1461 = arith.constant 0 : i32
        %broadcast_in_dim3A_1462 = vector.broadcast %jit3A_1461 : i32 to vector<16xi32>
        %select_n3A_1463 = arith.select %eq3A_1460, %get3A_482, %broadcast_in_dim3A_1462 : vector<16xi1>, vector<16xi32>
        %reduce_sum3A_1464 = arith.constant true
        %reduce_sum3A_1465 = vector.broadcast %reduce_sum3A_1464 : i1 to vector<16xi1>
        %reduce_sum3A_1466 = tpu.scan <sum>, %select_n3A_1463 masked %reduce_sum3A_1465 : vector<16xi32>, vector<16xi1> -> vector<16xi32>
        %reduce_sum3A_1467 = vector.extract %reduce_sum3A_1466[15] : i32 from vector<16xi32>
        %eq3A_1468 = vector.broadcast %add3A_1458 : i32 to vector<16xi32>
        %eq3A_1469 = arith.cmpi eq, %iota3A, %eq3A_1468 : vector<16xi32>
        %jit3A_1470 = arith.constant 0 : i32
        %broadcast_in_dim3A_1471 = vector.broadcast %jit3A_1470 : i32 to vector<16xi32>
        %select_n3A_1472 = arith.select %eq3A_1469, %get3A_484, %broadcast_in_dim3A_1471 : vector<16xi1>, vector<16xi32>
        %reduce_sum3A_1473 = arith.constant true
        %reduce_sum3A_1474 = vector.broadcast %reduce_sum3A_1473 : i1 to vector<16xi1>
        %reduce_sum3A_1475 = tpu.scan <sum>, %select_n3A_1472 masked %reduce_sum3A_1474 : vector<16xi32>, vector<16xi1> -> vector<16xi32>
        %reduce_sum3A_1476 = vector.extract %reduce_sum3A_1475[15] : i32 from vector<16xi32>
        %shift_right_arithmetic3A_1477 = arith.constant 7 : i32
        %shift_right_arithmetic3A_1478 = arith.shrsi %reduce_sum3A_1467, %shift_right_arithmetic3A_1477 : i32
        %mul3A_1479 = arith.constant 128 : i32
        %mul3A_1480 = arith.muli %shift_right_arithmetic3A_1478, %mul3A_1479 : i32
        %multiple_of3A_1481 = tpu.assume_multiple %mul3A_1480, 128 : i32
        %shift_right_arithmetic3A_1482 = arith.constant 7 : i32
        %shift_right_arithmetic3A_1483 = arith.shrsi %reduce_sum3A_1476, %shift_right_arithmetic3A_1482 : i32
        %mul3A_1484 = arith.constant 128 : i32
        %mul3A_1485 = arith.muli %shift_right_arithmetic3A_1483, %mul3A_1484 : i32
        %multiple_of3A_1486 = tpu.assume_multiple %mul3A_1485, 128 : i32
        %dma_start3A_1487 = arith.constant 5 : i32
        %dma_start3A_1488 = arith.constant 0 : i32
        %dma_start3A_1489 = arith.constant 0 : i32
        %dma_start3A_1490 = tpu.memref_slice %arg9[%dma_start3A_1487, %dma_start3A_1488, %dma_start3A_1489] : memref<8x32x128xf32, #tpu.memory_space<vmem>> -> memref<1x32x128xf32, #tpu.memory_space<vmem>>
        %dma_start3A_1491 = tpu.memref_squeeze %dma_start3A_1490 : memref<1x32x128xf32, #tpu.memory_space<vmem>> -> memref<32x128xf32, #tpu.memory_space<vmem>>
        %dma_start3A_1492 = arith.constant 0 : i32
        %dma_start3A_1493 = tpu.memref_slice %arg2[%dma_start3A_1492, %multiple_of3A_1481] : memref<32x1000000xf32, #tpu.memory_space<hbm>> -> memref<32x128xf32, #tpu.memory_space<hbm>>
        %dma_start3A_1494 = arith.constant 0 : i32
        %dma_start3A_1495 = arith.constant 0 : i32
        %dma_start3A_1496 = tpu.memref_slice %arg9[%dma_start3A_1487, %dma_start3A_1494, %dma_start3A_1495] : memref<8x32x128xf32, #tpu.memory_space<vmem>> -> memref<1x32x128xf32, #tpu.memory_space<vmem>>
        %dma_start3A_1497 = tpu.memref_squeeze %dma_start3A_1496 : memref<1x32x128xf32, #tpu.memory_space<vmem>> -> memref<32x128xf32, #tpu.memory_space<vmem>>
        %dma_start3A_1498 = arith.constant 0 : i32
        %dma_start3A_1499 = tpu.memref_slice %arg2[%dma_start3A_1498, %multiple_of3A_1481] : memref<32x1000000xf32, #tpu.memory_space<hbm>> -> memref<32x128xf32, #tpu.memory_space<hbm>>
        tpu.enqueue_dma source(%dma_start3A_1499 : memref<32x128xf32, #tpu.memory_space<hbm>>) target(%dma_start3A_1497 : memref<32x128xf32, #tpu.memory_space<vmem>>) target_semaphore(%arg21 : memref<!tpu.dma_semaphore, #tpu.memory_space<semaphore_mem>>)
        %dma_start3A_1500 = arith.constant 5 : i32
        %dma_start3A_1501 = arith.constant 0 : i32
        %dma_start3A_1502 = arith.constant 0 : i32
        %dma_start3A_1503 = tpu.memref_slice %arg10[%dma_start3A_1500, %dma_start3A_1501, %dma_start3A_1502] : memref<8x32x128xf32, #tpu.memory_space<vmem>> -> memref<1x32x128xf32, #tpu.memory_space<vmem>>
        %dma_start3A_1504 = tpu.memref_squeeze %dma_start3A_1503 : memref<1x32x128xf32, #tpu.memory_space<vmem>> -> memref<32x128xf32, #tpu.memory_space<vmem>>
        %dma_start3A_1505 = arith.constant 0 : i32
        %dma_start3A_1506 = tpu.memref_slice %arg3[%dma_start3A_1505, %multiple_of3A_1486] : memref<32x1000000xf32, #tpu.memory_space<hbm>> -> memref<32x128xf32, #tpu.memory_space<hbm>>
        %dma_start3A_1507 = arith.constant 0 : i32
        %dma_start3A_1508 = arith.constant 0 : i32
        %dma_start3A_1509 = tpu.memref_slice %arg10[%dma_start3A_1500, %dma_start3A_1507, %dma_start3A_1508] : memref<8x32x128xf32, #tpu.memory_space<vmem>> -> memref<1x32x128xf32, #tpu.memory_space<vmem>>
        %dma_start3A_1510 = tpu.memref_squeeze %dma_start3A_1509 : memref<1x32x128xf32, #tpu.memory_space<vmem>> -> memref<32x128xf32, #tpu.memory_space<vmem>>
        %dma_start3A_1511 = arith.constant 0 : i32
        %dma_start3A_1512 = tpu.memref_slice %arg3[%dma_start3A_1511, %multiple_of3A_1486] : memref<32x1000000xf32, #tpu.memory_space<hbm>> -> memref<32x128xf32, #tpu.memory_space<hbm>>
        tpu.enqueue_dma source(%dma_start3A_1512 : memref<32x128xf32, #tpu.memory_space<hbm>>) target(%dma_start3A_1510 : memref<32x128xf32, #tpu.memory_space<vmem>>) target_semaphore(%arg21 : memref<!tpu.dma_semaphore, #tpu.memory_space<semaphore_mem>>)
      } else {
      }
      %mul3A_1193 = arith.mulf %gather3A_1161, %gather3A_1176 : vector<16xf32>
      %mul3A_1194 = arith.mulf %mul3A_1193, %get3A_3 : vector<16xf32>
      %mul3A_1195 = arith.mulf %gather3A_1170, %gather3A_1185 : vector<16xf32>
      %mul3A_1196 = arith.mulf %mul3A_1195, %get3A_5 : vector<16xf32>
      %add3A_1197 = arith.addf %mul3A_1194, %mul3A_1196 : vector<16xf32>
      %reduce_sum3A_1198 = arith.constant true
      %reduce_sum3A_1199 = vector.broadcast %reduce_sum3A_1198 : i1 to vector<16xi1>
      %reduce_sum3A_1200 = tpu.scan <sum>, %add3A_1197 masked %reduce_sum3A_1199 : vector<16xf32>, vector<16xi1> -> vector<16xf32>
      %reduce_sum3A_1201 = vector.extract %reduce_sum3A_1200[15] : f32 from vector<16xf32>
      %and3A_1202 = arith.constant 15 : i32
      %and3A_1203 = arith.andi %add3A_1097, %and3A_1202 : i32
      %eq3A_1204 = vector.broadcast %and3A_1203 : i32 to vector<16xi32>
      %eq3A_1205 = arith.cmpi eq, %iota3A, %eq3A_1204 : vector<16xi32>
      %broadcast_in_dim3A_1206 = vector.broadcast %reduce_sum3A_1201 : f32 to vector<16xf32>
      %select_n3A_1207 = arith.select %eq3A_1205, %broadcast_in_dim3A_1206, %select_n3A_1086 : vector<16xi1>, vector<16xf32>
      %and3A_1208 = arith.constant 15 : i32
      %and3A_1209 = arith.andi %add3A_1097, %and3A_1208 : i32
      %eq3A_1210 = arith.constant 15 : i32
      %eq3A_1211 = arith.cmpi eq, %and3A_1209, %eq3A_1210 : i32
      %convert_element_type3A_1212 = arith.extui %eq3A_1211 : i1 to i32
      %cond3A_1213 = arith.constant 0 : i32
      %cond3A_1214 = arith.cmpi ne, %convert_element_type3A_1212, %cond3A_1213 : i32
      scf.if %cond3A_1214 {
        %add3A_1457 = arith.addf %select_n3A_1207, %get3A_7 : vector<16xf32>
        %neg3A = arith.constant 0.000000e+00 : f32
        %neg3A_1458 = vector.broadcast %neg3A : f32 to vector<16xf32>
        %neg3A_1459 = arith.subf %neg3A_1458, %add3A_1457 : vector<16xf32>
        %exp3A = math.exp %neg3A_1459 : vector<16xf32>
        %add3A_1460 = arith.constant 1.000000e+00 : f32
        %add3A_1461 = vector.broadcast %add3A_1460 : f32 to vector<16xf32>
        %add3A_1462 = arith.addf %add3A_1461, %exp3A : vector<16xf32>
        %div3A = arith.constant 1.000000e+00 : f32
        %div3A_1463 = vector.broadcast %div3A : f32 to vector<16xf32>
        %div3A_1464 = arith.divf %div3A_1463, %add3A_1462 : vector<16xf32>
        %shift_right_arithmetic3A_1465 = arith.constant 4 : i32
        %shift_right_arithmetic3A_1466 = arith.shrsi %add3A_1097, %shift_right_arithmetic3A_1465 : i32
        %shift_left3A = arith.constant 4 : i32
        %shift_left3A_1467 = arith.shli %shift_right_arithmetic3A_1466, %shift_left3A : i32
        %swap3A = arith.index_cast %shift_left3A_1467 : i32 to index
        %swap3A_1468 = tpu.vector_load %arg13[%swap3A] {strides = array<i32>} : memref<512xf32, #tpu.memory_space<vmem>>, vector<16xf32>,
        tpu.vector_store %arg13[%swap3A], %div3A_1464 {strides = array<i32>} : memref<512xf32, #tpu.memory_space<vmem>>, vector<16xf32>,
      } else {
      }
      %mul3A_1215 = arith.constant 8 : i32
      %mul3A_1216 = arith.muli %scan3A_459, %mul3A_1215 : i32
      %add3A_1217 = arith.constant 6 : i32
      %add3A_1218 = arith.addi %mul3A_1216, %add3A_1217 : i32
      %dma_wait3A_1219 = arith.constant 6 : i32
      %dma_wait3A_1220 = arith.constant 0 : i32
      %dma_wait3A_1221 = arith.constant 0 : i32
      %dma_wait3A_1222 = tpu.memref_slice %arg9[%dma_wait3A_1219, %dma_wait3A_1220, %dma_wait3A_1221] : memref<8x32x128xf32, #tpu.memory_space<vmem>> -> memref<1x32x128xf32, #tpu.memory_space<vmem>>
      %dma_wait3A_1223 = tpu.memref_squeeze %dma_wait3A_1222 : memref<1x32x128xf32, #tpu.memory_space<vmem>> -> memref<32x128xf32, #tpu.memory_space<vmem>>
      %dma_wait3A_1224 = arith.constant 0 : i32
      %dma_wait3A_1225 = arith.constant 0 : i32
      %dma_wait3A_1226 = tpu.memref_slice %arg2[%dma_wait3A_1224, %dma_wait3A_1225] : memref<32x1000000xf32, #tpu.memory_space<hbm>> -> memref<32x128xf32, #tpu.memory_space<hbm>>
      %dma_wait3A_1227 = arith.constant 0 : i32
      %dma_wait3A_1228 = arith.constant 0 : i32
      %dma_wait3A_1229 = tpu.memref_slice %arg9[%dma_wait3A_1219, %dma_wait3A_1227, %dma_wait3A_1228] : memref<8x32x128xf32, #tpu.memory_space<vmem>> -> memref<1x32x128xf32, #tpu.memory_space<vmem>>
      %dma_wait3A_1230 = tpu.memref_squeeze %dma_wait3A_1229 : memref<1x32x128xf32, #tpu.memory_space<vmem>> -> memref<32x128xf32, #tpu.memory_space<vmem>>
      %dma_wait3A_1231 = arith.constant 0 : i32
      %dma_wait3A_1232 = arith.constant 0 : i32
      %dma_wait3A_1233 = tpu.memref_slice %arg2[%dma_wait3A_1231, %dma_wait3A_1232] : memref<32x1000000xf32, #tpu.memory_space<hbm>> -> memref<32x128xf32, #tpu.memory_space<hbm>>
      tpu.wait_dma2 semaphore(%arg22 : memref<!tpu.dma_semaphore, #tpu.memory_space<semaphore_mem>>) src(%dma_wait3A_1233 : memref<32x128xf32, #tpu.memory_space<hbm>>) dst(%dma_wait3A_1230 : memref<32x128xf32, #tpu.memory_space<vmem>>)
      %dma_wait3A_1234 = arith.constant 6 : i32
      %dma_wait3A_1235 = arith.constant 0 : i32
      %dma_wait3A_1236 = arith.constant 0 : i32
      %dma_wait3A_1237 = tpu.memref_slice %arg10[%dma_wait3A_1234, %dma_wait3A_1235, %dma_wait3A_1236] : memref<8x32x128xf32, #tpu.memory_space<vmem>> -> memref<1x32x128xf32, #tpu.memory_space<vmem>>
      %dma_wait3A_1238 = tpu.memref_squeeze %dma_wait3A_1237 : memref<1x32x128xf32, #tpu.memory_space<vmem>> -> memref<32x128xf32, #tpu.memory_space<vmem>>
      %dma_wait3A_1239 = arith.constant 0 : i32
      %dma_wait3A_1240 = arith.constant 0 : i32
      %dma_wait3A_1241 = tpu.memref_slice %arg3[%dma_wait3A_1239, %dma_wait3A_1240] : memref<32x1000000xf32, #tpu.memory_space<hbm>> -> memref<32x128xf32, #tpu.memory_space<hbm>>
      %dma_wait3A_1242 = arith.constant 0 : i32
      %dma_wait3A_1243 = arith.constant 0 : i32
      %dma_wait3A_1244 = tpu.memref_slice %arg10[%dma_wait3A_1234, %dma_wait3A_1242, %dma_wait3A_1243] : memref<8x32x128xf32, #tpu.memory_space<vmem>> -> memref<1x32x128xf32, #tpu.memory_space<vmem>>
      %dma_wait3A_1245 = tpu.memref_squeeze %dma_wait3A_1244 : memref<1x32x128xf32, #tpu.memory_space<vmem>> -> memref<32x128xf32, #tpu.memory_space<vmem>>
      %dma_wait3A_1246 = arith.constant 0 : i32
      %dma_wait3A_1247 = arith.constant 0 : i32
      %dma_wait3A_1248 = tpu.memref_slice %arg3[%dma_wait3A_1246, %dma_wait3A_1247] : memref<32x1000000xf32, #tpu.memory_space<hbm>> -> memref<32x128xf32, #tpu.memory_space<hbm>>
      tpu.wait_dma2 semaphore(%arg22 : memref<!tpu.dma_semaphore, #tpu.memory_space<semaphore_mem>>) src(%dma_wait3A_1248 : memref<32x128xf32, #tpu.memory_space<hbm>>) dst(%dma_wait3A_1245 : memref<32x128xf32, #tpu.memory_space<vmem>>)
      %add3A_1249 = arith.constant 6 : i32
      %add3A_1250 = arith.addi %and3A_487, %add3A_1249 : i32
      %eq3A_1251 = vector.broadcast %add3A_1250 : i32 to vector<16xi32>
      %eq3A_1252 = arith.cmpi eq, %iota3A, %eq3A_1251 : vector<16xi32>
      %jit3A_1253 = arith.constant 0 : i32
      %broadcast_in_dim3A_1254 = vector.broadcast %jit3A_1253 : i32 to vector<16xi32>
      %select_n3A_1255 = arith.select %eq3A_1252, %get3A_469, %broadcast_in_dim3A_1254 : vector<16xi1>, vector<16xi32>
      %reduce_sum3A_1256 = arith.constant true
      %reduce_sum3A_1257 = vector.broadcast %reduce_sum3A_1256 : i1 to vector<16xi1>
      %reduce_sum3A_1258 = tpu.scan <sum>, %select_n3A_1255 masked %reduce_sum3A_1257 : vector<16xi32>, vector<16xi1> -> vector<16xi32>
      %reduce_sum3A_1259 = vector.extract %reduce_sum3A_1258[15] : i32 from vector<16xi32>
      %add3A_1260 = arith.constant 6 : i32
      %add3A_1261 = arith.addi %and3A_487, %add3A_1260 : i32
      %eq3A_1262 = vector.broadcast %add3A_1261 : i32 to vector<16xi32>
      %eq3A_1263 = arith.cmpi eq, %iota3A, %eq3A_1262 : vector<16xi32>
      %jit3A_1264 = arith.constant 0 : i32
      %broadcast_in_dim3A_1265 = vector.broadcast %jit3A_1264 : i32 to vector<16xi32>
      %select_n3A_1266 = arith.select %eq3A_1263, %get3A_471, %broadcast_in_dim3A_1265 : vector<16xi1>, vector<16xi32>
      %reduce_sum3A_1267 = arith.constant true
      %reduce_sum3A_1268 = vector.broadcast %reduce_sum3A_1267 : i1 to vector<16xi1>
      %reduce_sum3A_1269 = tpu.scan <sum>, %select_n3A_1266 masked %reduce_sum3A_1268 : vector<16xi32>, vector<16xi1> -> vector<16xi32>
      %reduce_sum3A_1270 = vector.extract %reduce_sum3A_1269[15] : i32 from vector<16xi32>
      %and3A_1271 = arith.constant 127 : i32
      %and3A_1272 = arith.andi %reduce_sum3A_1259, %and3A_1271 : i32
      %broadcast_in_dim3A_1273 = vector.broadcast %and3A_1272 : i32 to vector<16xi32>
      %and3A_1274 = arith.constant 127 : i32
      %and3A_1275 = arith.andi %reduce_sum3A_1270, %and3A_1274 : i32
      %broadcast_in_dim3A_1276 = vector.broadcast %and3A_1275 : i32 to vector<16xi32>
      %gather3A_1277 = arith.constant 6 : i32
      %gather3A_1278 = arith.constant 0 : i32
      %gather3A_1279 = arith.constant 0 : i32
      %gather3A_1280 = tpu.memref_slice %arg9[%gather3A_1277, %gather3A_1278, %gather3A_1279] : memref<8x32x128xf32, #tpu.memory_space<vmem>> -> memref<1x32x128xf32, #tpu.memory_space<vmem>>
      %gather3A_1281 = tpu.memref_squeeze %gather3A_1280 : memref<1x32x128xf32, #tpu.memory_space<vmem>> -> memref<32x128xf32, #tpu.memory_space<vmem>>
      %gather3A_1282 = tpu.vector_load_idx %gather3A_1281[%iota3A, %broadcast_in_dim3A_1273] : memref<32x128xf32, #tpu.memory_space<vmem>>[vector<16xi32>, vector<16xi32>], vector<16xf32>,
      %add3A_1283 = arith.constant 16 : i32
      %add3A_1284 = vector.broadcast %add3A_1283 : i32 to vector<16xi32>
      %add3A_1285 = arith.addi %iota3A, %add3A_1284 : vector<16xi32>
      %gather3A_1286 = arith.constant 6 : i32
      %gather3A_1287 = arith.constant 0 : i32
      %gather3A_1288 = arith.constant 0 : i32
      %gather3A_1289 = tpu.memref_slice %arg9[%gather3A_1286, %gather3A_1287, %gather3A_1288] : memref<8x32x128xf32, #tpu.memory_space<vmem>> -> memref<1x32x128xf32, #tpu.memory_space<vmem>>
      %gather3A_1290 = tpu.memref_squeeze %gather3A_1289 : memref<1x32x128xf32, #tpu.memory_space<vmem>> -> memref<32x128xf32, #tpu.memory_space<vmem>>
      %gather3A_1291 = tpu.vector_load_idx %gather3A_1290[%add3A_1285, %broadcast_in_dim3A_1273] : memref<32x128xf32, #tpu.memory_space<vmem>>[vector<16xi32>, vector<16xi32>], vector<16xf32>,
      %gather3A_1292 = arith.constant 6 : i32
      %gather3A_1293 = arith.constant 0 : i32
      %gather3A_1294 = arith.constant 0 : i32
      %gather3A_1295 = tpu.memref_slice %arg10[%gather3A_1292, %gather3A_1293, %gather3A_1294] : memref<8x32x128xf32, #tpu.memory_space<vmem>> -> memref<1x32x128xf32, #tpu.memory_space<vmem>>
      %gather3A_1296 = tpu.memref_squeeze %gather3A_1295 : memref<1x32x128xf32, #tpu.memory_space<vmem>> -> memref<32x128xf32, #tpu.memory_space<vmem>>
      %gather3A_1297 = tpu.vector_load_idx %gather3A_1296[%iota3A, %broadcast_in_dim3A_1276] : memref<32x128xf32, #tpu.memory_space<vmem>>[vector<16xi32>, vector<16xi32>], vector<16xf32>,
      %add3A_1298 = arith.constant 16 : i32
      %add3A_1299 = vector.broadcast %add3A_1298 : i32 to vector<16xi32>
      %add3A_1300 = arith.addi %iota3A, %add3A_1299 : vector<16xi32>
      %gather3A_1301 = arith.constant 6 : i32
      %gather3A_1302 = arith.constant 0 : i32
      %gather3A_1303 = arith.constant 0 : i32
      %gather3A_1304 = tpu.memref_slice %arg10[%gather3A_1301, %gather3A_1302, %gather3A_1303] : memref<8x32x128xf32, #tpu.memory_space<vmem>> -> memref<1x32x128xf32, #tpu.memory_space<vmem>>
      %gather3A_1305 = tpu.memref_squeeze %gather3A_1304 : memref<1x32x128xf32, #tpu.memory_space<vmem>> -> memref<32x128xf32, #tpu.memory_space<vmem>>
      %gather3A_1306 = tpu.vector_load_idx %gather3A_1305[%add3A_1300, %broadcast_in_dim3A_1276] : memref<32x128xf32, #tpu.memory_space<vmem>>[vector<16xi32>, vector<16xi32>], vector<16xf32>,
      %add3A_1307 = arith.constant 1 : i32
      %add3A_1308 = arith.addi %scan3A_459, %add3A_1307 : i32
      %lt3A_1309 = arith.constant 64 : i32
      %lt3A_1310 = arith.cmpi slt, %add3A_1308, %lt3A_1309 : i32
      %convert_element_type3A_1311 = arith.extui %lt3A_1310 : i1 to i32
      %cond3A_1312 = arith.constant 0 : i32
      %cond3A_1313 = arith.cmpi ne, %convert_element_type3A_1311, %cond3A_1312 : i32
      scf.if %cond3A_1313 {
        %add3A_1457 = arith.constant 6 : i32
        %add3A_1458 = arith.addi %and3A_493, %add3A_1457 : i32
        %eq3A_1459 = vector.broadcast %add3A_1458 : i32 to vector<16xi32>
        %eq3A_1460 = arith.cmpi eq, %iota3A, %eq3A_1459 : vector<16xi32>
        %jit3A_1461 = arith.constant 0 : i32
        %broadcast_in_dim3A_1462 = vector.broadcast %jit3A_1461 : i32 to vector<16xi32>
        %select_n3A_1463 = arith.select %eq3A_1460, %get3A_482, %broadcast_in_dim3A_1462 : vector<16xi1>, vector<16xi32>
        %reduce_sum3A_1464 = arith.constant true
        %reduce_sum3A_1465 = vector.broadcast %reduce_sum3A_1464 : i1 to vector<16xi1>
        %reduce_sum3A_1466 = tpu.scan <sum>, %select_n3A_1463 masked %reduce_sum3A_1465 : vector<16xi32>, vector<16xi1> -> vector<16xi32>
        %reduce_sum3A_1467 = vector.extract %reduce_sum3A_1466[15] : i32 from vector<16xi32>
        %eq3A_1468 = vector.broadcast %add3A_1458 : i32 to vector<16xi32>
        %eq3A_1469 = arith.cmpi eq, %iota3A, %eq3A_1468 : vector<16xi32>
        %jit3A_1470 = arith.constant 0 : i32
        %broadcast_in_dim3A_1471 = vector.broadcast %jit3A_1470 : i32 to vector<16xi32>
        %select_n3A_1472 = arith.select %eq3A_1469, %get3A_484, %broadcast_in_dim3A_1471 : vector<16xi1>, vector<16xi32>
        %reduce_sum3A_1473 = arith.constant true
        %reduce_sum3A_1474 = vector.broadcast %reduce_sum3A_1473 : i1 to vector<16xi1>
        %reduce_sum3A_1475 = tpu.scan <sum>, %select_n3A_1472 masked %reduce_sum3A_1474 : vector<16xi32>, vector<16xi1> -> vector<16xi32>
        %reduce_sum3A_1476 = vector.extract %reduce_sum3A_1475[15] : i32 from vector<16xi32>
        %shift_right_arithmetic3A_1477 = arith.constant 7 : i32
        %shift_right_arithmetic3A_1478 = arith.shrsi %reduce_sum3A_1467, %shift_right_arithmetic3A_1477 : i32
        %mul3A_1479 = arith.constant 128 : i32
        %mul3A_1480 = arith.muli %shift_right_arithmetic3A_1478, %mul3A_1479 : i32
        %multiple_of3A_1481 = tpu.assume_multiple %mul3A_1480, 128 : i32
        %shift_right_arithmetic3A_1482 = arith.constant 7 : i32
        %shift_right_arithmetic3A_1483 = arith.shrsi %reduce_sum3A_1476, %shift_right_arithmetic3A_1482 : i32
        %mul3A_1484 = arith.constant 128 : i32
        %mul3A_1485 = arith.muli %shift_right_arithmetic3A_1483, %mul3A_1484 : i32
        %multiple_of3A_1486 = tpu.assume_multiple %mul3A_1485, 128 : i32
        %dma_start3A_1487 = arith.constant 6 : i32
        %dma_start3A_1488 = arith.constant 0 : i32
        %dma_start3A_1489 = arith.constant 0 : i32
        %dma_start3A_1490 = tpu.memref_slice %arg9[%dma_start3A_1487, %dma_start3A_1488, %dma_start3A_1489] : memref<8x32x128xf32, #tpu.memory_space<vmem>> -> memref<1x32x128xf32, #tpu.memory_space<vmem>>
        %dma_start3A_1491 = tpu.memref_squeeze %dma_start3A_1490 : memref<1x32x128xf32, #tpu.memory_space<vmem>> -> memref<32x128xf32, #tpu.memory_space<vmem>>
        %dma_start3A_1492 = arith.constant 0 : i32
        %dma_start3A_1493 = tpu.memref_slice %arg2[%dma_start3A_1492, %multiple_of3A_1481] : memref<32x1000000xf32, #tpu.memory_space<hbm>> -> memref<32x128xf32, #tpu.memory_space<hbm>>
        %dma_start3A_1494 = arith.constant 0 : i32
        %dma_start3A_1495 = arith.constant 0 : i32
        %dma_start3A_1496 = tpu.memref_slice %arg9[%dma_start3A_1487, %dma_start3A_1494, %dma_start3A_1495] : memref<8x32x128xf32, #tpu.memory_space<vmem>> -> memref<1x32x128xf32, #tpu.memory_space<vmem>>
        %dma_start3A_1497 = tpu.memref_squeeze %dma_start3A_1496 : memref<1x32x128xf32, #tpu.memory_space<vmem>> -> memref<32x128xf32, #tpu.memory_space<vmem>>
        %dma_start3A_1498 = arith.constant 0 : i32
        %dma_start3A_1499 = tpu.memref_slice %arg2[%dma_start3A_1498, %multiple_of3A_1481] : memref<32x1000000xf32, #tpu.memory_space<hbm>> -> memref<32x128xf32, #tpu.memory_space<hbm>>
        tpu.enqueue_dma source(%dma_start3A_1499 : memref<32x128xf32, #tpu.memory_space<hbm>>) target(%dma_start3A_1497 : memref<32x128xf32, #tpu.memory_space<vmem>>) target_semaphore(%arg22 : memref<!tpu.dma_semaphore, #tpu.memory_space<semaphore_mem>>)
        %dma_start3A_1500 = arith.constant 6 : i32
        %dma_start3A_1501 = arith.constant 0 : i32
        %dma_start3A_1502 = arith.constant 0 : i32
        %dma_start3A_1503 = tpu.memref_slice %arg10[%dma_start3A_1500, %dma_start3A_1501, %dma_start3A_1502] : memref<8x32x128xf32, #tpu.memory_space<vmem>> -> memref<1x32x128xf32, #tpu.memory_space<vmem>>
        %dma_start3A_1504 = tpu.memref_squeeze %dma_start3A_1503 : memref<1x32x128xf32, #tpu.memory_space<vmem>> -> memref<32x128xf32, #tpu.memory_space<vmem>>
        %dma_start3A_1505 = arith.constant 0 : i32
        %dma_start3A_1506 = tpu.memref_slice %arg3[%dma_start3A_1505, %multiple_of3A_1486] : memref<32x1000000xf32, #tpu.memory_space<hbm>> -> memref<32x128xf32, #tpu.memory_space<hbm>>
        %dma_start3A_1507 = arith.constant 0 : i32
        %dma_start3A_1508 = arith.constant 0 : i32
        %dma_start3A_1509 = tpu.memref_slice %arg10[%dma_start3A_1500, %dma_start3A_1507, %dma_start3A_1508] : memref<8x32x128xf32, #tpu.memory_space<vmem>> -> memref<1x32x128xf32, #tpu.memory_space<vmem>>
        %dma_start3A_1510 = tpu.memref_squeeze %dma_start3A_1509 : memref<1x32x128xf32, #tpu.memory_space<vmem>> -> memref<32x128xf32, #tpu.memory_space<vmem>>
        %dma_start3A_1511 = arith.constant 0 : i32
        %dma_start3A_1512 = tpu.memref_slice %arg3[%dma_start3A_1511, %multiple_of3A_1486] : memref<32x1000000xf32, #tpu.memory_space<hbm>> -> memref<32x128xf32, #tpu.memory_space<hbm>>
        tpu.enqueue_dma source(%dma_start3A_1512 : memref<32x128xf32, #tpu.memory_space<hbm>>) target(%dma_start3A_1510 : memref<32x128xf32, #tpu.memory_space<vmem>>) target_semaphore(%arg22 : memref<!tpu.dma_semaphore, #tpu.memory_space<semaphore_mem>>)
      } else {
      }
      %mul3A_1314 = arith.mulf %gather3A_1282, %gather3A_1297 : vector<16xf32>
      %mul3A_1315 = arith.mulf %mul3A_1314, %get3A_3 : vector<16xf32>
      %mul3A_1316 = arith.mulf %gather3A_1291, %gather3A_1306 : vector<16xf32>
      %mul3A_1317 = arith.mulf %mul3A_1316, %get3A_5 : vector<16xf32>
      %add3A_1318 = arith.addf %mul3A_1315, %mul3A_1317 : vector<16xf32>
      %reduce_sum3A_1319 = arith.constant true
      %reduce_sum3A_1320 = vector.broadcast %reduce_sum3A_1319 : i1 to vector<16xi1>
      %reduce_sum3A_1321 = tpu.scan <sum>, %add3A_1318 masked %reduce_sum3A_1320 : vector<16xf32>, vector<16xi1> -> vector<16xf32>
      %reduce_sum3A_1322 = vector.extract %reduce_sum3A_1321[15] : f32 from vector<16xf32>
      %and3A_1323 = arith.constant 15 : i32
      %and3A_1324 = arith.andi %add3A_1218, %and3A_1323 : i32
      %eq3A_1325 = vector.broadcast %and3A_1324 : i32 to vector<16xi32>
      %eq3A_1326 = arith.cmpi eq, %iota3A, %eq3A_1325 : vector<16xi32>
      %broadcast_in_dim3A_1327 = vector.broadcast %reduce_sum3A_1322 : f32 to vector<16xf32>
      %select_n3A_1328 = arith.select %eq3A_1326, %broadcast_in_dim3A_1327, %select_n3A_1207 : vector<16xi1>, vector<16xf32>
      %and3A_1329 = arith.constant 15 : i32
      %and3A_1330 = arith.andi %add3A_1218, %and3A_1329 : i32
      %eq3A_1331 = arith.constant 15 : i32
      %eq3A_1332 = arith.cmpi eq, %and3A_1330, %eq3A_1331 : i32
      %convert_element_type3A_1333 = arith.extui %eq3A_1332 : i1 to i32
      %cond3A_1334 = arith.constant 0 : i32
      %cond3A_1335 = arith.cmpi ne, %convert_element_type3A_1333, %cond3A_1334 : i32
      scf.if %cond3A_1335 {
        %add3A_1457 = arith.addf %select_n3A_1328, %get3A_7 : vector<16xf32>
        %neg3A = arith.constant 0.000000e+00 : f32
        %neg3A_1458 = vector.broadcast %neg3A : f32 to vector<16xf32>
        %neg3A_1459 = arith.subf %neg3A_1458, %add3A_1457 : vector<16xf32>
        %exp3A = math.exp %neg3A_1459 : vector<16xf32>
        %add3A_1460 = arith.constant 1.000000e+00 : f32
        %add3A_1461 = vector.broadcast %add3A_1460 : f32 to vector<16xf32>
        %add3A_1462 = arith.addf %add3A_1461, %exp3A : vector<16xf32>
        %div3A = arith.constant 1.000000e+00 : f32
        %div3A_1463 = vector.broadcast %div3A : f32 to vector<16xf32>
        %div3A_1464 = arith.divf %div3A_1463, %add3A_1462 : vector<16xf32>
        %shift_right_arithmetic3A_1465 = arith.constant 4 : i32
        %shift_right_arithmetic3A_1466 = arith.shrsi %add3A_1218, %shift_right_arithmetic3A_1465 : i32
        %shift_left3A = arith.constant 4 : i32
        %shift_left3A_1467 = arith.shli %shift_right_arithmetic3A_1466, %shift_left3A : i32
        %swap3A = arith.index_cast %shift_left3A_1467 : i32 to index
        %swap3A_1468 = tpu.vector_load %arg13[%swap3A] {strides = array<i32>} : memref<512xf32, #tpu.memory_space<vmem>>, vector<16xf32>,
        tpu.vector_store %arg13[%swap3A], %div3A_1464 {strides = array<i32>} : memref<512xf32, #tpu.memory_space<vmem>>, vector<16xf32>,
      } else {
      }
      %mul3A_1336 = arith.constant 8 : i32
      %mul3A_1337 = arith.muli %scan3A_459, %mul3A_1336 : i32
      %add3A_1338 = arith.constant 7 : i32
      %add3A_1339 = arith.addi %mul3A_1337, %add3A_1338 : i32
      %dma_wait3A_1340 = arith.constant 7 : i32
      %dma_wait3A_1341 = arith.constant 0 : i32
      %dma_wait3A_1342 = arith.constant 0 : i32
      %dma_wait3A_1343 = tpu.memref_slice %arg9[%dma_wait3A_1340, %dma_wait3A_1341, %dma_wait3A_1342] : memref<8x32x128xf32, #tpu.memory_space<vmem>> -> memref<1x32x128xf32, #tpu.memory_space<vmem>>
      %dma_wait3A_1344 = tpu.memref_squeeze %dma_wait3A_1343 : memref<1x32x128xf32, #tpu.memory_space<vmem>> -> memref<32x128xf32, #tpu.memory_space<vmem>>
      %dma_wait3A_1345 = arith.constant 0 : i32
      %dma_wait3A_1346 = arith.constant 0 : i32
      %dma_wait3A_1347 = tpu.memref_slice %arg2[%dma_wait3A_1345, %dma_wait3A_1346] : memref<32x1000000xf32, #tpu.memory_space<hbm>> -> memref<32x128xf32, #tpu.memory_space<hbm>>
      %dma_wait3A_1348 = arith.constant 0 : i32
      %dma_wait3A_1349 = arith.constant 0 : i32
      %dma_wait3A_1350 = tpu.memref_slice %arg9[%dma_wait3A_1340, %dma_wait3A_1348, %dma_wait3A_1349] : memref<8x32x128xf32, #tpu.memory_space<vmem>> -> memref<1x32x128xf32, #tpu.memory_space<vmem>>
      %dma_wait3A_1351 = tpu.memref_squeeze %dma_wait3A_1350 : memref<1x32x128xf32, #tpu.memory_space<vmem>> -> memref<32x128xf32, #tpu.memory_space<vmem>>
      %dma_wait3A_1352 = arith.constant 0 : i32
      %dma_wait3A_1353 = arith.constant 0 : i32
      %dma_wait3A_1354 = tpu.memref_slice %arg2[%dma_wait3A_1352, %dma_wait3A_1353] : memref<32x1000000xf32, #tpu.memory_space<hbm>> -> memref<32x128xf32, #tpu.memory_space<hbm>>
      tpu.wait_dma2 semaphore(%arg23 : memref<!tpu.dma_semaphore, #tpu.memory_space<semaphore_mem>>) src(%dma_wait3A_1354 : memref<32x128xf32, #tpu.memory_space<hbm>>) dst(%dma_wait3A_1351 : memref<32x128xf32, #tpu.memory_space<vmem>>)
      %dma_wait3A_1355 = arith.constant 7 : i32
      %dma_wait3A_1356 = arith.constant 0 : i32
      %dma_wait3A_1357 = arith.constant 0 : i32
      %dma_wait3A_1358 = tpu.memref_slice %arg10[%dma_wait3A_1355, %dma_wait3A_1356, %dma_wait3A_1357] : memref<8x32x128xf32, #tpu.memory_space<vmem>> -> memref<1x32x128xf32, #tpu.memory_space<vmem>>
      %dma_wait3A_1359 = tpu.memref_squeeze %dma_wait3A_1358 : memref<1x32x128xf32, #tpu.memory_space<vmem>> -> memref<32x128xf32, #tpu.memory_space<vmem>>
      %dma_wait3A_1360 = arith.constant 0 : i32
      %dma_wait3A_1361 = arith.constant 0 : i32
      %dma_wait3A_1362 = tpu.memref_slice %arg3[%dma_wait3A_1360, %dma_wait3A_1361] : memref<32x1000000xf32, #tpu.memory_space<hbm>> -> memref<32x128xf32, #tpu.memory_space<hbm>>
      %dma_wait3A_1363 = arith.constant 0 : i32
      %dma_wait3A_1364 = arith.constant 0 : i32
      %dma_wait3A_1365 = tpu.memref_slice %arg10[%dma_wait3A_1355, %dma_wait3A_1363, %dma_wait3A_1364] : memref<8x32x128xf32, #tpu.memory_space<vmem>> -> memref<1x32x128xf32, #tpu.memory_space<vmem>>
      %dma_wait3A_1366 = tpu.memref_squeeze %dma_wait3A_1365 : memref<1x32x128xf32, #tpu.memory_space<vmem>> -> memref<32x128xf32, #tpu.memory_space<vmem>>
      %dma_wait3A_1367 = arith.constant 0 : i32
      %dma_wait3A_1368 = arith.constant 0 : i32
      %dma_wait3A_1369 = tpu.memref_slice %arg3[%dma_wait3A_1367, %dma_wait3A_1368] : memref<32x1000000xf32, #tpu.memory_space<hbm>> -> memref<32x128xf32, #tpu.memory_space<hbm>>
      tpu.wait_dma2 semaphore(%arg23 : memref<!tpu.dma_semaphore, #tpu.memory_space<semaphore_mem>>) src(%dma_wait3A_1369 : memref<32x128xf32, #tpu.memory_space<hbm>>) dst(%dma_wait3A_1366 : memref<32x128xf32, #tpu.memory_space<vmem>>)
      %add3A_1370 = arith.constant 7 : i32
      %add3A_1371 = arith.addi %and3A_487, %add3A_1370 : i32
      %eq3A_1372 = vector.broadcast %add3A_1371 : i32 to vector<16xi32>
      %eq3A_1373 = arith.cmpi eq, %iota3A, %eq3A_1372 : vector<16xi32>
      %jit3A_1374 = arith.constant 0 : i32
      %broadcast_in_dim3A_1375 = vector.broadcast %jit3A_1374 : i32 to vector<16xi32>
      %select_n3A_1376 = arith.select %eq3A_1373, %get3A_469, %broadcast_in_dim3A_1375 : vector<16xi1>, vector<16xi32>
      %reduce_sum3A_1377 = arith.constant true
      %reduce_sum3A_1378 = vector.broadcast %reduce_sum3A_1377 : i1 to vector<16xi1>
      %reduce_sum3A_1379 = tpu.scan <sum>, %select_n3A_1376 masked %reduce_sum3A_1378 : vector<16xi32>, vector<16xi1> -> vector<16xi32>
      %reduce_sum3A_1380 = vector.extract %reduce_sum3A_1379[15] : i32 from vector<16xi32>
      %add3A_1381 = arith.constant 7 : i32
      %add3A_1382 = arith.addi %and3A_487, %add3A_1381 : i32
      %eq3A_1383 = vector.broadcast %add3A_1382 : i32 to vector<16xi32>
      %eq3A_1384 = arith.cmpi eq, %iota3A, %eq3A_1383 : vector<16xi32>
      %jit3A_1385 = arith.constant 0 : i32
      %broadcast_in_dim3A_1386 = vector.broadcast %jit3A_1385 : i32 to vector<16xi32>
      %select_n3A_1387 = arith.select %eq3A_1384, %get3A_471, %broadcast_in_dim3A_1386 : vector<16xi1>, vector<16xi32>
      %reduce_sum3A_1388 = arith.constant true
      %reduce_sum3A_1389 = vector.broadcast %reduce_sum3A_1388 : i1 to vector<16xi1>
      %reduce_sum3A_1390 = tpu.scan <sum>, %select_n3A_1387 masked %reduce_sum3A_1389 : vector<16xi32>, vector<16xi1> -> vector<16xi32>
      %reduce_sum3A_1391 = vector.extract %reduce_sum3A_1390[15] : i32 from vector<16xi32>
      %and3A_1392 = arith.constant 127 : i32
      %and3A_1393 = arith.andi %reduce_sum3A_1380, %and3A_1392 : i32
      %broadcast_in_dim3A_1394 = vector.broadcast %and3A_1393 : i32 to vector<16xi32>
      %and3A_1395 = arith.constant 127 : i32
      %and3A_1396 = arith.andi %reduce_sum3A_1391, %and3A_1395 : i32
      %broadcast_in_dim3A_1397 = vector.broadcast %and3A_1396 : i32 to vector<16xi32>
      %gather3A_1398 = arith.constant 7 : i32
      %gather3A_1399 = arith.constant 0 : i32
      %gather3A_1400 = arith.constant 0 : i32
      %gather3A_1401 = tpu.memref_slice %arg9[%gather3A_1398, %gather3A_1399, %gather3A_1400] : memref<8x32x128xf32, #tpu.memory_space<vmem>> -> memref<1x32x128xf32, #tpu.memory_space<vmem>>
      %gather3A_1402 = tpu.memref_squeeze %gather3A_1401 : memref<1x32x128xf32, #tpu.memory_space<vmem>> -> memref<32x128xf32, #tpu.memory_space<vmem>>
      %gather3A_1403 = tpu.vector_load_idx %gather3A_1402[%iota3A, %broadcast_in_dim3A_1394] : memref<32x128xf32, #tpu.memory_space<vmem>>[vector<16xi32>, vector<16xi32>], vector<16xf32>,
      %add3A_1404 = arith.constant 16 : i32
      %add3A_1405 = vector.broadcast %add3A_1404 : i32 to vector<16xi32>
      %add3A_1406 = arith.addi %iota3A, %add3A_1405 : vector<16xi32>
      %gather3A_1407 = arith.constant 7 : i32
      %gather3A_1408 = arith.constant 0 : i32
      %gather3A_1409 = arith.constant 0 : i32
      %gather3A_1410 = tpu.memref_slice %arg9[%gather3A_1407, %gather3A_1408, %gather3A_1409] : memref<8x32x128xf32, #tpu.memory_space<vmem>> -> memref<1x32x128xf32, #tpu.memory_space<vmem>>
      %gather3A_1411 = tpu.memref_squeeze %gather3A_1410 : memref<1x32x128xf32, #tpu.memory_space<vmem>> -> memref<32x128xf32, #tpu.memory_space<vmem>>
      %gather3A_1412 = tpu.vector_load_idx %gather3A_1411[%add3A_1406, %broadcast_in_dim3A_1394] : memref<32x128xf32, #tpu.memory_space<vmem>>[vector<16xi32>, vector<16xi32>], vector<16xf32>,
      %gather3A_1413 = arith.constant 7 : i32
      %gather3A_1414 = arith.constant 0 : i32
      %gather3A_1415 = arith.constant 0 : i32
      %gather3A_1416 = tpu.memref_slice %arg10[%gather3A_1413, %gather3A_1414, %gather3A_1415] : memref<8x32x128xf32, #tpu.memory_space<vmem>> -> memref<1x32x128xf32, #tpu.memory_space<vmem>>
      %gather3A_1417 = tpu.memref_squeeze %gather3A_1416 : memref<1x32x128xf32, #tpu.memory_space<vmem>> -> memref<32x128xf32, #tpu.memory_space<vmem>>
      %gather3A_1418 = tpu.vector_load_idx %gather3A_1417[%iota3A, %broadcast_in_dim3A_1397] : memref<32x128xf32, #tpu.memory_space<vmem>>[vector<16xi32>, vector<16xi32>], vector<16xf32>,
      %add3A_1419 = arith.constant 16 : i32
      %add3A_1420 = vector.broadcast %add3A_1419 : i32 to vector<16xi32>
      %add3A_1421 = arith.addi %iota3A, %add3A_1420 : vector<16xi32>
      %gather3A_1422 = arith.constant 7 : i32
      %gather3A_1423 = arith.constant 0 : i32
      %gather3A_1424 = arith.constant 0 : i32
      %gather3A_1425 = tpu.memref_slice %arg10[%gather3A_1422, %gather3A_1423, %gather3A_1424] : memref<8x32x128xf32, #tpu.memory_space<vmem>> -> memref<1x32x128xf32, #tpu.memory_space<vmem>>
      %gather3A_1426 = tpu.memref_squeeze %gather3A_1425 : memref<1x32x128xf32, #tpu.memory_space<vmem>> -> memref<32x128xf32, #tpu.memory_space<vmem>>
      %gather3A_1427 = tpu.vector_load_idx %gather3A_1426[%add3A_1421, %broadcast_in_dim3A_1397] : memref<32x128xf32, #tpu.memory_space<vmem>>[vector<16xi32>, vector<16xi32>], vector<16xf32>,
      %add3A_1428 = arith.constant 1 : i32
      %add3A_1429 = arith.addi %scan3A_459, %add3A_1428 : i32
      %lt3A_1430 = arith.constant 64 : i32
      %lt3A_1431 = arith.cmpi slt, %add3A_1429, %lt3A_1430 : i32
      %convert_element_type3A_1432 = arith.extui %lt3A_1431 : i1 to i32
      %cond3A_1433 = arith.constant 0 : i32
      %cond3A_1434 = arith.cmpi ne, %convert_element_type3A_1432, %cond3A_1433 : i32
      scf.if %cond3A_1434 {
        %add3A_1457 = arith.constant 7 : i32
        %add3A_1458 = arith.addi %and3A_493, %add3A_1457 : i32
        %eq3A_1459 = vector.broadcast %add3A_1458 : i32 to vector<16xi32>
        %eq3A_1460 = arith.cmpi eq, %iota3A, %eq3A_1459 : vector<16xi32>
        %jit3A_1461 = arith.constant 0 : i32
        %broadcast_in_dim3A_1462 = vector.broadcast %jit3A_1461 : i32 to vector<16xi32>
        %select_n3A_1463 = arith.select %eq3A_1460, %get3A_482, %broadcast_in_dim3A_1462 : vector<16xi1>, vector<16xi32>
        %reduce_sum3A_1464 = arith.constant true
        %reduce_sum3A_1465 = vector.broadcast %reduce_sum3A_1464 : i1 to vector<16xi1>
        %reduce_sum3A_1466 = tpu.scan <sum>, %select_n3A_1463 masked %reduce_sum3A_1465 : vector<16xi32>, vector<16xi1> -> vector<16xi32>
        %reduce_sum3A_1467 = vector.extract %reduce_sum3A_1466[15] : i32 from vector<16xi32>
        %eq3A_1468 = vector.broadcast %add3A_1458 : i32 to vector<16xi32>
        %eq3A_1469 = arith.cmpi eq, %iota3A, %eq3A_1468 : vector<16xi32>
        %jit3A_1470 = arith.constant 0 : i32
        %broadcast_in_dim3A_1471 = vector.broadcast %jit3A_1470 : i32 to vector<16xi32>
        %select_n3A_1472 = arith.select %eq3A_1469, %get3A_484, %broadcast_in_dim3A_1471 : vector<16xi1>, vector<16xi32>
        %reduce_sum3A_1473 = arith.constant true
        %reduce_sum3A_1474 = vector.broadcast %reduce_sum3A_1473 : i1 to vector<16xi1>
        %reduce_sum3A_1475 = tpu.scan <sum>, %select_n3A_1472 masked %reduce_sum3A_1474 : vector<16xi32>, vector<16xi1> -> vector<16xi32>
        %reduce_sum3A_1476 = vector.extract %reduce_sum3A_1475[15] : i32 from vector<16xi32>
        %shift_right_arithmetic3A_1477 = arith.constant 7 : i32
        %shift_right_arithmetic3A_1478 = arith.shrsi %reduce_sum3A_1467, %shift_right_arithmetic3A_1477 : i32
        %mul3A_1479 = arith.constant 128 : i32
        %mul3A_1480 = arith.muli %shift_right_arithmetic3A_1478, %mul3A_1479 : i32
        %multiple_of3A_1481 = tpu.assume_multiple %mul3A_1480, 128 : i32
        %shift_right_arithmetic3A_1482 = arith.constant 7 : i32
        %shift_right_arithmetic3A_1483 = arith.shrsi %reduce_sum3A_1476, %shift_right_arithmetic3A_1482 : i32
        %mul3A_1484 = arith.constant 128 : i32
        %mul3A_1485 = arith.muli %shift_right_arithmetic3A_1483, %mul3A_1484 : i32
        %multiple_of3A_1486 = tpu.assume_multiple %mul3A_1485, 128 : i32
        %dma_start3A_1487 = arith.constant 7 : i32
        %dma_start3A_1488 = arith.constant 0 : i32
        %dma_start3A_1489 = arith.constant 0 : i32
        %dma_start3A_1490 = tpu.memref_slice %arg9[%dma_start3A_1487, %dma_start3A_1488, %dma_start3A_1489] : memref<8x32x128xf32, #tpu.memory_space<vmem>> -> memref<1x32x128xf32, #tpu.memory_space<vmem>>
        %dma_start3A_1491 = tpu.memref_squeeze %dma_start3A_1490 : memref<1x32x128xf32, #tpu.memory_space<vmem>> -> memref<32x128xf32, #tpu.memory_space<vmem>>
        %dma_start3A_1492 = arith.constant 0 : i32
        %dma_start3A_1493 = tpu.memref_slice %arg2[%dma_start3A_1492, %multiple_of3A_1481] : memref<32x1000000xf32, #tpu.memory_space<hbm>> -> memref<32x128xf32, #tpu.memory_space<hbm>>
        %dma_start3A_1494 = arith.constant 0 : i32
        %dma_start3A_1495 = arith.constant 0 : i32
        %dma_start3A_1496 = tpu.memref_slice %arg9[%dma_start3A_1487, %dma_start3A_1494, %dma_start3A_1495] : memref<8x32x128xf32, #tpu.memory_space<vmem>> -> memref<1x32x128xf32, #tpu.memory_space<vmem>>
        %dma_start3A_1497 = tpu.memref_squeeze %dma_start3A_1496 : memref<1x32x128xf32, #tpu.memory_space<vmem>> -> memref<32x128xf32, #tpu.memory_space<vmem>>
        %dma_start3A_1498 = arith.constant 0 : i32
        %dma_start3A_1499 = tpu.memref_slice %arg2[%dma_start3A_1498, %multiple_of3A_1481] : memref<32x1000000xf32, #tpu.memory_space<hbm>> -> memref<32x128xf32, #tpu.memory_space<hbm>>
        tpu.enqueue_dma source(%dma_start3A_1499 : memref<32x128xf32, #tpu.memory_space<hbm>>) target(%dma_start3A_1497 : memref<32x128xf32, #tpu.memory_space<vmem>>) target_semaphore(%arg23 : memref<!tpu.dma_semaphore, #tpu.memory_space<semaphore_mem>>)
        %dma_start3A_1500 = arith.constant 7 : i32
        %dma_start3A_1501 = arith.constant 0 : i32
        %dma_start3A_1502 = arith.constant 0 : i32
        %dma_start3A_1503 = tpu.memref_slice %arg10[%dma_start3A_1500, %dma_start3A_1501, %dma_start3A_1502] : memref<8x32x128xf32, #tpu.memory_space<vmem>> -> memref<1x32x128xf32, #tpu.memory_space<vmem>>
        %dma_start3A_1504 = tpu.memref_squeeze %dma_start3A_1503 : memref<1x32x128xf32, #tpu.memory_space<vmem>> -> memref<32x128xf32, #tpu.memory_space<vmem>>
        %dma_start3A_1505 = arith.constant 0 : i32
        %dma_start3A_1506 = tpu.memref_slice %arg3[%dma_start3A_1505, %multiple_of3A_1486] : memref<32x1000000xf32, #tpu.memory_space<hbm>> -> memref<32x128xf32, #tpu.memory_space<hbm>>
        %dma_start3A_1507 = arith.constant 0 : i32
        %dma_start3A_1508 = arith.constant 0 : i32
        %dma_start3A_1509 = tpu.memref_slice %arg10[%dma_start3A_1500, %dma_start3A_1507, %dma_start3A_1508] : memref<8x32x128xf32, #tpu.memory_space<vmem>> -> memref<1x32x128xf32, #tpu.memory_space<vmem>>
        %dma_start3A_1510 = tpu.memref_squeeze %dma_start3A_1509 : memref<1x32x128xf32, #tpu.memory_space<vmem>> -> memref<32x128xf32, #tpu.memory_space<vmem>>
        %dma_start3A_1511 = arith.constant 0 : i32
        %dma_start3A_1512 = tpu.memref_slice %arg3[%dma_start3A_1511, %multiple_of3A_1486] : memref<32x1000000xf32, #tpu.memory_space<hbm>> -> memref<32x128xf32, #tpu.memory_space<hbm>>
        tpu.enqueue_dma source(%dma_start3A_1512 : memref<32x128xf32, #tpu.memory_space<hbm>>) target(%dma_start3A_1510 : memref<32x128xf32, #tpu.memory_space<vmem>>) target_semaphore(%arg23 : memref<!tpu.dma_semaphore, #tpu.memory_space<semaphore_mem>>)
      } else {
      }
      %mul3A_1435 = arith.mulf %gather3A_1403, %gather3A_1418 : vector<16xf32>
      %mul3A_1436 = arith.mulf %mul3A_1435, %get3A_3 : vector<16xf32>
      %mul3A_1437 = arith.mulf %gather3A_1412, %gather3A_1427 : vector<16xf32>
      %mul3A_1438 = arith.mulf %mul3A_1437, %get3A_5 : vector<16xf32>
      %add3A_1439 = arith.addf %mul3A_1436, %mul3A_1438 : vector<16xf32>
      %reduce_sum3A_1440 = arith.constant true
      %reduce_sum3A_1441 = vector.broadcast %reduce_sum3A_1440 : i1 to vector<16xi1>
      %reduce_sum3A_1442 = tpu.scan <sum>, %add3A_1439 masked %reduce_sum3A_1441 : vector<16xf32>, vector<16xi1> -> vector<16xf32>
      %reduce_sum3A_1443 = vector.extract %reduce_sum3A_1442[15] : f32 from vector<16xf32>
      %and3A_1444 = arith.constant 15 : i32
      %and3A_1445 = arith.andi %add3A_1339, %and3A_1444 : i32
      %eq3A_1446 = vector.broadcast %and3A_1445 : i32 to vector<16xi32>
      %eq3A_1447 = arith.cmpi eq, %iota3A, %eq3A_1446 : vector<16xi32>
      %broadcast_in_dim3A_1448 = vector.broadcast %reduce_sum3A_1443 : f32 to vector<16xf32>
      %select_n3A_1449 = arith.select %eq3A_1447, %broadcast_in_dim3A_1448, %select_n3A_1328 : vector<16xi1>, vector<16xf32>
      %and3A_1450 = arith.constant 15 : i32
      %and3A_1451 = arith.andi %add3A_1339, %and3A_1450 : i32
      %eq3A_1452 = arith.constant 15 : i32
      %eq3A_1453 = arith.cmpi eq, %and3A_1451, %eq3A_1452 : i32
      %convert_element_type3A_1454 = arith.extui %eq3A_1453 : i1 to i32
      %cond3A_1455 = arith.constant 0 : i32
      %cond3A_1456 = arith.cmpi ne, %convert_element_type3A_1454, %cond3A_1455 : i32
      scf.if %cond3A_1456 {
        %add3A_1457 = arith.addf %select_n3A_1449, %get3A_7 : vector<16xf32>
        %neg3A = arith.constant 0.000000e+00 : f32
        %neg3A_1458 = vector.broadcast %neg3A : f32 to vector<16xf32>
        %neg3A_1459 = arith.subf %neg3A_1458, %add3A_1457 : vector<16xf32>
        %exp3A = math.exp %neg3A_1459 : vector<16xf32>
        %add3A_1460 = arith.constant 1.000000e+00 : f32
        %add3A_1461 = vector.broadcast %add3A_1460 : f32 to vector<16xf32>
        %add3A_1462 = arith.addf %add3A_1461, %exp3A : vector<16xf32>
        %div3A = arith.constant 1.000000e+00 : f32
        %div3A_1463 = vector.broadcast %div3A : f32 to vector<16xf32>
        %div3A_1464 = arith.divf %div3A_1463, %add3A_1462 : vector<16xf32>
        %shift_right_arithmetic3A_1465 = arith.constant 4 : i32
        %shift_right_arithmetic3A_1466 = arith.shrsi %add3A_1339, %shift_right_arithmetic3A_1465 : i32
        %shift_left3A = arith.constant 4 : i32
        %shift_left3A_1467 = arith.shli %shift_right_arithmetic3A_1466, %shift_left3A : i32
        %swap3A = arith.index_cast %shift_left3A_1467 : i32 to index
        %swap3A_1468 = tpu.vector_load %arg13[%swap3A] {strides = array<i32>} : memref<512xf32, #tpu.memory_space<vmem>>, vector<16xf32>,
        tpu.vector_store %arg13[%swap3A], %div3A_1464 {strides = array<i32>} : memref<512xf32, #tpu.memory_space<vmem>>, vector<16xf32>,
      } else {
      }
      scf.yield %select_n3A_1449 : vector<16xf32>
    }
    %scan3A_458 = arith.constant 64 : i32
    "tpu.region"() ({
      %run_scoped3A = tpu.sem_alloc : memref<!tpu.dma_semaphore, #tpu.memory_space<semaphore_mem>>
      %dma_start3A_459 = tpu.memref_slice %arg8[%mul3A_2] : memref<16384xf32, #tpu.memory_space<hbm>> -> memref<512xf32, #tpu.memory_space<hbm>>
      %dma_start3A_460 = tpu.memref_slice %arg8[%mul3A_2] : memref<16384xf32, #tpu.memory_space<hbm>> -> memref<512xf32, #tpu.memory_space<hbm>>
      tpu.enqueue_dma source(%arg13 : memref<512xf32, #tpu.memory_space<vmem>>) target(%dma_start3A_460 : memref<512xf32, #tpu.memory_space<hbm>>) target_semaphore(%run_scoped3A : memref<!tpu.dma_semaphore, #tpu.memory_space<semaphore_mem>>)
      %dma_wait3A = tpu.memref_slice %arg8[%mul3A_2] : memref<16384xf32, #tpu.memory_space<hbm>> -> memref<512xf32, #tpu.memory_space<hbm>>
      %dma_wait3A_461 = tpu.memref_slice %arg8[%mul3A_2] : memref<16384xf32, #tpu.memory_space<hbm>> -> memref<512xf32, #tpu.memory_space<hbm>>
      tpu.wait_dma2 semaphore(%run_scoped3A : memref<!tpu.dma_semaphore, #tpu.memory_space<semaphore_mem>>) src(%arg13 : memref<512xf32, #tpu.memory_space<vmem>>) dst(%dma_wait3A_461 : memref<512xf32, #tpu.memory_space<hbm>>)
      tpu.yield
    }) : () -> ()
    return
  }
}

</mosaic_0001>

<sc_bundles>
// kernel: _gmf.3.cloned.1.call-start
scs
__scs_entry_jumppad:
0x0: {  	(pc) =	sbr.rel $0x88, $3  }
0x1: {  	(tag) =	ssettag $0x0;
	lr =	simm.s32 $0x1  }
0x2: {  	[smem:$0x3F9B] =	sst lr;
	_ =	strace $0xD0000000  }
0x3: {  	_ = 	snop  }
0x4: {  	_ = 	snop  }
0x5: {  	_ = 	snop  }
0x6: {  	_ = 	snop  }
0x7: {  	_ = 	snop  }
__scs_overlays_trampoline_lowered:
0x8: {  	[smem:$0x3FAA] =	sst s0  }
0x9: {  	[smem:$0x3FAB] =	sst s1  }
0xa: {  	[smem:$0x3FAC] =	sst s2  }
0xb: {  	[smem:$0x3FAD] =	sst s3  }
0xc: {  	[smem:$0x3FAE] =	sst s4  }
0xd: {  	[smem:$0x3FAF] =	sst s5  }
0xe: {  	[smem:$0x3FB0] =	sst s6  }
0xf: {  	[smem:$0x3FB1] =	sst s7  }
0x10: {  	[smem:$0x3FB2] =	sst s8  }
0x11: {  	[smem:$0x3FB3] =	sst s9;
	s0 =	simm.s32 @!p0 $0x0  }
0x12: {  	s1 =	sld [smem:$0x3F99];
	s0 =	simm.s32 @p0 $0x1  }
0x13: {  	[smem:$0x3FB4] =	sst s0;
	s0 =	simm.s32 @!p1 $0x0  }
0x14: {  	s2 =	sld [smem:$0x3F98];
	s0 =	simm.s32 @p1 $0x1  }
0x15: {  	[smem:$0x3FB5] =	sst s0;
	s0 =	simm.s32 @!p2 $0x0  }
0x16: {  	s3 =	sld [smem:$0x3FDB];
	s0 =	simm.s32 @p2 $0x1  }
0x17: {  	s4 =	simm.s32 $0x1BF5;
	[smem:$0x3FB7] =	sst s0  }
0x18: {  	s0 =	sld [smem:$0x3F9A];
	_ =	swait.ge [sflag:s4], $0x0  }
0x19: {  	s7 =	sld [smem:$0x3F9B]  }
0x1a: {  	s8 =	sadd.s32 $0xFFFFE003, lr  }
0x1b: {  	s9 =	sadd.s32 $0xFFFFFEF7, lr;
	s5 =	simm.s32 $0xFFFFFFFF;
	p2 =	slt.u32 s8, $0xFFFFF086  }
0x1c: {  	p1 =	slt.u32 s9, $0xF7A;
	s5 =	simm.s32 @!p2 $0x0  }
0x1d: {  	s5 =	simm.s32 @p1 $0x1;
	p0 =	seq.s32 s7, s2  }
0x1e: {  	s7 =	smul.u32 @!p0 $0xF7A, s2;
	p2 =	seq.s32 @!p0 s5, $0x0  }
0x1f: {  	s9 =	smul.u32 $0xF7A, s1;
	s8 =	simm.s32 @!p0 $0x1BF5;
	p2 =	por !p2, p0  }
0x20: {  	[sflag:s8] =	ssyncset.s32 @!p0 $0xFFFFF086;
	s6 =	sadd.s32 @!p0 s3, s7;
	s7 =	simm.s32 @!p0 $0x108  }
0x21: {  	s3 =	sadd.s32 s3, s9;
	s6 =	sadd.s32 @!p0 $0x88, s6;
	s7 =	simm.s32 @p2 $0x1082  }
0x22: {  	[simem:s7], [sflag:s8] =	dma.local @!p0 [hbm:s6], $0xF7A  }
0x23: {  	s9 =	sor.u32 $0xD0000000, s2;
	s6 =	simm.s32 $0x108;
	_ =	swait.ge @!p0 [sflag:s8], $0x0  }
0x24: {  	s3 =	sadd.s32 $0x88, s3;
	s6 =	simm.s32 @!p1 $0x1082;
	[sflag:s4] =	ssyncset.s32 $0xFFFFF086  }
0x25: {  	[simem:s6], [sflag:s4] =	dma.local [hbm:s3], $0xF7A  }
0x26: {  	[smem:$0x3F9B] =	sst s1;
	(tag) =	ssettag s2;
	_ =	strace s9  }
0x27: {  	s1 =	sld [smem:$0x3FAB]  }
0x28: {  	s2 =	sld [smem:$0x3FAC]  }
0x29: {  	s4 =	sld [smem:$0x3FAE]  }
0x2a: {  	p0 =	seq.s32 s5, $0x0;
	s5 =	sld [smem:$0x3FAF]  }
0x2b: {  	s6 =	sld [smem:$0x3FB0]  }
0x2c: {  	s7 =	sld [smem:$0x3FB1]  }
0x2d: {  	s3 =	simm.s32 $0x108;
	s8 =	sld [smem:$0x3FB2]  }
0x2e: {  	s3 =	simm.s32 @!p0 $0x1082;
	s9 =	sld [smem:$0x3FB3]  }
0x2f: {  	lr =	sadd.s32 s0, s3;
	s0 =	sld [smem:$0x3FAA]  }
0x30: {  	s3 =	sld [smem:$0x3FAD]  }
0x31: {  	[smem:$0x3FB6] =	sst s10  }
0x32: {  	s10 =	sld [smem:$0x3FB4];
	_ =	sdelay $0x3  }
0x33: {  	p0 =	seq.s32 s10, $0x1;
	s10 =	sld [smem:$0x3FB6];
	_ =	sdelay $0x3  }
0x34: {  	[smem:$0x3FB6] =	sst s10  }
0x35: {  	s10 =	sld [smem:$0x3FB5];
	_ =	sdelay $0x3  }
0x36: {  	p1 =	seq.s32 s10, $0x1;
	s10 =	sld [smem:$0x3FB6];
	_ =	sdelay $0x3  }
0x37: {  	[smem:$0x3FB6] =	sst s10  }
0x38: {  	s10 =	sld [smem:$0x3FB7]  }
0x39: {  	_ = 	snop;
	(pc) =	sbr.ind lr, $3  }
0x3a: {  	_ = 	snop  }
0x3b: {  	_ = 	snop  }
0x3c: {  	p2 =	seq.s32 s10, $0x1;
	s10 =	sld [smem:$0x3FB6]  }
0x3d: {  	_ =	shalt  }
0x3e: {  	_ =	shalt  }
0x3f: {  	_ =	shalt  }
0x40: {  	_ =	shalt  }
0x41: {  	_ =	shalt  }
0x42: {  	_ =	shalt  }
0x43: {  	_ =	shalt  }
0x44: {  	_ =	shalt  }
0x45: {  	_ =	shalt  }
0x46: {  	_ =	shalt  }
0x47: {  	_ =	shalt  }
0x48: {  	_ =	shalt  }
0x49: {  	_ =	shalt  }
0x4a: {  	_ =	shalt  }
0x4b: {  	_ =	shalt  }
0x4c: {  	_ =	shalt  }
0x4d: {  	_ =	shalt  }
0x4e: {  	_ =	shalt  }
0x4f: {  	_ =	shalt  }
0x50: {  	_ =	shalt  }
0x51: {  	_ =	shalt  }
0x52: {  	_ =	shalt  }
0x53: {  	_ =	shalt  }
0x54: {  	_ =	shalt  }
0x55: {  	_ =	shalt  }
0x56: {  	_ =	shalt  }
0x57: {  	_ =	shalt  }
0x58: {  	_ =	shalt  }
0x59: {  	_ =	shalt  }
0x5a: {  	_ =	shalt  }
0x5b: {  	_ =	shalt  }
0x5c: {  	_ =	shalt  }
0x5d: {  	_ =	shalt  }
0x5e: {  	_ =	shalt  }
0x5f: {  	_ =	shalt  }
0x60: {  	_ =	shalt  }
0x61: {  	_ =	shalt  }
0x62: {  	_ =	shalt  }
0x63: {  	_ =	shalt  }
0x64: {  	_ =	shalt  }
0x65: {  	_ =	shalt  }
0x66: {  	_ =	shalt  }
0x67: {  	_ =	shalt  }
0x68: {  	_ =	shalt  }
0x69: {  	_ =	shalt  }
0x6a: {  	_ =	shalt  }
0x6b: {  	_ =	shalt  }
0x6c: {  	_ =	shalt  }
0x6d: {  	_ =	shalt  }
0x6e: {  	_ =	shalt  }
0x6f: {  	_ =	shalt  }
0x70: {  	_ =	shalt  }
0x71: {  	_ =	shalt  }
0x72: {  	_ =	shalt  }
0x73: {  	_ =	shalt  }
0x74: {  	_ =	shalt  }
0x75: {  	_ =	shalt  }
0x76: {  	_ =	shalt  }
0x77: {  	_ =	shalt  }
0x78: {  	_ =	shalt  }
0x79: {  	_ =	shalt  }
0x7a: {  	_ =	shalt  }
0x7b: {  	_ =	shalt  }
0x7c: {  	_ =	shalt  }
0x7d: {  	_ =	shalt  }
0x7e: {  	_ =	shalt  }
0x7f: {  	_ =	shalt  }
0x80: {  	_ =	shalt  }
0x81: {  	_ =	shalt  }
0x82: {  	_ =	shalt  }
0x83: {  	_ =	shalt  }
0x84: {  	_ =	shalt  }
0x85: {  	_ =	shalt  }
0x86: {  	_ =	shalt  }
0x87: {  	_ =	shalt  }
.Lfunc_end0:
.L_simem_size_0:
called_computation_lowered:
.L_overlay_start_0:
0x88: {  	s2 =	sld [smem:$0x3FD9]  }
0x89: {  	s3 =	sld [smem:$0x3FFE];
	_ =	sdelay $0x1  }
0x8a: {  	s1 =	srdreg.scid  }
0x8b: {  	s0 =	sand.u32 $0x1, s1  }
0x8c: {  	s18 =	sshll.u32 s0, $0xA;
	s2 =	sadd.s32 s3, s2  }
0x8d: {  	s2 =	sadd.s32 s2, s18  }
0x8e: {  	[smem:$0x3FC2] =	sst s2  }
0x8f: {  	_ = 	snop  }
0x90: {  	s2 =	sld [smem:$0x3FC9]  }
0x91: {  	s19 =	sld [smem:$0x3FC8]  }
0x92: {  	s4 =	sld [smem:$0x3FC7]  }
0x93: {  	s5 =	sld [smem:$0x3FC6]  }
0x94: {  	s6 =	sld [smem:$0x3FC5]  }
0x95: {  	s7 =	sld [smem:$0x3FC4]  }
0x96: {  	s8 =	sld [smem:$0x3FD0];
	(tm) =	ssettm $0x1  }
0x97: {  	s9 =	sld [smem:$0x3FFB];
	_ =	sdelay $0x3  }
0x98: {  	_ =	strace s9  }
0x99: {  	s9 =	sld [smem:$0x3FFC];
	_ =	sdelay $0x3  }
0x9a: {  	_ =	strace s9  }
0x9b: {  	s9 =	sld [smem:$0x3FFD];
	_ =	sdelay $0x3  }
0x9c: {  	_ =	strace s9  }
0x9d: {  	_ =	strace $0x8FFFFFFF  }
0x9e: {  	s20 =	sld [smem:$0x3FDB];
	_ =	sdelay $0x1  }
0x9f: {  	s10 =	simm.s32 $_scs_section_size  }
0xa0: {  	s11 =	simm.s32 $_size__tile_overlayer_lowered;
	s12 =	simm.s32 $_tile_overlayer_lowered  }
0xa1: {  	s23 =	simm.s32 $0x1BFF;
	s22 =	sshll.u32 s12, $0x1;
	s9 =	sadd.s32 s10, s20  }
0xa2: {  	s13 =	simm.s32 $0x0;
	s21 =	sshll.u32 s11, $0x1;
	s11 =	sadd.s32 s22, s9  }
0xa3: {  	[timem:s13], [sflag:s23] =	dma.local [hbm:s11], s21  }
0xa4: {  	_ =	swait.ge [sflag:s23], s21  }
0xa5: {  	s10 =	ssub.s32 $0x0, s21;
	[sflag:s23] =	ssyncset.done $0x0  }
0xa6: {  	[sflag:s23] =	ssyncadd.s32 s10;
	_ =	sdelay $0x1  }
0xa7: {  	s24 =	simm.s32 $0x1B8B  }
0xa8: {  	_ =	swait.ge [sflag:s24], $0x1  }
0xa9: {  	[sflag:s24] =	ssyncset.done $0x0  }
0xaa: {  	s25 =	simm.s32 $0x1B8E;
	[sflag:s24] =	ssyncadd.s32 $0xFFFFFFFF  }
0xab: {  	s26 =	simm.s32 $execute0_lowered;
	[smem:$0x3FD2] =	sst s25  }
0xac: {  	s10 =	sshll.u32 s26, $0x1;
	_ =	strace $0x80000046;
	[dreg:$0x1] =	wrdreg $0xFFFFFFFF  }
0xad: {  	s28 =	simm.s32 $_size_execute0_lowered;
	s9 =	sadd.s32 s9, s10;
	[dreg:$0x0] =	wrdreg $0x0  }
0xae: {  	s10 =	sshll.u32 s28, $0x1;
	[dreg:$0x2] =	wrdreg s9  }
0xaf: {  	[dreg:$0x3] =	wrdreg s10  }
0xb0: {  	[dreg:$0x4] =	wrdreg $0xC0  }
0xb1: {  	_ =	task [dreg:s13], $0x5FFFF  }
0xb2: {  	[dreg:$0x1] =	wrdreg $0xFFFFFFFF  }
0xb3: {  	[dreg:$0x0] =	wrdreg $0x60  }
0xb4: {  	[dreg:$0x2] =	wrdreg s2  }
0xb5: {  	[dreg:$0x3] =	wrdreg s19  }
0xb6: {  	[dreg:$0x4] =	wrdreg s4  }
0xb7: {  	[dreg:$0x5] =	wrdreg s5  }
0xb8: {  	[dreg:$0x6] =	wrdreg s6  }
0xb9: {  	[dreg:$0x7] =	wrdreg s7  }
0xba: {  	[dreg:$0x8] =	wrdreg s8  }
0xbb: {  	[dreg:$0x9] =	wrdreg $0x9  }
0xbc: {  	_ =	task.clear_ibuf [dreg:s13], $0xAFFFF;
	_ =	strace $0x90000046  }
0xbd: {  	s29 =	simm.s32 $0x9;
	_ =	strace $0x80000048  }
0xbe: {  	_ =	swait.ge [sflag:s29], $0x1  }
0xbf: {  	[sflag:s29] =	ssyncadd.s32 $0xFFFFFFFF  }
0xc0: {  	_ =	strace $0x90000048  }
0xc1: {  	_ =	sfence  }
0xc2: {  	s30 =	sld [smem:$0x0];
	_ =	sdelay $0x2  }
0xc3: {  	s31 =	sshll.u32 s1, $0xD;
	s1 =	sshrl.u32 s1, $0x2  }
0xc4: {  	s3 =	sand.u32 $0x4000, s31;
	s1 =	sadd.s32 s1, s30  }
0xc5: {  	s0 =	sor.u32 s3, s0;
	s1 =	sshll.u32 s1, $0x11  }
0xc6: {  	s0 =	sor.u32 s1, s0  }
0xc7: {  	s0 =	sadd.s32 $0x8F2B, s0  }
0xc8: {  	[sflag:s0] =	ssyncadd.remote.s32 $0x1  }
0xc9: {  	_ =	sfence.sel $0xFFFF  }
0xca: {  	[dreg:$0x0] =	wrdreg $0xFFFFFFFF;
	(pc) =	sbr.abs _section_cstart, $3  }
0xcb: {  	[dreg:$0x1] =	wrdreg $0xFFFFFFFF  }
0xcc: {  	_ =	task.clear_ibuf [dreg:s13], $0x2FFFF;
	_ =	strace $0x9FFFFFFF  }
0xcd: {  	(tm) =	ssettm $0x7FFFFFFF  }
tec
execute0_lowered:
.L_overlay_start_1:
0x0: {  	(tag) =	ssettag $0x1  }
0x1: {  	s0 =	rddreg [dreg:$0x0]  }
0x2: {  	s1 =	rddreg [dreg:$0x1]  }
0x3: {  	s2 =	rddreg [dreg:$0x2]  }
0x4: {  	s3 =	rddreg [dreg:$0x3]  }
0x5: {  	s4 =	rddreg [dreg:$0x6];
	s5 =	srdreg.scid;
	s6 =	simm.s32 $0x0  }
0x6: {  	s9 =	stileid.u32;
	s12 =	simm.s32 $0x9;
	s19 =	simm.s32 $0x8000  }
0x7: {  	s16 =	simm.s32 $0x1000;
	s17 =	simm.s32 $0x9000;
	s18 =	simm.s32 $0x2000  }
0x8: {  	s20 =	simm.s32 $0xA000;
	s21 =	simm.s32 $0x3000;
	s22 =	simm.s32 $0xB000  }
0x9: {  	s23 =	simm.s32 $0x4000;
	s24 =	simm.s32 $0xC000;
	s29 =	simm.s32 $0xF000  }
0xa: {  	s11 =	simm.s32 $0x3;
	s13 =	simm.s32 $0x4;
	s14 =	simm.s32 $0x5  }
0xb: {  	s15 =	simm.s32 $0x6;
	s10 =	simm.s32 $0x0;
	s30 =	simm.s32 $0x5000  }
0xc: {  	s31 =	simm.s32 $0xD000;
	s5 =	sand.u32 $0x1, s5;
	[smem:$0x7FF] =	sst s6  }
0xd: {  	s9 =	sshll.u32 s9, $0x7;
	s7 =	ssub.s32 $0x2, s5;
	s5 =	sshll.u32 s5, $0x6  }
0xe: {  	s6 =	simm.s32 $0x7000;
	s8 =	sshrl.u32 s7, $0x1;
	s5 =	sor.u32 s5, s9  }
0xf: {  	_ =	strace $0x80000047;
	s7 =	ssub.s32 s7, s8;
	s2 =	sadd.s32 s2, s5  }
0x10: {  	s25 =	sadd.s32 s3, s5;
	s26 =	sadd.s32 s4, s5;
	[dreg:$0x8] =	wrdreg s2  }
0x11: {  	vm0 =	vmmov $0x1;
	v0 =	vlaneseq.u32;
	s5 =	simm.s32 $0xE000;
	s3 =	simm.s32 $0x1;
	[dreg:$0x9] =	wrdreg s25  }
0x12: {  	vm1 =	vcmask $0x308;
	vm2 =	vcmask $0x70C;
	v1 =	vmul.u32 $0x80, v0;
	s4 =	simm.s32 $0x2;
	s8 =	simm.s32 $0x8;
	[dreg:$0xa] =	wrdreg s26  }
0x13: {  	vm3 =	vcmask $0xB10;
	vm4 =	vcmask $0xF14;
	vm5 =	vcmask $0x1318;
	s28 =	smax.u32 s7, $0x1;
	s25 =	simm.s32 $0x5000;
	s26 =	simm.s32 $0xD000  }
0x14: {  	vm6 =	vcmask $0x171C;
	vm7 =	vcmask $0x1B20;
	v2 =	vor.u32 $0x800, v1;
	s2 =	simm.s32 $0x6000;
	s7 =	simm.s32 $0x7;
	[dreg:$0xb] =	wrdreg s28  }
.LBB2_1:
0x15: {  	[dreg:$0xc] =	wrdreg s10  }
0x16: {  	s9 =	rddreg [dreg:$0x8];
	s10 =	simm.s32 $0x10300;
	s28 =	simm.s32 $0x0  }
0x17: {  	[tilespmem:s10], [sflag:$0x9] =	stream.linear.gather [hbm4b:s9+s28], $0x200, $0x38;
	[tilespmem:$0x10700] =	vst v63  }
0x18: {  	_ =	swait.ge [sflag:s12], $0x200  }
0x19: {  	[sflag:s12] =	ssyncset.done $0x0  }
0x1a: {  	s10 =	simm.s32 $0x10500;
	s9 =	rddreg [dreg:$0x9];
	[sflag:s12] =	ssyncadd.s32 $0xFFFFFE00  }
0x1b: {  	[tilespmem:s10], [sflag:$0x9] =	stream.linear.gather [hbm4b:s9+s28], $0x200, $0x38;
	[tilespmem:$0x10700] =	vst v63  }
0x1c: {  	_ =	swait.ge [sflag:s12], $0x200  }
0x1d: {  	[sflag:s12] =	ssyncset.done $0x0  }
0x1e: {  	[sflag:s12] =	ssyncadd.s32 $0xFFFFFE00  }
0x1f: {  	s10 =	simm.s32 $0x10000;
	s9 =	rddreg [dreg:$0x4]  }
0x20: {  	[tilespmem:s10], [sflag:$0x9] =	stream.linear.gather [hbm4b:s9+s28], $0x80, $0x38;
	[tilespmem:$0x10700] =	vst v63  }
0x21: {  	_ =	swait.ge [sflag:s12], $0x80  }
0x22: {  	[sflag:s12] =	ssyncset.done $0x0  }
0x23: {  	[sflag:s12] =	ssyncadd.s32 $0xFFFFFF80  }
0x24: {  	s10 =	simm.s32 $0x10080;
	s9 =	rddreg [dreg:$0x5]  }
0x25: {  	[tilespmem:s10], [sflag:$0x9] =	stream.linear.gather [hbm4b:s9+s28], $0x80, $0x38;
	[tilespmem:$0x10700] =	vst v63  }
0x26: {  	_ =	swait.ge [sflag:s12], $0x80  }
0x27: {  	[sflag:s12] =	ssyncset.done $0x0  }
0x28: {  	[sflag:s12] =	ssyncadd.s32 $0xFFFFFF80  }
0x29: {  	v6 =	vld [tilespmem:$0x10300];
	_ =	sdelay $0x3  }
0x2a: {  	v7 =	vld [tilespmem:$0x10500]  }
0x2b: {  	v3 =	vnsel vm0, $0x0, v6  }
0x2c: {  	(xrf0) =	vadd.scan.msk.s32 $0xffff, v3;
	_ =	sdelay $0x2  }
0x2d: {  	v3 =	vnsel vm0, $0x0, v7  }
0x2e: {  	(xrf0) =	vadd.scan.msk.s32 $0xffff, v3;
	_ =	sdelay $0x1  }
0x2f: {  	v3, _, _ =	vpop (xrf0)  }
0x30: {  	(v2sf) =	vpush v3, $0xF;
	v3 =	vsel vm1, $0x0, v6  }
0x31: {  	(xrf0) =	vadd.scan.msk.s32 $0xffff, v3;
	_ =	sdelay $0x1  }
0x32: {  	v3, _, _ =	vpop (xrf0)  }
0x33: {  	(v2sf) =	vpush v3, $0xF;
	v3 =	vsel vm1, $0x0, v7  }
0x34: {  	(xrf0) =	vadd.scan.msk.s32 $0xffff, v3;
	_ =	sdelay $0x1  }
0x35: {  	v3, _, _ =	vpop (xrf0)  }
0x36: {  	(v2sf) =	vpush v3, $0xF;
	v3 =	vsel vm2, $0x0, v6  }
0x37: {  	(xrf0) =	vadd.scan.msk.s32 $0xffff, v3;
	_ =	sdelay $0x1  }
0x38: {  	v3, _, _ =	vpop (xrf0)  }
0x39: {  	(v2sf) =	vpush v3, $0xF;
	v3 =	vsel vm2, $0x0, v7  }
0x3a: {  	(xrf0) =	vadd.scan.msk.s32 $0xffff, v3;
	_ =	sdelay $0x1  }
0x3b: {  	s12 =	spop (v2sf);
	v5, _, _ =	vpop (xrf0)  }
0x3c: {  	v4 =	vld [tilespmem:$0x10010];
	v8 =	vsel vm3, $0x0, v6;
	s9 =	sand.u32 $0xFFFFF80, s12;
	(v2sf) =	vpush v5, $0xF  }
0x3d: {  	s10 =	simm.s32 $0x400;
	v3 =	vld [tilespmem:$0x10000];
	(xrf0) =	vadd.scan.msk.s32 $0xffff, v8;
	s12 =	simm.s32 $0x7A1400;
	s9 =	sadd.s32 s0, s9  }
0x3e: {  	v5 =	vld [tilespmem:$0x10080];
	[tilespmem:s28], [sflag:$0x1] =	stream.strided.gather [hbm4b:s9+s10], $0x1000, s12, s10, $0x38  }
0x3f: {  	s9 =	spop (v2sf);
	v8, _, _ =	vpop (xrf0)  }
0x40: {  	s9 =	sand.u32 $0xFFFFF80, s9;
	(v2sf) =	vpush v8, $0xF;
	v8 =	vsel vm3, $0x0, v7  }
0x41: {  	s9 =	sadd.s32 s1, s9;
	(xrf0) =	vadd.scan.msk.s32 $0xffff, v8  }
0x42: {  	[tilespmem:s19], [sflag:$0x1] =	stream.strided.gather [hbm4b:s9+s10], $0x1000, s12, s10, $0x38;
	[tilespmem:$0x10700] =	vst v63  }
0x43: {  	s9 =	spop (v2sf);
	v8, _, _ =	vpop (xrf0)  }
0x44: {  	s9 =	sand.u32 $0xFFFFF80, s9;
	(v2sf) =	vpush v8, $0xF;
	v8 =	vsel vm4, $0x0, v6  }
0x45: {  	s9 =	sadd.s32 s0, s9;
	(xrf0) =	vadd.scan.msk.s32 $0xffff, v8  }
0x46: {  	[tilespmem:s16], [sflag:$0x2] =	stream.strided.gather [hbm4b:s9+s10], $0x1000, s12, s10, $0x38;
	[tilespmem:$0x10700] =	vst v63  }
0x47: {  	s16 =	spop (v2sf);
	v8, _, _ =	vpop (xrf0)  }
0x48: {  	s9 =	sand.u32 $0xFFFFF80, s16;
	(v2sf) =	vpush v8, $0xF;
	v8 =	vsel vm4, $0x0, v7  }
0x49: {  	s9 =	sadd.s32 s1, s9;
	(xrf0) =	vadd.scan.msk.s32 $0xffff, v8  }
0x4a: {  	[tilespmem:s17], [sflag:$0x2] =	stream.strided.gather [hbm4b:s9+s10], $0x1000, s12, s10, $0x38;
	[tilespmem:$0x10700] =	vst v63  }
0x4b: {  	s17 =	spop (v2sf);
	v8, _, _ =	vpop (xrf0)  }
0x4c: {  	s9 =	sand.u32 $0xFFFFF80, s17;
	(v2sf) =	vpush v8, $0xF;
	v8 =	vsel vm5, $0x0, v6  }
0x4d: {  	s9 =	sadd.s32 s0, s9;
	(xrf0) =	vadd.scan.msk.s32 $0xffff, v8  }
0x4e: {  	[tilespmem:s18], [sflag:$0x3] =	stream.strided.gather [hbm4b:s9+s10], $0x1000, s12, s10, $0x38;
	[tilespmem:$0x10700] =	vst v63  }
0x4f: {  	s18 =	spop (v2sf);
	v8, _, _ =	vpop (xrf0)  }
0x50: {  	s9 =	sand.u32 $0xFFFFF80, s18;
	(v2sf) =	vpush v8, $0xF;
	v8 =	vsel vm5, $0x0, v7  }
0x51: {  	s9 =	sadd.s32 s1, s9;
	(xrf0) =	vadd.scan.msk.s32 $0xffff, v8  }
0x52: {  	[tilespmem:s20], [sflag:$0x3] =	stream.strided.gather [hbm4b:s9+s10], $0x1000, s12, s10, $0x38;
	[tilespmem:$0x10700] =	vst v63  }
0x53: {  	s16 =	spop (v2sf);
	v8, _, _ =	vpop (xrf0)  }
0x54: {  	s9 =	sand.u32 $0xFFFFF80, s16;
	(v2sf) =	vpush v8, $0xF;
	v8 =	vsel vm6, $0x0, v6  }
0x55: {  	s9 =	sadd.s32 s0, s9;
	(xrf0) =	vadd.scan.msk.s32 $0xffff, v8  }
0x56: {  	[tilespmem:s21], [sflag:$0x4] =	stream.strided.gather [hbm4b:s9+s10], $0x1000, s12, s10, $0x38;
	[tilespmem:$0x10700] =	vst v63  }
0x57: {  	s17 =	spop (v2sf);
	v8, _, _ =	vpop (xrf0)  }
0x58: {  	s9 =	sand.u32 $0xFFFFF80, s17;
	(v2sf) =	vpush v8, $0xF;
	v8 =	vsel vm6, $0x0, v7  }
0x59: {  	s9 =	sadd.s32 s1, s9;
	(xrf0) =	vadd.scan.msk.s32 $0xffff, v8  }
0x5a: {  	[tilespmem:s22], [sflag:$0x4] =	stream.strided.gather [hbm4b:s9+s10], $0x1000, s12, s10, $0x38;
	[tilespmem:$0x10700] =	vst v63  }
0x5b: {  	s18 =	spop (v2sf);
	v8, _, _ =	vpop (xrf0)  }
0x5c: {  	v6 =	vsel vm7, $0x0, v6;
	s9 =	sand.u32 $0xFFFFF80, s18;
	(v2sf) =	vpush v8, $0xF  }
0x5d: {  	(xrf0) =	vadd.scan.msk.s32 $0xffff, v6;
	s9 =	sadd.s32 s0, s9  }
0x5e: {  	[tilespmem:s23], [sflag:$0x5] =	stream.strided.gather [hbm4b:s9+s10], $0x1000, s12, s10, $0x38;
	[tilespmem:$0x10700] =	vst v63  }
0x5f: {  	s20 =	spop (v2sf);
	v6, _, _ =	vpop (xrf0)  }
0x60: {  	s9 =	sand.u32 $0xFFFFF80, s20;
	(v2sf) =	vpush v6, $0xF;
	v6 =	vsel vm7, $0x0, v7  }
0x61: {  	s9 =	sadd.s32 s1, s9;
	(xrf0) =	vadd.scan.msk.s32 $0xffff, v6  }
0x62: {  	[tilespmem:s24], [sflag:$0x5] =	stream.strided.gather [hbm4b:s9+s10], $0x1000, s12, s10, $0x38;
	[tilespmem:$0x10700] =	vst v63  }
0x63: {  	v6, _, _ =	vpop (xrf0);
	s21 =	spop (v2sf)  }
0x64: {  	s9 =	sand.u32 $0xFFFFF80, s21;
	(v2sf) =	vpush v6, $0xF  }
0x65: {  	s9 =	sadd.s32 s0, s9  }
0x66: {  	[tilespmem:s25], [sflag:$0x6] =	stream.strided.gather [hbm4b:s9+s10], $0x1000, s12, s10, $0x38;
	[tilespmem:$0x10700] =	vst v63  }
0x67: {  	s22 =	spop (v2sf);
	v6, _, _ =	vpop (xrf0)  }
0x68: {  	s9 =	sand.u32 $0xFFFFF80, s22;
	(v2sf) =	vpush v6, $0xF  }
0x69: {  	s9 =	sadd.s32 s1, s9  }
0x6a: {  	[tilespmem:s26], [sflag:$0x6] =	stream.strided.gather [hbm4b:s9+s10], $0x1000, s12, s10, $0x38;
	[tilespmem:$0x10700] =	vst v63  }
0x6b: {  	s23 =	spop (v2sf)  }
0x6c: {  	s9 =	sand.u32 $0xFFFFF80, s23  }
0x6d: {  	s9 =	sadd.s32 s0, s9  }
0x6e: {  	[tilespmem:s2], [sflag:$0x7] =	stream.strided.gather [hbm4b:s9+s10], $0x1000, s12, s10, $0x38;
	[tilespmem:$0x10700] =	vst v63  }
0x6f: {  	s24 =	spop (v2sf)  }
0x70: {  	s9 =	sand.u32 $0xFFFFF80, s24  }
0x71: {  	s9 =	sadd.s32 s1, s9  }
0x72: {  	[tilespmem:s5], [sflag:$0x7] =	stream.strided.gather [hbm4b:s9+s10], $0x1000, s12, s10, $0x38;
	[tilespmem:$0x10700] =	vst v63  }
0x73: {  	s25 =	spop (v2sf)  }
0x74: {  	s9 =	sand.u32 $0xFFFFF80, s25  }
0x75: {  	s28 =	simm.s32 $0x4000;
	s16 =	simm.s32 $0x0;
	s9 =	sadd.s32 s0, s9  }
0x76: {  	[tilespmem:s6], [sflag:$0x8] =	stream.strided.gather [hbm4b:s9+s10], $0x1000, s12, s10, $0x38;
	[tilespmem:$0x10700] =	vst v63  }
0x77: {  	s21 =	simm.s32 $0xF000;
	s22 =	simm.s32 $0x9000;
	s26 =	spop (v2sf)  }
0x78: {  	s23 =	simm.s32 $0x2000;
	s2 =	simm.s32 $0x6000;
	s9 =	sand.u32 $0xFFFFF80, s26  }
0x79: {  	s24 =	simm.s32 $0xA000;
	s5 =	simm.s32 $0xE000;
	s9 =	sadd.s32 s1, s9  }
0x7a: {  	[tilespmem:s29], [sflag:$0x8] =	stream.strided.gather [hbm4b:s9+s10], $0x1000, s12, s10, $0x38;
	[tilespmem:$0x10700] =	vst v63  }
0x7b: {  	v6 =	vimm.f32 $0.0e+00;
	s6 =	simm.s32 $0x7000;
	s26 =	simm.s32 $0xB000;
	s29 =	simm.s32 $0xC000  }
.LBB2_2:
0x7c: {  	s10 =	sand.u32 $0x1F0, s16  }
0x7d: {  	s9 =	sadd.s32 $0x8, s16;
	v10 =	vld [tilespmem:s10+$0x10300]  }
0x7e: {  	v11 =	vld [tilespmem:s10+$0x10500];
	s12 =	sand.u32 $0x3F0, s9  }
0x7f: {  	v8 =	vld [tilespmem:s12+$0x10300]  }
0x80: {  	v7 =	vld [tilespmem:s12+$0x10500];
	s12 =	sand.u32 $0x8, s16;
	_ =	swait.ge [sflag:s3], $0x1000  }
0x81: {  	[sflag:s3] =	ssyncset.done $0x0;
	v9 =	vmov s12  }
0x82: {  	[sflag:s3] =	ssyncadd.s32 $0xFFFFF000;
	vm8 =	veq.s32 v9, v0  }
0x83: {  	_ =	swait.ge [sflag:s3], $0x1000;
	v9 =	vnsel vm8, $0x0, v10  }
0x84: {  	(xrf0) =	vadd.scan.msk.s32 $0xffff, v9  }
0x85: {  	v39 =	vnsel vm8, $0x0, v11  }
0x86: {  	(xrf0) =	vadd.scan.msk.s32 $0xffff, v39;
	_ =	sdelay $0x3  }
0x87: {  	v40, _, _ =	vpop (xrf0)  }
0x88: {  	(v2sf) =	vpush v40, $0xF  }
0x89: {  	v41, _, _ =	vpop (xrf0)  }
0x8a: {  	(v2sf) =	vpush v41, $0xF;
	_ =	sdelay $0xa  }
0x8b: {  	p0 =	seq.s32 s16, $0x1F8;
	s18 =	sand.u32 $0x8, s9  }
0x8c: {  	v12 =	vmov @!p0 s18;
	v9 =	vlaneseq.u32 @!p0  }
0x8d: {  	vm9 =	veq.s32 @!p0 v12, v9;
	s25 =	spop (v2sf)  }
0x8e: {  	v12 =	vnsel @!p0 vm9, $0x0, v8;
	s16 =	sand.u32 $0x7F, s25  }
0x8f: {  	(xrf0) =	vadd.scan.msk.s32 @!p0 $0xffff, v12;
	s17 =	spop (v2sf);
	v42 =	vor.u32 s16, v1  }
0x90: {  	s17 =	sand.u32 $0x7F, s17;
	v13 =	vor.u32 s16, v2  }
0x91: {  	v14 =	vor.u32 s17, v1  }
0x92: {  	[sflag:s3] =	ssyncset.done $0x0;
	v16 =	vnsel @!p0 vm9, $0x0, v7;
	v15 =	vor.u32 s17, v2  }
0x93: {  	[sflag:s3] =	ssyncadd.s32 $0xFFFFF000;
	(xrf0) =	vadd.scan.msk.s32 @!p0 $0xffff, v16;
	s17 =	simm.s32 $0x0  }
0x94: {  	v12 =	vld.idx.msk [tilespmem:v42+s17+$0x0], $0xffff  }
0x95: {  	v16, _, _ =	vpop @!p0 (xrf0);
	v13 =	vld.idx.msk [tilespmem:v13+s17+$0x0], $0xffff  }
0x96: {  	(v2sf) =	vpush @!p0 v16, $0xF;
	v14 =	vld.idx.msk [tilespmem:v14+s19+$0x0], $0xffff  }
0x97: {  	v15 =	vld.idx.msk [tilespmem:v15+s19+$0x0], $0xffff;
	_ =	sdelay $0x1  }
0x98: {  	v16, _, _ =	vpop @!p0 (xrf0)  }
0x99: {  	(v2sf) =	vpush @!p0 v16, $0xF;
	_ =	sdelay $0x1  }
0x9a: {  	v12 =	vmul.f32 v14, v12;
	v13 =	vmul.f32 v15, v13;
	_ =	sdelay $0x1  }
0x9b: {  	v12 =	vmul.f32 v12, v3;
	v13 =	vmul.f32 v13, v4;
	_ =	sdelay $0x1  }
0x9c: {  	v12 =	vadd.f32 v13, v12;
	_ =	sdelay $0x1  }
0x9d: {  	(xrf2) =	vadd.scan.msk.f32 $0xffff, v12;
	_ =	sdelay $0x2  }
0x9e: {  	s16 =	spop @!p0 (v2sf)  }
0x9f: {  	s20 =	simm.s32 @!p0 $0x0;
	s16 =	sand.u32 @!p0 $0xFFFFF80, s16  }
0xa0: {  	s17 =	simm.s32 @!p0 $0x7A1400;
	s19 =	sadd.s32 @!p0 s0, s16;
	s16 =	simm.s32 @!p0 $0x400  }
0xa1: {  	[tilespmem:s20], [sflag:$0x1] =	stream.strided.gather @!p0 [hbm4b:s19+s16], $0x1000, s17, s16, $0x38;
	[tilespmem:$0x10700] =	vst v63  }
0xa2: {  	s19 =	spop @!p0 (v2sf)  }
0xa3: {  	s19 =	sand.u32 @!p0 $0xFFFFF80, s19  }
0xa4: {  	s20 =	simm.s32 @!p0 $0x8000;
	s19 =	sadd.s32 @!p0 s1, s19  }
0xa5: {  	[tilespmem:s20], [sflag:$0x1] =	stream.strided.gather @!p0 [hbm4b:s19+s16], $0x1000, s17, s16, $0x38;
	v12, _, _ =	vpop (xrf2);
	[tilespmem:$0x10700] =	vst v63  }
0xa6: {  	s20 =	sor.u32 $0x1, s12;
	_ =	swait.ge [sflag:s4], $0x1000  }
0xa7: {  	v43 =	vmov s20;
	[sflag:s4] =	ssyncset.done $0x0  }
0xa8: {  	vm9 =	veq.s32 v43, v0;
	[sflag:s4] =	ssyncadd.s32 $0xFFFFF000  }
0xa9: {  	v13 =	vnsel vm9, $0x0, v10;
	_ =	swait.ge [sflag:s4], $0x1000  }
0xaa: {  	(xrf0) =	vadd.scan.msk.s32 $0xffff, v13  }
0xab: {  	v44 =	vnsel vm9, $0x0, v11  }
0xac: {  	(xrf0) =	vadd.scan.msk.s32 $0xffff, v44;
	_ =	sdelay $0x3  }
0xad: {  	v45, _, _ =	vpop (xrf0)  }
0xae: {  	(v2sf) =	vpush v45, $0xF  }
0xaf: {  	v46, _, _ =	vpop (xrf0)  }
0xb0: {  	(v2sf) =	vpush v46, $0xF;
	_ =	sdelay $0xa  }
0xb1: {  	s19 =	sor.u32 @!p0 $0x1, s18  }
0xb2: {  	v13 =	vmov @!p0 s19  }
0xb3: {  	vm10 =	veq.s32 @!p0 v13, v9;
	s20 =	spop (v2sf)  }
0xb4: {  	v13 =	vnsel @!p0 vm10, $0x0, v8;
	s19 =	sand.u32 $0x7F, s20  }
0xb5: {  	(xrf0) =	vadd.scan.msk.s32 @!p0 $0xffff, v13;
	s20 =	spop (v2sf);
	v47 =	vor.u32 s19, v1  }
0xb6: {  	s20 =	sand.u32 $0x7F, s20;
	v48 =	vor.u32 s19, v2  }
0xb7: {  	v49 =	vor.u32 s20, v1  }
0xb8: {  	[sflag:s4] =	ssyncset.done $0x0;
	v17 =	vnsel @!p0 vm10, $0x0, v7;
	v50 =	vor.u32 s20, v2  }
0xb9: {  	[sflag:s4] =	ssyncadd.s32 $0xFFFFF000;
	(xrf0) =	vadd.scan.msk.s32 @!p0 $0xffff, v17;
	s20 =	simm.s32 $0x1000  }
0xba: {  	v14 =	vld.idx.msk [tilespmem:v47+s20+$0x0], $0xffff  }
0xbb: {  	v17, _, _ =	vpop @!p0 (xrf0);
	v13 =	vld.idx.msk [tilespmem:v48+s20+$0x0], $0xffff  }
0xbc: {  	(v2sf) =	vpush @!p0 v17, $0xF;
	v15 =	vld.idx.msk [tilespmem:v49+s22+$0x0], $0xffff  }
0xbd: {  	v16 =	vld.idx.msk [tilespmem:v50+s22+$0x0], $0xffff;
	_ =	sdelay $0x1  }
0xbe: {  	v17, _, _ =	vpop @!p0 (xrf0)  }
0xbf: {  	(v2sf) =	vpush @!p0 v17, $0xF;
	_ =	sdelay $0x1  }
0xc0: {  	v14 =	vmul.f32 v15, v14;
	v13 =	vmul.f32 v16, v13;
	_ =	sdelay $0x1  }
0xc1: {  	v14 =	vmul.f32 v14, v3;
	v13 =	vmul.f32 v13, v4;
	_ =	sdelay $0x1  }
0xc2: {  	v13 =	vadd.f32 v13, v14;
	_ =	sdelay $0x1  }
0xc3: {  	(xrf2) =	vadd.scan.msk.f32 $0xffff, v13;
	_ =	sdelay $0x2  }
0xc4: {  	s19 =	spop @!p0 (v2sf)  }
0xc5: {  	s19 =	sand.u32 @!p0 $0xFFFFF80, s19  }
0xc6: {  	s20 =	simm.s32 @!p0 $0x1000;
	s19 =	sadd.s32 @!p0 s0, s19  }
0xc7: {  	[tilespmem:s20], [sflag:$0x2] =	stream.strided.gather @!p0 [hbm4b:s19+s16], $0x1000, s17, s16, $0x38;
	[tilespmem:$0x10700] =	vst v63  }
0xc8: {  	s19 =	spop @!p0 (v2sf)  }
0xc9: {  	s19 =	sand.u32 @!p0 $0xFFFFF80, s19  }
0xca: {  	s20 =	simm.s32 @!p0 $0x9000;
	s19 =	sadd.s32 @!p0 s1, s19  }
0xcb: {  	[tilespmem:s20], [sflag:$0x2] =	stream.strided.gather @!p0 [hbm4b:s19+s16], $0x1000, s17, s16, $0x38;
	v13, _, _ =	vpop (xrf2);
	[tilespmem:$0x10700] =	vst v63  }
0xcc: {  	s20 =	sor.u32 $0x2, s12;
	_ =	swait.ge [sflag:s11], $0x1000  }
0xcd: {  	v51 =	vmov s20;
	[sflag:s11] =	ssyncset.done $0x0  }
0xce: {  	vm10 =	veq.s32 v51, v0;
	[sflag:s11] =	ssyncadd.s32 $0xFFFFF000  }
0xcf: {  	v14 =	vnsel vm10, $0x0, v10;
	_ =	swait.ge [sflag:s11], $0x1000  }
0xd0: {  	(xrf0) =	vadd.scan.msk.s32 $0xffff, v14  }
0xd1: {  	v52 =	vnsel vm10, $0x0, v11  }
0xd2: {  	(xrf0) =	vadd.scan.msk.s32 $0xffff, v52;
	_ =	sdelay $0x3  }
0xd3: {  	v53, _, _ =	vpop (xrf0)  }
0xd4: {  	(v2sf) =	vpush v53, $0xF  }
0xd5: {  	v54, _, _ =	vpop (xrf0)  }
0xd6: {  	(v2sf) =	vpush v54, $0xF;
	_ =	sdelay $0xa  }
0xd7: {  	s19 =	sor.u32 @!p0 $0x2, s18  }
0xd8: {  	v14 =	vmov @!p0 s19  }
0xd9: {  	vm11 =	veq.s32 @!p0 v14, v9;
	s20 =	spop (v2sf)  }
0xda: {  	v14 =	vnsel @!p0 vm11, $0x0, v8;
	s19 =	sand.u32 $0x7F, s20  }
0xdb: {  	(xrf0) =	vadd.scan.msk.s32 @!p0 $0xffff, v14;
	s20 =	spop (v2sf);
	v55 =	vor.u32 s19, v1  }
0xdc: {  	s20 =	sand.u32 $0x7F, s20;
	v56 =	vor.u32 s19, v2  }
0xdd: {  	v57 =	vor.u32 s20, v1  }
0xde: {  	[sflag:s11] =	ssyncset.done $0x0;
	v18 =	vnsel @!p0 vm11, $0x0, v7;
	v58 =	vor.u32 s20, v2  }
0xdf: {  	[sflag:s11] =	ssyncadd.s32 $0xFFFFF000;
	(xrf0) =	vadd.scan.msk.s32 @!p0 $0xffff, v18  }
0xe0: {  	v15 =	vld.idx.msk [tilespmem:v55+s23+$0x0], $0xffff  }
0xe1: {  	v18, _, _ =	vpop @!p0 (xrf0);
	v14 =	vld.idx.msk [tilespmem:v56+s23+$0x0], $0xffff  }
0xe2: {  	(v2sf) =	vpush @!p0 v18, $0xF;
	v16 =	vld.idx.msk [tilespmem:v57+s24+$0x0], $0xffff  }
0xe3: {  	v17 =	vld.idx.msk [tilespmem:v58+s24+$0x0], $0xffff;
	_ =	sdelay $0x1  }
0xe4: {  	v18, _, _ =	vpop @!p0 (xrf0)  }
0xe5: {  	(v2sf) =	vpush @!p0 v18, $0xF;
	_ =	sdelay $0x1  }
0xe6: {  	v15 =	vmul.f32 v16, v15;
	v14 =	vmul.f32 v17, v14;
	_ =	sdelay $0x1  }
0xe7: {  	v15 =	vmul.f32 v15, v3;
	v14 =	vmul.f32 v14, v4;
	_ =	sdelay $0x1  }
0xe8: {  	v14 =	vadd.f32 v14, v15;
	_ =	sdelay $0x1  }
0xe9: {  	(xrf2) =	vadd.scan.msk.f32 $0xffff, v14;
	_ =	sdelay $0x2  }
0xea: {  	s19 =	spop @!p0 (v2sf)  }
0xeb: {  	s19 =	sand.u32 @!p0 $0xFFFFF80, s19  }
0xec: {  	s20 =	simm.s32 @!p0 $0x2000;
	s19 =	sadd.s32 @!p0 s0, s19  }
0xed: {  	[tilespmem:s20], [sflag:$0x3] =	stream.strided.gather @!p0 [hbm4b:s19+s16], $0x1000, s17, s16, $0x38;
	[tilespmem:$0x10700] =	vst v63  }
0xee: {  	s19 =	spop @!p0 (v2sf)  }
0xef: {  	s19 =	sand.u32 @!p0 $0xFFFFF80, s19  }
0xf0: {  	s20 =	simm.s32 @!p0 $0xA000;
	s19 =	sadd.s32 @!p0 s1, s19  }
0xf1: {  	[tilespmem:s20], [sflag:$0x3] =	stream.strided.gather @!p0 [hbm4b:s19+s16], $0x1000, s17, s16, $0x38;
	v14, _, _ =	vpop (xrf2);
	[tilespmem:$0x10700] =	vst v63  }
0xf2: {  	s20 =	sor.u32 $0x3, s12;
	_ =	swait.ge [sflag:s13], $0x1000  }
0xf3: {  	v59 =	vmov s20;
	[sflag:s13] =	ssyncset.done $0x0  }
0xf4: {  	vm11 =	veq.s32 v59, v0;
	[sflag:s13] =	ssyncadd.s32 $0xFFFFF000  }
0xf5: {  	v15 =	vnsel vm11, $0x0, v10;
	_ =	swait.ge [sflag:s13], $0x1000  }
0xf6: {  	(xrf0) =	vadd.scan.msk.s32 $0xffff, v15  }
0xf7: {  	v60 =	vnsel vm11, $0x0, v11  }
0xf8: {  	(xrf0) =	vadd.scan.msk.s32 $0xffff, v60;
	_ =	sdelay $0x3  }
0xf9: {  	v61, _, _ =	vpop (xrf0)  }
0xfa: {  	(v2sf) =	vpush v61, $0xF  }
0xfb: {  	v62, _, _ =	vpop (xrf0)  }
0xfc: {  	(v2sf) =	vpush v62, $0xF;
	_ =	sdelay $0xa  }
0xfd: {  	s19 =	sor.u32 @!p0 $0x3, s18  }
0xfe: {  	v15 =	vmov @!p0 s19  }
0xff: {  	vm12 =	veq.s32 @!p0 v15, v9;
	s20 =	spop (v2sf)  }
0x100: {  	v15 =	vnsel @!p0 vm12, $0x0, v8;
	s19 =	sand.u32 $0x7F, s20  }
0x101: {  	(xrf0) =	vadd.scan.msk.s32 @!p0 $0xffff, v15;
	s20 =	spop (v2sf);
	v63 =	vor.u32 s19, v1  }
0x102: {  	s20 =	sand.u32 $0x7F, s20;
	v21 =	vor.u32 s19, v2  }
0x103: {  	v22 =	vor.u32 s20, v1  }
0x104: {  	[sflag:s13] =	ssyncset.done $0x0;
	v19 =	vnsel @!p0 vm12, $0x0, v7;
	v23 =	vor.u32 s20, v2  }
0x105: {  	[sflag:s13] =	ssyncadd.s32 $0xFFFFF000;
	(xrf0) =	vadd.scan.msk.s32 @!p0 $0xffff, v19;
	s20 =	simm.s32 $0x3000  }
0x106: {  	v16 =	vld.idx.msk [tilespmem:v63+s20+$0x0], $0xffff  }
0x107: {  	v19, _, _ =	vpop @!p0 (xrf0);
	v15 =	vld.idx.msk [tilespmem:v21+s20+$0x0], $0xffff  }
0x108: {  	(v2sf) =	vpush @!p0 v19, $0xF;
	v17 =	vld.idx.msk [tilespmem:v22+s26+$0x0], $0xffff  }
0x109: {  	v18 =	vld.idx.msk [tilespmem:v23+s26+$0x0], $0xffff;
	_ =	sdelay $0x1  }
0x10a: {  	v19, _, _ =	vpop @!p0 (xrf0)  }
0x10b: {  	(v2sf) =	vpush @!p0 v19, $0xF;
	_ =	sdelay $0x1  }
0x10c: {  	v16 =	vmul.f32 v17, v16;
	v15 =	vmul.f32 v18, v15;
	_ =	sdelay $0x1  }
0x10d: {  	v16 =	vmul.f32 v16, v3;
	v15 =	vmul.f32 v15, v4;
	_ =	sdelay $0x1  }
0x10e: {  	v15 =	vadd.f32 v15, v16;
	_ =	sdelay $0x1  }
0x10f: {  	(xrf2) =	vadd.scan.msk.f32 $0xffff, v15;
	_ =	sdelay $0x2  }
0x110: {  	s19 =	spop @!p0 (v2sf)  }
0x111: {  	s19 =	sand.u32 @!p0 $0xFFFFF80, s19  }
0x112: {  	s20 =	simm.s32 @!p0 $0x3000;
	s19 =	sadd.s32 @!p0 s0, s19  }
0x113: {  	[tilespmem:s20], [sflag:$0x4] =	stream.strided.gather @!p0 [hbm4b:s19+s16], $0x1000, s17, s16, $0x38;
	[tilespmem:$0x10700] =	vst v63  }
0x114: {  	s19 =	spop @!p0 (v2sf)  }
0x115: {  	s19 =	sand.u32 @!p0 $0xFFFFF80, s19  }
0x116: {  	s20 =	simm.s32 @!p0 $0xB000;
	s19 =	sadd.s32 @!p0 s1, s19  }
0x117: {  	[tilespmem:s20], [sflag:$0x4] =	stream.strided.gather @!p0 [hbm4b:s19+s16], $0x1000, s17, s16, $0x38;
	v15, _, _ =	vpop (xrf2);
	[tilespmem:$0x10700] =	vst v63  }
0x118: {  	s20 =	sor.u32 $0x4, s12;
	_ =	swait.ge [sflag:s14], $0x1000  }
0x119: {  	v24 =	vmov s20;
	[sflag:s14] =	ssyncset.done $0x0  }
0x11a: {  	vm12 =	veq.s32 v24, v0;
	[sflag:s14] =	ssyncadd.s32 $0xFFFFF000  }
0x11b: {  	v16 =	vnsel vm12, $0x0, v10;
	_ =	swait.ge [sflag:s14], $0x1000  }
0x11c: {  	(xrf0) =	vadd.scan.msk.s32 $0xffff, v16  }
0x11d: {  	v25 =	vnsel vm12, $0x0, v11  }
0x11e: {  	(xrf0) =	vadd.scan.msk.s32 $0xffff, v25;
	_ =	sdelay $0x3  }
0x11f: {  	v26, _, _ =	vpop (xrf0)  }
0x120: {  	(v2sf) =	vpush v26, $0xF  }
0x121: {  	v27, _, _ =	vpop (xrf0)  }
0x122: {  	(v2sf) =	vpush v27, $0xF;
	_ =	sdelay $0xa  }
0x123: {  	s19 =	sor.u32 @!p0 $0x4, s18  }
0x124: {  	v16 =	vmov @!p0 s19  }
0x125: {  	vm13 =	veq.s32 @!p0 v16, v9;
	s20 =	spop (v2sf)  }
0x126: {  	v16 =	vnsel @!p0 vm13, $0x0, v8;
	s19 =	sand.u32 $0x7F, s20  }
0x127: {  	(xrf0) =	vadd.scan.msk.s32 @!p0 $0xffff, v16;
	s20 =	spop (v2sf);
	v28 =	vor.u32 s19, v1  }
0x128: {  	s20 =	sand.u32 $0x7F, s20;
	v29 =	vor.u32 s19, v2  }
0x129: {  	v30 =	vor.u32 s20, v1  }
0x12a: {  	[sflag:s14] =	ssyncset.done $0x0;
	v20 =	vnsel @!p0 vm13, $0x0, v7;
	v31 =	vor.u32 s20, v2  }
0x12b: {  	[sflag:s14] =	ssyncadd.s32 $0xFFFFF000;
	(xrf0) =	vadd.scan.msk.s32 @!p0 $0xffff, v20  }
0x12c: {  	v17 =	vld.idx.msk [tilespmem:v28+s28+$0x0], $0xffff  }
0x12d: {  	v20, _, _ =	vpop @!p0 (xrf0);
	v16 =	vld.idx.msk [tilespmem:v29+s28+$0x0], $0xffff  }
0x12e: {  	(v2sf) =	vpush @!p0 v20, $0xF;
	v18 =	vld.idx.msk [tilespmem:v30+s29+$0x0], $0xffff  }
0x12f: {  	v19 =	vld.idx.msk [tilespmem:v31+s29+$0x0], $0xffff;
	_ =	sdelay $0x1  }
0x130: {  	v20, _, _ =	vpop @!p0 (xrf0)  }
0x131: {  	(v2sf) =	vpush @!p0 v20, $0xF;
	_ =	sdelay $0x1  }
0x132: {  	v17 =	vmul.f32 v18, v17;
	v16 =	vmul.f32 v19, v16;
	_ =	sdelay $0x1  }
0x133: {  	v17 =	vmul.f32 v17, v3;
	v16 =	vmul.f32 v16, v4;
	_ =	sdelay $0x1  }
0x134: {  	v16 =	vadd.f32 v16, v17;
	_ =	sdelay $0x1  }
0x135: {  	(xrf2) =	vadd.scan.msk.f32 $0xffff, v16;
	_ =	sdelay $0x2  }
0x136: {  	s19 =	spop @!p0 (v2sf)  }
0x137: {  	s19 =	sand.u32 @!p0 $0xFFFFF80, s19  }
0x138: {  	s20 =	simm.s32 @!p0 $0x4000;
	s19 =	sadd.s32 @!p0 s0, s19  }
0x139: {  	[tilespmem:s20], [sflag:$0x5] =	stream.strided.gather @!p0 [hbm4b:s19+s16], $0x1000, s17, s16, $0x38;
	[tilespmem:$0x10700] =	vst v63  }
0x13a: {  	s19 =	spop @!p0 (v2sf)  }
0x13b: {  	s19 =	sand.u32 @!p0 $0xFFFFF80, s19  }
0x13c: {  	s20 =	simm.s32 @!p0 $0xC000;
	s19 =	sadd.s32 @!p0 s1, s19  }
0x13d: {  	[tilespmem:s20], [sflag:$0x5] =	stream.strided.gather @!p0 [hbm4b:s19+s16], $0x1000, s17, s16, $0x38;
	v16, _, _ =	vpop (xrf2);
	[tilespmem:$0x10700] =	vst v63  }
0x13e: {  	s20 =	sor.u32 $0x5, s12;
	_ =	swait.ge [sflag:s15], $0x1000  }
0x13f: {  	v32 =	vmov s20;
	[sflag:s15] =	ssyncset.done $0x0  }
0x140: {  	vm13 =	veq.s32 v32, v0;
	[sflag:s15] =	ssyncadd.s32 $0xFFFFF000  }
0x141: {  	v17 =	vnsel vm13, $0x0, v10;
	_ =	swait.ge [sflag:s15], $0x1000  }
0x142: {  	(xrf0) =	vadd.scan.msk.s32 $0xffff, v17  }
0x143: {  	v33 =	vnsel vm13, $0x0, v11  }
0x144: {  	(xrf0) =	vadd.scan.msk.s32 $0xffff, v33;
	_ =	sdelay $0x3  }
0x145: {  	v34, _, _ =	vpop (xrf0)  }
0x146: {  	(v2sf) =	vpush v34, $0xF  }
0x147: {  	v35, _, _ =	vpop (xrf0)  }
0x148: {  	(v2sf) =	vpush v35, $0xF;
	_ =	sdelay $0xa  }
0x149: {  	s19 =	sor.u32 @!p0 $0x5, s18  }
0x14a: {  	v17 =	vmov @!p0 s19  }
0x14b: {  	vm14 =	veq.s32 @!p0 v17, v9;
	s20 =	spop (v2sf)  }
0x14c: {  	v17 =	vnsel @!p0 vm14, $0x0, v8;
	s19 =	sand.u32 $0x7F, s20  }
0x14d: {  	(xrf0) =	vadd.scan.msk.s32 @!p0 $0xffff, v17;
	s20 =	spop (v2sf);
	v36 =	vor.u32 s19, v1  }
0x14e: {  	s20 =	sand.u32 $0x7F, s20;
	v37 =	vor.u32 s19, v2  }
0x14f: {  	v38 =	vor.u32 s20, v1  }
0x150: {  	[sflag:s15] =	ssyncset.done $0x0;
	v21 =	vnsel @!p0 vm14, $0x0, v7;
	v39 =	vor.u32 s20, v2  }
0x151: {  	[sflag:s15] =	ssyncadd.s32 $0xFFFFF000;
	(xrf0) =	vadd.scan.msk.s32 @!p0 $0xffff, v21  }
0x152: {  	v18 =	vld.idx.msk [tilespmem:v36+s30+$0x0], $0xffff  }
0x153: {  	v21, _, _ =	vpop @!p0 (xrf0);
	v17 =	vld.idx.msk [tilespmem:v37+s30+$0x0], $0xffff  }
0x154: {  	(v2sf) =	vpush @!p0 v21, $0xF;
	v19 =	vld.idx.msk [tilespmem:v38+s31+$0x0], $0xffff  }
0x155: {  	v20 =	vld.idx.msk [tilespmem:v39+s31+$0x0], $0xffff;
	_ =	sdelay $0x1  }
0x156: {  	v21, _, _ =	vpop @!p0 (xrf0)  }
0x157: {  	(v2sf) =	vpush @!p0 v21, $0xF;
	_ =	sdelay $0x1  }
0x158: {  	v18 =	vmul.f32 v19, v18;
	v17 =	vmul.f32 v20, v17;
	_ =	sdelay $0x1  }
0x159: {  	v18 =	vmul.f32 v18, v3;
	v17 =	vmul.f32 v17, v4;
	_ =	sdelay $0x1  }
0x15a: {  	v17 =	vadd.f32 v17, v18;
	_ =	sdelay $0x1  }
0x15b: {  	(xrf2) =	vadd.scan.msk.f32 $0xffff, v17;
	_ =	sdelay $0x2  }
0x15c: {  	s19 =	spop @!p0 (v2sf)  }
0x15d: {  	s19 =	sand.u32 @!p0 $0xFFFFF80, s19  }
0x15e: {  	s20 =	simm.s32 @!p0 $0x5000;
	s19 =	sadd.s32 @!p0 s0, s19  }
0x15f: {  	[tilespmem:s20], [sflag:$0x6] =	stream.strided.gather @!p0 [hbm4b:s19+s16], $0x1000, s17, s16, $0x38;
	[tilespmem:$0x10700] =	vst v63  }
0x160: {  	s19 =	spop @!p0 (v2sf)  }
0x161: {  	s19 =	sand.u32 @!p0 $0xFFFFF80, s19  }
0x162: {  	s20 =	simm.s32 @!p0 $0xD000;
	s19 =	sadd.s32 @!p0 s1, s19  }
0x163: {  	[tilespmem:s20], [sflag:$0x6] =	stream.strided.gather @!p0 [hbm4b:s19+s16], $0x1000, s17, s16, $0x38;
	v17, _, _ =	vpop (xrf2);
	[tilespmem:$0x10700] =	vst v63  }
0x164: {  	s20 =	sor.u32 $0x6, s12;
	_ =	swait.ge [sflag:s7], $0x1000  }
0x165: {  	v40 =	vmov s20;
	[sflag:s7] =	ssyncset.done $0x0  }
0x166: {  	vm14 =	veq.s32 v40, v0;
	[sflag:s7] =	ssyncadd.s32 $0xFFFFF000  }
0x167: {  	v18 =	vnsel vm14, $0x0, v10;
	_ =	swait.ge [sflag:s7], $0x1000  }
0x168: {  	(xrf0) =	vadd.scan.msk.s32 $0xffff, v18  }
0x169: {  	v41 =	vnsel vm14, $0x0, v11  }
0x16a: {  	(xrf0) =	vadd.scan.msk.s32 $0xffff, v41;
	_ =	sdelay $0x3  }
0x16b: {  	v42, _, _ =	vpop (xrf0)  }
0x16c: {  	(v2sf) =	vpush v42, $0xF  }
0x16d: {  	v43, _, _ =	vpop (xrf0)  }
0x16e: {  	(v2sf) =	vpush v43, $0xF;
	_ =	sdelay $0xa  }
0x16f: {  	s19 =	sor.u32 @!p0 $0x6, s18  }
0x170: {  	v18 =	vmov @!p0 s19  }
0x171: {  	vm15 =	veq.s32 @!p0 v18, v9;
	s20 =	spop (v2sf)  }
0x172: {  	v18 =	vnsel @!p0 vm15, $0x0, v8;
	s19 =	sand.u32 $0x7F, s20  }
0x173: {  	(xrf0) =	vadd.scan.msk.s32 @!p0 $0xffff, v18;
	s20 =	spop (v2sf);
	v44 =	vor.u32 s19, v1  }
0x174: {  	s20 =	sand.u32 $0x7F, s20;
	v45 =	vor.u32 s19, v2  }
0x175: {  	v46 =	vor.u32 s20, v1  }
0x176: {  	[sflag:s7] =	ssyncset.done $0x0;
	v22 =	vnsel @!p0 vm15, $0x0, v7;
	v47 =	vor.u32 s20, v2  }
0x177: {  	[sflag:s7] =	ssyncadd.s32 $0xFFFFF000;
	(xrf0) =	vadd.scan.msk.s32 @!p0 $0xffff, v22  }
0x178: {  	v19 =	vld.idx.msk [tilespmem:v44+s2+$0x0], $0xffff  }
0x179: {  	v22, _, _ =	vpop @!p0 (xrf0);
	v18 =	vld.idx.msk [tilespmem:v45+s2+$0x0], $0xffff  }
0x17a: {  	(v2sf) =	vpush @!p0 v22, $0xF;
	v20 =	vld.idx.msk [tilespmem:v46+s5+$0x0], $0xffff  }
0x17b: {  	v21 =	vld.idx.msk [tilespmem:v47+s5+$0x0], $0xffff;
	_ =	sdelay $0x1  }
0x17c: {  	v22, _, _ =	vpop @!p0 (xrf0)  }
0x17d: {  	(v2sf) =	vpush @!p0 v22, $0xF;
	_ =	sdelay $0x1  }
0x17e: {  	v19 =	vmul.f32 v20, v19;
	v18 =	vmul.f32 v21, v18;
	_ =	sdelay $0x1  }
0x17f: {  	v19 =	vmul.f32 v19, v3;
	v18 =	vmul.f32 v18, v4;
	_ =	sdelay $0x1  }
0x180: {  	v18 =	vadd.f32 v18, v19;
	_ =	sdelay $0x1  }
0x181: {  	(xrf2) =	vadd.scan.msk.f32 $0xffff, v18;
	_ =	sdelay $0x2  }
0x182: {  	s19 =	spop @!p0 (v2sf)  }
0x183: {  	s19 =	sand.u32 @!p0 $0xFFFFF80, s19  }
0x184: {  	s20 =	simm.s32 @!p0 $0x6000;
	s19 =	sadd.s32 @!p0 s0, s19  }
0x185: {  	[tilespmem:s20], [sflag:$0x7] =	stream.strided.gather @!p0 [hbm4b:s19+s16], $0x1000, s17, s16, $0x38;
	[tilespmem:$0x10700] =	vst v63  }
0x186: {  	s19 =	spop @!p0 (v2sf)  }
0x187: {  	s19 =	sand.u32 @!p0 $0xFFFFF80, s19  }
0x188: {  	s20 =	simm.s32 @!p0 $0xE000;
	s19 =	sadd.s32 @!p0 s1, s19  }
0x189: {  	[tilespmem:s20], [sflag:$0x7] =	stream.strided.gather @!p0 [hbm4b:s19+s16], $0x1000, s17, s16, $0x38;
	v18, _, _ =	vpop (xrf2);
	[tilespmem:$0x10700] =	vst v63  }
0x18a: {  	s20 =	sor.u32 $0x7, s12;
	_ =	swait.ge [sflag:s8], $0x1000  }
0x18b: {  	v48 =	vmov s20;
	[sflag:s8] =	ssyncset.done $0x0  }
0x18c: {  	vm15 =	veq.s32 v48, v0;
	[sflag:s8] =	ssyncadd.s32 $0xFFFFF000  }
0x18d: {  	v10 =	vnsel vm15, $0x0, v10;
	_ =	swait.ge [sflag:s8], $0x1000  }
0x18e: {  	(xrf0) =	vadd.scan.msk.s32 $0xffff, v10  }
0x18f: {  	v49 =	vnsel vm15, $0x0, v11  }
0x190: {  	(xrf0) =	vadd.scan.msk.s32 $0xffff, v49;
	_ =	sdelay $0x3  }
0x191: {  	v50, _, _ =	vpop (xrf0)  }
0x192: {  	(v2sf) =	vpush v50, $0xF  }
0x193: {  	v51, _, _ =	vpop (xrf0)  }
0x194: {  	(v2sf) =	vpush v51, $0xF;
	_ =	sdelay $0xc  }
0x195: {  	s20 =	spop (v2sf)  }
0x196: {  	s19 =	sand.u32 $0x7F, s20  }
0x197: {  	s20 =	spop (v2sf);
	v52 =	vor.u32 s19, v1  }
0x198: {  	v53 =	vor.u32 s19, v2;
	s20 =	sand.u32 $0x7F, s20  }
0x199: {  	v54 =	vor.u32 s20, v1  }
0x19a: {  	[sflag:s8] =	ssyncset.done $0x0;
	v55 =	vor.u32 s20, v2  }
0x19b: {  	[sflag:s8] =	ssyncadd.s32 $0xFFFFF000  }
0x19c: {  	v10 =	vld.idx.msk [tilespmem:v52+s6+$0x0], $0xffff  }
0x19d: {  	v11 =	vld.idx.msk [tilespmem:v53+s6+$0x0], $0xffff  }
0x19e: {  	v19 =	vld.idx.msk [tilespmem:v54+s21+$0x0], $0xffff  }
0x19f: {  	v20 =	vld.idx.msk [tilespmem:v55+s21+$0x0], $0xffff;
	_ =	sdelay $0x4  }
0x1a0: {  	v10 =	vmul.f32 v19, v10;
	v11 =	vmul.f32 v20, v11;
	_ =	sdelay $0x1  }
0x1a1: {  	v10 =	vmul.f32 v10, v3;
	v11 =	vmul.f32 v11, v4;
	_ =	sdelay $0x1  }
0x1a2: {  	v10 =	vadd.f32 v11, v10;
	_ =	sdelay $0x1  }
0x1a3: {  	(xrf2) =	vadd.scan.msk.f32 $0xffff, v10;
	_ =	sdelay $0x3  }
0x1a4: {  	v56 =	vbroadcast v12, $0xF  }
0x1a5: {  	v57 =	vbroadcast v13, $0xF  }
0x1a6: {  	v6 =	vsel vm8, v56, v6;
	v58 =	vbroadcast v14, $0xF  }
0x1a7: {  	v6 =	vsel vm9, v57, v6;
	v59 =	vbroadcast v15, $0xF;
	s18 =	sor.u32 @!p0 $0x7, s18  }
0x1a8: {  	v6 =	vsel vm10, v58, v6;
	v60 =	vbroadcast v16, $0xF;
	v12 =	vmov @!p0 s18  }
0x1a9: {  	v6 =	vsel vm11, v59, v6;
	vm8 =	veq.s32 @!p0 v12, v9;
	v61 =	vbroadcast v17, $0xF  }
0x1aa: {  	v6 =	vsel vm12, v60, v6;
	v8 =	vnsel @!p0 vm8, $0x0, v8;
	v62 =	vbroadcast v18, $0xF;
	v63, _, _ =	vpop (xrf2)  }
0x1ab: {  	v6 =	vsel vm13, v61, v6;
	(xrf0) =	vadd.scan.msk.s32 @!p0 $0xffff, v8;
	v8 =	vbroadcast v63, $0xF  }
0x1ac: {  	v6 =	vsel vm14, v62, v6  }
0x1ad: {  	p1 =	seq.s32 s12, $0x0;
	v6 =	vsel vm15, v8, v6  }
0x1ae: {  	v8 =	vadd.f32 @!p1 v6, v5  }
0x1af: {  	v7 =	vnsel @!p0 vm8, $0x0, v7  }
0x1b0: {  	(xrf0) =	vadd.scan.msk.s32 @!p0 $0xffff, v7;
	v7 =	vsub.f32 @!p1 $0.0e+00, v8;
	_ =	sdelay $0x1  }
0x1b1: {  	v8, _, _ =	vpop @!p0 (xrf0);
	v7 =	vmul.f32 @!p1 $1.442695020e+00, v7  }
0x1b2: {  	(v2sf) =	vpush @!p0 v8, $0xF;
	_ =	sdelay $0x2  }
0x1b3: {  	(erf) = vpow2.f32 @!p1 v7;
	v7, _, _ =	vpop @!p0 (xrf0)  }
0x1b4: {  	(v2sf) =	vpush @!p0 v7, $0xF;
	_ =	sdelay $0xa  }
0x1b5: {  	v7 =	vpop @!p1 (erf);
	s12 =	spop @!p0 (v2sf)  }
0x1b6: {  	v7 =	vadd.f32 @!p1 $1.000000000e+00, v7;
	s12 =	sand.u32 @!p0 $0xFFFFF80, s12  }
0x1b7: {  	s18 =	simm.s32 @!p0 $0x7000;
	s12 =	sadd.s32 @!p0 s0, s12  }
0x1b8: {  	(erf) = vrcp.f32 @!p1 v7;
	[tilespmem:s18], [sflag:$0x8] =	stream.strided.gather @!p0 [hbm4b:s12+s16], $0x1000, s17, s16, $0x38;
	[tilespmem:$0x10700] =	vst v63  }
0x1b9: {  	s12 =	spop @!p0 (v2sf)  }
0x1ba: {  	s12 =	sand.u32 @!p0 $0xFFFFF80, s12  }
0x1bb: {  	s18 =	simm.s32 @!p0 $0xF000;
	s12 =	sadd.s32 @!p0 s1, s12  }
0x1bc: {  	[tilespmem:s18], [sflag:$0x8] =	stream.strided.gather @!p0 [hbm4b:s12+s16], $0x1000, s17, s16, $0x38;
	[tilespmem:$0x10700] =	vst v63  }
0x1bd: {  	p0 =	sne.s32 s9, $0x200  }
.Ltmp0:
0x1be: {  	_ = 	snop;
	(pc) =	sbr.rel @p0 .LBB2_2-.Ltmp0, $3  }
0x1bf: {  	_ =	sdelay $0x1  }
0x1c0: {  	v7 =	vpop @!p1 (erf)  }
0x1c1: {  	s25 =	simm.s32 $0x0;
	s19 =	simm.s32 $0x8000;
	s16 =	smov.u32 s9;
	[tilespmem:s10+$0x10100] =	vst @!p1 v7  }
0x1c2: {  	s9 =	rddreg [dreg:$0xa];
	s2 =	simm.s32 $0x10100;
	s12 =	simm.s32 $0x9  }
0x1c3: {  	[hbm4b:s9+s25] =	stream.linear.scatter [tilespmem:s2], [sflag:$0x9], $0x200, $0x38;
	[tilespmem:$0x10700] =	vst v63  }
0x1c4: {  	_ =	swait.ge [sflag:s12], $0x200  }
0x1c5: {  	s10 =	rddreg [dreg:$0xc]  }
0x1c6: {  	s28 =	rddreg [dreg:$0xb];
	s10 =	sadd.s32 $0x1, s10  }
0x1c7: {  	s16 =	simm.s32 $0x1000;
	s17 =	simm.s32 $0x9000;
	p0 =	sne.s32 s10, s28  }
.Ltmp1:
0x1c8: {  	s18 =	simm.s32 $0x2000;
	s20 =	simm.s32 $0xA000;
	(pc) =	sbr.rel @p0 .LBB2_1-.Ltmp1, $4  }
0x1c9: {  	s21 =	simm.s32 $0x3000;
	s22 =	simm.s32 $0xB000;
	s23 =	simm.s32 $0x4000  }
0x1ca: {  	s24 =	simm.s32 $0xC000;
	s26 =	simm.s32 $0xD000;
	s5 =	simm.s32 $0xE000  }
0x1cb: {  	s6 =	simm.s32 $0x7000;
	s29 =	simm.s32 $0xF000;
	[sflag:s12] =	ssyncset.done $0x0  }
0x1cc: {  	s25 =	simm.s32 $0x5000;
	s2 =	simm.s32 $0x6000;
	[sflag:s12] =	ssyncadd.s32 $0xFFFFFE00  }
0x1cd: {  	_ =	sfence.sel $0x180000  }
0x1ce: {  	[bflag:$0x0] =	sbarrier.arrive $0xFFFF  }
0x1cf: {  	_ =	strace $0x90000047  }
0x1d0: {  	s0 =	stileid.u32;
	[bflag:$0x2] =	sbarrier.arrive $0xFFFF  }
0x1d1: {  	p0 =	sne.s32 s0, $0x0;
	s0 =	rddreg [dreg:$0x7]  }
0x1d2: {  	s0 =	sadd.s32 @!p0 $0x100000, s0  }
0x1d3: {  	[sflag:s0] =	ssyncadd.tile.s32 @!p0 $0x1;
	_ =	shalt  }
.Lfunc_end2:
_tile_overlayer_lowered:
.L_overlay_start_2:
0x1d4: {  	(tag) =	ssettag $0x2  }
0x1d5: {  	s0 =	rddreg [dreg:$0x0];
	s2 =	stileid.u32  }
0x1d6: {  	s1 =	rddreg [dreg:$0x1];
	p0 =	sne.s32 s2, $0x0  }
0x1d7: {  	s3 =	rddreg [dreg:$0x2];
	[bflag:$0x3] =	sbarrier.arrive $0xFFFF;
	s2 =	simm.s32 @!p0 $0x1C09  }
0x1d8: {  	[timem:s3], [sflag:s2] =	dma.local @!p0 [hbm:s0], s1  }
0x1d9: {  	s0 =	simm.s32 @!p0 $0x9  }
0x1da: {  	_ =	swait.ge @!p0 [sflag:s0], s1  }
0x1db: {  	s1 =	ssub.s32 @!p0 $0x0, s1;
	[sflag:s0] =	ssyncset.done @!p0 $0x0  }
0x1dc: {  	[sflag:s0] =	ssyncadd.s32 @!p0 s1  }
0x1dd: {  	[bflag:$0x3] =	sbarrier.arrive $0xFFFF  }
0x1de: {  	_ =	shalt  }

</sc_bundles>
